<compile_context>
chip_gen: v7x
topology: tpu7x:2x2x1
jax: 0.10.2.dev20260603
libtpu: 0.0.44.dev20260713+nightly
codegen_flags: <defaults>
</compile_context>

<pallas_src>
import functools

import jax
import jax.numpy as jnp
from jax import lax
from jax.experimental import pallas as pl
from jax.experimental.pallas import tpu as pltpu
from jax.experimental.pallas import tpu_sc as plsc

DIM = 256
N_TOK = 16384
N_CODES = 8192

RB = 1024
CB = 1024
NJ = N_CODES // CB

NC = 2
NS = 16
NW = NC * NS
ROWS_PER_W = N_TOK // NW
CHUNK = 128
N_CHUNKS = ROWS_PER_W // CHUNK


def _argmin_body(x_ref, e_ref, idx_ref, bestv_ref, besti_ref, *,
                 precision=None):
    j = pl.program_id(1)
    x = x_ref[...]
    e = e_ref[...]
    dot = jax.lax.dot_general(
        x, e, (((1,), (0,)), ((), ())),
        preferred_element_type=jnp.float32,
        precision=precision)
    x2 = jnp.sum(x * x, axis=1, keepdims=True)
    e2 = jnp.sum(e * e, axis=0, keepdims=True)
    dist = (x2 - 2.0 * dot) + e2
    m = jnp.min(dist, axis=1, keepdims=True)
    ii = lax.broadcasted_iota(jnp.int32, dist.shape, 1)
    loc = jnp.min(jnp.where(dist == m, ii, N_CODES), axis=1, keepdims=True)
    gi = loc + j * CB

    @pl.when(j == 0)
    def _init():
        bestv_ref[...] = m
        besti_ref[...] = gi

    @pl.when(j > 0)
    def _update():
        bv = bestv_ref[...]
        upd = m < bv
        besti_ref[...] = jnp.where(upd, gi, besti_ref[...])
        bestv_ref[...] = jnp.where(upd, m, bv)

    @pl.when(j == NJ - 1)
    def _emit():
        idx_ref[0, :, :] = besti_ref[...]


def _tc_argmin(xf, embedding, precision=None):
    out = pl.pallas_call(
        functools.partial(_argmin_body, precision=precision),
        grid=(N_TOK // RB, NJ),
        in_specs=[
            pl.BlockSpec((RB, DIM), lambda i, j: (i, 0)),
            pl.BlockSpec((DIM, CB), lambda i, j: (0, j)),
        ],
        out_specs=pl.BlockSpec((1, RB, 1), lambda i, j: (i, 0, 0)),
        out_shape=jax.ShapeDtypeStruct((N_TOK // RB, RB, 1), jnp.int32),
        scratch_shapes=[
            pltpu.VMEM((RB, 1), jnp.float32),
            pltpu.VMEM((RB, 1), jnp.int32),
        ],
        compiler_params=pltpu.CompilerParams(
            dimension_semantics=("arbitrary", "arbitrary")),
    )(xf, embedding)
    return out.reshape(N_TOK)


def _sc_gather_st(embT, idx, xf):
    mesh = plsc.VectorSubcoreMesh(core_axis_name="c", subcore_axis_name="s")

    @functools.partial(
        pl.kernel,
        mesh=mesh,
        out_type=[
            jax.ShapeDtypeStruct((N_TOK, DIM), jnp.float32),
            jax.ShapeDtypeStruct((NW, 16), jnp.float32),
        ],
        scratch_types=[
            pltpu.VMEM((CHUNK,), jnp.int32),
            pltpu.VMEM((CHUNK, DIM), jnp.float32),
            pltpu.VMEM((CHUNK, DIM), jnp.float32),
            pltpu.VMEM((16,), jnp.float32),
            pltpu.SemaphoreType.DMA,
        ],
    )
    def k(embT_hbm, idx_hbm, xf_hbm, out_hbm, part_hbm,
          idx_v, q_v, x_v, acc_v, sem):
        wid = lax.axis_index("s") * NC + lax.axis_index("c")
        base = wid * ROWS_PER_W
        acc = jnp.zeros((16,), jnp.float32)
        for c in range(N_CHUNKS):
            row0 = base + c * CHUNK
            pltpu.sync_copy(idx_hbm.at[pl.ds(row0, CHUNK)], idx_v)
            pltpu.async_copy(embT_hbm.at[idx_v], q_v, sem).wait()
            pltpu.sync_copy(xf_hbm.at[pl.ds(row0, CHUNK)], x_v)

            def row_body(r, a):
                for g in range(DIM // 16):
                    sl = pl.ds(g * 16, 16)
                    xv = x_v[r, sl]
                    qv = q_v[r, sl]
                    d = qv - xv
                    q_v[r, sl] = xv + d
                    a = a + d * d
                return a

            acc = lax.fori_loop(0, CHUNK, row_body, acc)
            pltpu.sync_copy(q_v, out_hbm.at[pl.ds(row0, CHUNK)])
        acc_v[...] = acc
        pltpu.sync_copy(acc_v, part_hbm.at[wid])

    return k(embT, idx, xf)


def kernel(x, embedding):
    xf = x.reshape(N_TOK, DIM)
    idx_flat = _tc_argmin(xf, embedding)
    embT = embedding.T
    quant_st_flat, parts = _sc_gather_st(embT, idx_flat, xf)
    loss = jnp.sum(parts) * (1.0 / (N_TOK * DIM))
    quantize_st = quant_st_flat.reshape(x.shape)
    indices = idx_flat.reshape(x.shape[:-1])
    return (quantize_st, loss, indices, loss)

# --- scband reference (transcript-rebuilt; emitter-appended) ---
"""Pipeline reference for scband-vector-quantization-33397665694417 (READ-ONLY COPY).

The authoritative reference and input builder live on the scoring server;
editing this copy changes nothing except your own understanding.
"""

import jax, jax.numpy as jnp
import numpy as np

DIM = 256
D_MODEL = 8192


def setup_inputs(seed: int = 0) -> dict:
    key = jax.random.key(seed)
    k1, k2 = jax.random.split(key)
    x = jax.random.normal(k1, (16, 1024, DIM), dtype=jnp.float32)
    # learned codebook buffer: embedding[dim, d_model]
    embedding = jax.random.normal(k2, (DIM, D_MODEL), dtype=jnp.float32)
    return {"x": x, "embedding": embedding}


def reference(x, embedding):
    dim = embedding.shape[0]
    flatten = x.reshape(-1, dim)
    # squared L2 distance to every code: [N, d_model]
    distance = (jnp.sum(flatten ** 2, axis=1, keepdims=True)
                - 2.0 * (flatten @ embedding)
                + jnp.sum(embedding ** 2, axis=0, keepdims=True))
    max_index = jnp.argmax(-distance, axis=1)
    indices = max_index.reshape(x.shape[:-1])
    # code_book: F.embedding(id, embedding.T) -> take rows of embedding.T
    quantize = jnp.take(embedding.T, indices, axis=0)
    quant_loss = jnp.mean((jax.lax.stop_gradient(x) - quantize) ** 2)
    commitment_loss = jnp.mean((jax.lax.stop_gradient(quantize) - x) ** 2)
    quantize_st = x + jax.lax.stop_gradient(quantize - x)
    return (quantize_st, quant_loss, indices, commitment_loss)

if __name__ == "__main__":
    import jax
    _d = setup_inputs()
    print(jax.jit(kernel)(*tuple(_d.values())))

</pallas_src>

<mosaic_0001>
#map = affine_map<(d0, d1) -> (0, 0)>
#map1 = affine_map<(d0, d1) -> (0)>
module attributes {stable_mosaic.version = 14 : i64} {
  func.func @k(%arg0: i32, %arg1: i32, %arg2: memref<8192x256xf32, #tpu.memory_space<hbm>>, %arg3: memref<16384xi32, #tpu.memory_space<hbm>>, %arg4: memref<16384x256xf32, #tpu.memory_space<hbm>>, %arg5: memref<16384x256xf32, #tpu.memory_space<hbm>>, %arg6: memref<32x16xf32, #tpu.memory_space<hbm>>, %arg7: memref<128xi32, #tpu.memory_space<vmem>>, %arg8: memref<128x256xf32, #tpu.memory_space<vmem>>, %arg9: memref<128x256xf32, #tpu.memory_space<vmem>>, %arg10: memref<16xf32, #tpu.memory_space<vmem>>, %arg11: memref<!tpu.dma_semaphore, #tpu.memory_space<semaphore_mem>>) attributes {dimension_semantics = [#tpu.dimension_semantics<core_parallel>, #tpu.dimension_semantics<subcore_parallel>], iteration_bounds = array<i64: 2, 16>, scalar_prefetch = 0 : i64, scratch_operands = 5 : i64, tpu.core_type = #tpu.core_type<sc_vector_subcore>, window_params = [{transform_indices = #map}, {transform_indices = #map1}, {transform_indices = #map}, {transform_indices = #map}, {transform_indices = #map}]} {
    %mul3A = arith.constant 2 : i32
    %mul3A_0 = arith.muli %arg1, %mul3A : i32
    %add3A = arith.addi %mul3A_0, %arg0 : i32
    %mul3A_1 = arith.constant 512 : i32
    %mul3A_2 = arith.muli %add3A, %mul3A_1 : i32
    %broadcast_in_dim3A = arith.constant 0.000000e+00 : f32
    %broadcast_in_dim3A_3 = vector.broadcast %broadcast_in_dim3A : f32 to vector<16xf32>
    %add3A_4 = arith.constant 0 : i32
    %add3A_5 = arith.addi %mul3A_2, %add3A_4 : i32
    "tpu.region"() ({
      %run_scoped3A = tpu.sem_alloc : memref<!tpu.dma_semaphore, #tpu.memory_space<semaphore_mem>>
      %dma_start3A_60 = tpu.memref_slice %arg3[%add3A_5] : memref<16384xi32, #tpu.memory_space<hbm>> -> memref<128xi32, #tpu.memory_space<hbm>>
      %dma_start3A_61 = tpu.memref_slice %arg3[%add3A_5] : memref<16384xi32, #tpu.memory_space<hbm>> -> memref<128xi32, #tpu.memory_space<hbm>>
      tpu.enqueue_dma source(%dma_start3A_61 : memref<128xi32, #tpu.memory_space<hbm>>) target(%arg7 : memref<128xi32, #tpu.memory_space<vmem>>) target_semaphore(%run_scoped3A : memref<!tpu.dma_semaphore, #tpu.memory_space<semaphore_mem>>)
      %dma_wait3A_62 = tpu.memref_slice %arg3[%add3A_5] : memref<16384xi32, #tpu.memory_space<hbm>> -> memref<128xi32, #tpu.memory_space<hbm>>
      %dma_wait3A_63 = tpu.memref_slice %arg3[%add3A_5] : memref<16384xi32, #tpu.memory_space<hbm>> -> memref<128xi32, #tpu.memory_space<hbm>>
      tpu.wait_dma2 semaphore(%run_scoped3A : memref<!tpu.dma_semaphore, #tpu.memory_space<semaphore_mem>>) src(%dma_wait3A_63 : memref<128xi32, #tpu.memory_space<hbm>>) dst(%arg7 : memref<128xi32, #tpu.memory_space<vmem>>)
      tpu.yield
    }) : () -> ()
    %dma_start3A = arith.constant 0 : i32
    %dma_start3A_6 = arith.constant 0 : i32
    %dma_start3A_7 = tpu.memref_slice %arg2[%dma_start3A, %dma_start3A_6] : memref<8192x256xf32, #tpu.memory_space<hbm>> -> memref<8192x256xf32, #tpu.memory_space<hbm>>
    tpu.enqueue_indirect_dma source(%dma_start3A_7 : memref<8192x256xf32, #tpu.memory_space<hbm>>) target(%arg8 : memref<128x256xf32, #tpu.memory_space<vmem>>) offsets(%arg7 : memref<128xi32, #tpu.memory_space<vmem>>) semaphore(%arg11 : memref<!tpu.dma_semaphore, #tpu.memory_space<semaphore_mem>>)
    %dma_wait3A = arith.constant 0 : i32
    %dma_wait3A_8 = arith.constant 0 : i32
    %dma_wait3A_9 = tpu.memref_slice %arg2[%dma_wait3A, %dma_wait3A_8] : memref<8192x256xf32, #tpu.memory_space<hbm>> -> memref<8192x256xf32, #tpu.memory_space<hbm>>
    tpu.wait_indirect_dma semaphore(%arg11 : memref<!tpu.dma_semaphore, #tpu.memory_space<semaphore_mem>>) src(%dma_wait3A_9 : memref<8192x256xf32, #tpu.memory_space<hbm>>) dst(%arg8 : memref<128x256xf32, #tpu.memory_space<vmem>>)
    "tpu.region"() ({
      %run_scoped3A = tpu.sem_alloc : memref<!tpu.dma_semaphore, #tpu.memory_space<semaphore_mem>>
      %dma_start3A_60 = arith.constant 0 : i32
      %dma_start3A_61 = tpu.memref_slice %arg4[%add3A_5, %dma_start3A_60] : memref<16384x256xf32, #tpu.memory_space<hbm>> -> memref<128x256xf32, #tpu.memory_space<hbm>>
      %dma_start3A_62 = arith.constant 0 : i32
      %dma_start3A_63 = tpu.memref_slice %arg4[%add3A_5, %dma_start3A_62] : memref<16384x256xf32, #tpu.memory_space<hbm>> -> memref<128x256xf32, #tpu.memory_space<hbm>>
      tpu.enqueue_dma source(%dma_start3A_63 : memref<128x256xf32, #tpu.memory_space<hbm>>) target(%arg9 : memref<128x256xf32, #tpu.memory_space<vmem>>) target_semaphore(%run_scoped3A : memref<!tpu.dma_semaphore, #tpu.memory_space<semaphore_mem>>)
      %dma_wait3A_64 = arith.constant 0 : i32
      %dma_wait3A_65 = tpu.memref_slice %arg4[%add3A_5, %dma_wait3A_64] : memref<16384x256xf32, #tpu.memory_space<hbm>> -> memref<128x256xf32, #tpu.memory_space<hbm>>
      %dma_wait3A_66 = arith.constant 0 : i32
      %dma_wait3A_67 = tpu.memref_slice %arg4[%add3A_5, %dma_wait3A_66] : memref<16384x256xf32, #tpu.memory_space<hbm>> -> memref<128x256xf32, #tpu.memory_space<hbm>>
      tpu.wait_dma2 semaphore(%run_scoped3A : memref<!tpu.dma_semaphore, #tpu.memory_space<semaphore_mem>>) src(%dma_wait3A_67 : memref<128x256xf32, #tpu.memory_space<hbm>>) dst(%arg9 : memref<128x256xf32, #tpu.memory_space<vmem>>)
      tpu.yield
    }) : () -> ()
    %scan3A = arith.constant 0 : i32
    %scan3A_10 = arith.constant 128 : i32
    %scan3A_11 = arith.addi %scan3A, %scan3A_10 : i32
    %scan3A_12 = arith.constant 1 : i32
    %scan3A_13 = scf.for %scan3A_60 = %scan3A to %scan3A_11 step %scan3A_12 iter_args(%scan3A_61 = %broadcast_in_dim3A_3) -> (vector<16xf32>)  : i32 {
      %get3A = arith.index_cast %scan3A_60 : i32 to index
      %get3A_62 = arith.constant 0 : index
      %get3A_63 = tpu.vector_load %arg9[%get3A, %get3A_62] {strides = array<i32>} : memref<128x256xf32, #tpu.memory_space<vmem>>, vector<1x16xf32>,
      %get3A_64 = vector.shape_cast %get3A_63 : vector<1x16xf32> to vector<16xf32>
      %get3A_65 = arith.index_cast %scan3A_60 : i32 to index
      %get3A_66 = arith.constant 0 : index
      %get3A_67 = tpu.vector_load %arg8[%get3A_65, %get3A_66] {strides = array<i32>} : memref<128x256xf32, #tpu.memory_space<vmem>>, vector<1x16xf32>,
      %get3A_68 = vector.shape_cast %get3A_67 : vector<1x16xf32> to vector<16xf32>
      %sub3A = arith.subf %get3A_68, %get3A_64 : vector<16xf32>
      %add3A_69 = arith.addf %get3A_64, %sub3A : vector<16xf32>
      %swap3A_70 = arith.index_cast %scan3A_60 : i32 to index
      %swap3A_71 = arith.constant 0 : index
      %swap3A_72 = tpu.vector_load %arg8[%swap3A_70, %swap3A_71] {strides = array<i32>} : memref<128x256xf32, #tpu.memory_space<vmem>>, vector<1x16xf32>,
      %swap3A_73 = vector.shape_cast %swap3A_72 : vector<1x16xf32> to vector<16xf32>
      %swap3A_74 = vector.shape_cast %add3A_69 : vector<16xf32> to vector<1x16xf32>
      tpu.vector_store %arg8[%swap3A_70, %swap3A_71], %swap3A_74 {strides = array<i32>} : memref<128x256xf32, #tpu.memory_space<vmem>>, vector<1x16xf32>,
      %mul3A_75 = arith.mulf %sub3A, %sub3A : vector<16xf32>
      %add3A_76 = arith.addf %scan3A_61, %mul3A_75 : vector<16xf32>
      %get3A_77 = arith.index_cast %scan3A_60 : i32 to index
      %get3A_78 = arith.constant 16 : index
      %get3A_79 = tpu.vector_load %arg9[%get3A_77, %get3A_78] {strides = array<i32>} : memref<128x256xf32, #tpu.memory_space<vmem>>, vector<1x16xf32>,
      %get3A_80 = vector.shape_cast %get3A_79 : vector<1x16xf32> to vector<16xf32>
      %get3A_81 = arith.index_cast %scan3A_60 : i32 to index
      %get3A_82 = arith.constant 16 : index
      %get3A_83 = tpu.vector_load %arg8[%get3A_81, %get3A_82] {strides = array<i32>} : memref<128x256xf32, #tpu.memory_space<vmem>>, vector<1x16xf32>,
      %get3A_84 = vector.shape_cast %get3A_83 : vector<1x16xf32> to vector<16xf32>
      %sub3A_85 = arith.subf %get3A_84, %get3A_80 : vector<16xf32>
      %add3A_86 = arith.addf %get3A_80, %sub3A_85 : vector<16xf32>
      %swap3A_87 = arith.index_cast %scan3A_60 : i32 to index
      %swap3A_88 = arith.constant 16 : index
      %swap3A_89 = tpu.vector_load %arg8[%swap3A_87, %swap3A_88] {strides = array<i32>} : memref<128x256xf32, #tpu.memory_space<vmem>>, vector<1x16xf32>,
      %swap3A_90 = vector.shape_cast %swap3A_89 : vector<1x16xf32> to vector<16xf32>
      %swap3A_91 = vector.shape_cast %add3A_86 : vector<16xf32> to vector<1x16xf32>
      tpu.vector_store %arg8[%swap3A_87, %swap3A_88], %swap3A_91 {strides = array<i32>} : memref<128x256xf32, #tpu.memory_space<vmem>>, vector<1x16xf32>,
      %mul3A_92 = arith.mulf %sub3A_85, %sub3A_85 : vector<16xf32>
      %add3A_93 = arith.addf %add3A_76, %mul3A_92 : vector<16xf32>
      %get3A_94 = arith.index_cast %scan3A_60 : i32 to index
      %get3A_95 = arith.constant 32 : index
      %get3A_96 = tpu.vector_load %arg9[%get3A_94, %get3A_95] {strides = array<i32>} : memref<128x256xf32, #tpu.memory_space<vmem>>, vector<1x16xf32>,
      %get3A_97 = vector.shape_cast %get3A_96 : vector<1x16xf32> to vector<16xf32>
      %get3A_98 = arith.index_cast %scan3A_60 : i32 to index
      %get3A_99 = arith.constant 32 : index
      %get3A_100 = tpu.vector_load %arg8[%get3A_98, %get3A_99] {strides = array<i32>} : memref<128x256xf32, #tpu.memory_space<vmem>>, vector<1x16xf32>,
      %get3A_101 = vector.shape_cast %get3A_100 : vector<1x16xf32> to vector<16xf32>
      %sub3A_102 = arith.subf %get3A_101, %get3A_97 : vector<16xf32>
      %add3A_103 = arith.addf %get3A_97, %sub3A_102 : vector<16xf32>
      %swap3A_104 = arith.index_cast %scan3A_60 : i32 to index
      %swap3A_105 = arith.constant 32 : index
      %swap3A_106 = tpu.vector_load %arg8[%swap3A_104, %swap3A_105] {strides = array<i32>} : memref<128x256xf32, #tpu.memory_space<vmem>>, vector<1x16xf32>,
      %swap3A_107 = vector.shape_cast %swap3A_106 : vector<1x16xf32> to vector<16xf32>
      %swap3A_108 = vector.shape_cast %add3A_103 : vector<16xf32> to vector<1x16xf32>
      tpu.vector_store %arg8[%swap3A_104, %swap3A_105], %swap3A_108 {strides = array<i32>} : memref<128x256xf32, #tpu.memory_space<vmem>>, vector<1x16xf32>,
      %mul3A_109 = arith.mulf %sub3A_102, %sub3A_102 : vector<16xf32>
      %add3A_110 = arith.addf %add3A_93, %mul3A_109 : vector<16xf32>
      %get3A_111 = arith.index_cast %scan3A_60 : i32 to index
      %get3A_112 = arith.constant 48 : index
      %get3A_113 = tpu.vector_load %arg9[%get3A_111, %get3A_112] {strides = array<i32>} : memref<128x256xf32, #tpu.memory_space<vmem>>, vector<1x16xf32>,
      %get3A_114 = vector.shape_cast %get3A_113 : vector<1x16xf32> to vector<16xf32>
      %get3A_115 = arith.index_cast %scan3A_60 : i32 to index
      %get3A_116 = arith.constant 48 : index
      %get3A_117 = tpu.vector_load %arg8[%get3A_115, %get3A_116] {strides = array<i32>} : memref<128x256xf32, #tpu.memory_space<vmem>>, vector<1x16xf32>,
      %get3A_118 = vector.shape_cast %get3A_117 : vector<1x16xf32> to vector<16xf32>
      %sub3A_119 = arith.subf %get3A_118, %get3A_114 : vector<16xf32>
      %add3A_120 = arith.addf %get3A_114, %sub3A_119 : vector<16xf32>
      %swap3A_121 = arith.index_cast %scan3A_60 : i32 to index
      %swap3A_122 = arith.constant 48 : index
      %swap3A_123 = tpu.vector_load %arg8[%swap3A_121, %swap3A_122] {strides = array<i32>} : memref<128x256xf32, #tpu.memory_space<vmem>>, vector<1x16xf32>,
      %swap3A_124 = vector.shape_cast %swap3A_123 : vector<1x16xf32> to vector<16xf32>
      %swap3A_125 = vector.shape_cast %add3A_120 : vector<16xf32> to vector<1x16xf32>
      tpu.vector_store %arg8[%swap3A_121, %swap3A_122], %swap3A_125 {strides = array<i32>} : memref<128x256xf32, #tpu.memory_space<vmem>>, vector<1x16xf32>,
      %mul3A_126 = arith.mulf %sub3A_119, %sub3A_119 : vector<16xf32>
      %add3A_127 = arith.addf %add3A_110, %mul3A_126 : vector<16xf32>
      %get3A_128 = arith.index_cast %scan3A_60 : i32 to index
      %get3A_129 = arith.constant 64 : index
      %get3A_130 = tpu.vector_load %arg9[%get3A_128, %get3A_129] {strides = array<i32>} : memref<128x256xf32, #tpu.memory_space<vmem>>, vector<1x16xf32>,
      %get3A_131 = vector.shape_cast %get3A_130 : vector<1x16xf32> to vector<16xf32>
      %get3A_132 = arith.index_cast %scan3A_60 : i32 to index
      %get3A_133 = arith.constant 64 : index
      %get3A_134 = tpu.vector_load %arg8[%get3A_132, %get3A_133] {strides = array<i32>} : memref<128x256xf32, #tpu.memory_space<vmem>>, vector<1x16xf32>,
      %get3A_135 = vector.shape_cast %get3A_134 : vector<1x16xf32> to vector<16xf32>
      %sub3A_136 = arith.subf %get3A_135, %get3A_131 : vector<16xf32>
      %add3A_137 = arith.addf %get3A_131, %sub3A_136 : vector<16xf32>
      %swap3A_138 = arith.index_cast %scan3A_60 : i32 to index
      %swap3A_139 = arith.constant 64 : index
      %swap3A_140 = tpu.vector_load %arg8[%swap3A_138, %swap3A_139] {strides = array<i32>} : memref<128x256xf32, #tpu.memory_space<vmem>>, vector<1x16xf32>,
      %swap3A_141 = vector.shape_cast %swap3A_140 : vector<1x16xf32> to vector<16xf32>
      %swap3A_142 = vector.shape_cast %add3A_137 : vector<16xf32> to vector<1x16xf32>
      tpu.vector_store %arg8[%swap3A_138, %swap3A_139], %swap3A_142 {strides = array<i32>} : memref<128x256xf32, #tpu.memory_space<vmem>>, vector<1x16xf32>,
      %mul3A_143 = arith.mulf %sub3A_136, %sub3A_136 : vector<16xf32>
      %add3A_144 = arith.addf %add3A_127, %mul3A_143 : vector<16xf32>
      %get3A_145 = arith.index_cast %scan3A_60 : i32 to index
      %get3A_146 = arith.constant 80 : index
      %get3A_147 = tpu.vector_load %arg9[%get3A_145, %get3A_146] {strides = array<i32>} : memref<128x256xf32, #tpu.memory_space<vmem>>, vector<1x16xf32>,
      %get3A_148 = vector.shape_cast %get3A_147 : vector<1x16xf32> to vector<16xf32>
      %get3A_149 = arith.index_cast %scan3A_60 : i32 to index
      %get3A_150 = arith.constant 80 : index
      %get3A_151 = tpu.vector_load %arg8[%get3A_149, %get3A_150] {strides = array<i32>} : memref<128x256xf32, #tpu.memory_space<vmem>>, vector<1x16xf32>,
      %get3A_152 = vector.shape_cast %get3A_151 : vector<1x16xf32> to vector<16xf32>
      %sub3A_153 = arith.subf %get3A_152, %get3A_148 : vector<16xf32>
      %add3A_154 = arith.addf %get3A_148, %sub3A_153 : vector<16xf32>
      %swap3A_155 = arith.index_cast %scan3A_60 : i32 to index
      %swap3A_156 = arith.constant 80 : index
      %swap3A_157 = tpu.vector_load %arg8[%swap3A_155, %swap3A_156] {strides = array<i32>} : memref<128x256xf32, #tpu.memory_space<vmem>>, vector<1x16xf32>,
      %swap3A_158 = vector.shape_cast %swap3A_157 : vector<1x16xf32> to vector<16xf32>
      %swap3A_159 = vector.shape_cast %add3A_154 : vector<16xf32> to vector<1x16xf32>
      tpu.vector_store %arg8[%swap3A_155, %swap3A_156], %swap3A_159 {strides = array<i32>} : memref<128x256xf32, #tpu.memory_space<vmem>>, vector<1x16xf32>,
      %mul3A_160 = arith.mulf %sub3A_153, %sub3A_153 : vector<16xf32>
      %add3A_161 = arith.addf %add3A_144, %mul3A_160 : vector<16xf32>
      %get3A_162 = arith.index_cast %scan3A_60 : i32 to index
      %get3A_163 = arith.constant 96 : index
      %get3A_164 = tpu.vector_load %arg9[%get3A_162, %get3A_163] {strides = array<i32>} : memref<128x256xf32, #tpu.memory_space<vmem>>, vector<1x16xf32>,
      %get3A_165 = vector.shape_cast %get3A_164 : vector<1x16xf32> to vector<16xf32>
      %get3A_166 = arith.index_cast %scan3A_60 : i32 to index
      %get3A_167 = arith.constant 96 : index
      %get3A_168 = tpu.vector_load %arg8[%get3A_166, %get3A_167] {strides = array<i32>} : memref<128x256xf32, #tpu.memory_space<vmem>>, vector<1x16xf32>,
      %get3A_169 = vector.shape_cast %get3A_168 : vector<1x16xf32> to vector<16xf32>
      %sub3A_170 = arith.subf %get3A_169, %get3A_165 : vector<16xf32>
      %add3A_171 = arith.addf %get3A_165, %sub3A_170 : vector<16xf32>
      %swap3A_172 = arith.index_cast %scan3A_60 : i32 to index
      %swap3A_173 = arith.constant 96 : index
      %swap3A_174 = tpu.vector_load %arg8[%swap3A_172, %swap3A_173] {strides = array<i32>} : memref<128x256xf32, #tpu.memory_space<vmem>>, vector<1x16xf32>,
      %swap3A_175 = vector.shape_cast %swap3A_174 : vector<1x16xf32> to vector<16xf32>
      %swap3A_176 = vector.shape_cast %add3A_171 : vector<16xf32> to vector<1x16xf32>
      tpu.vector_store %arg8[%swap3A_172, %swap3A_173], %swap3A_176 {strides = array<i32>} : memref<128x256xf32, #tpu.memory_space<vmem>>, vector<1x16xf32>,
      %mul3A_177 = arith.mulf %sub3A_170, %sub3A_170 : vector<16xf32>
      %add3A_178 = arith.addf %add3A_161, %mul3A_177 : vector<16xf32>
      %get3A_179 = arith.index_cast %scan3A_60 : i32 to index
      %get3A_180 = arith.constant 112 : index
      %get3A_181 = tpu.vector_load %arg9[%get3A_179, %get3A_180] {strides = array<i32>} : memref<128x256xf32, #tpu.memory_space<vmem>>, vector<1x16xf32>,
      %get3A_182 = vector.shape_cast %get3A_181 : vector<1x16xf32> to vector<16xf32>
      %get3A_183 = arith.index_cast %scan3A_60 : i32 to index
      %get3A_184 = arith.constant 112 : index
      %get3A_185 = tpu.vector_load %arg8[%get3A_183, %get3A_184] {strides = array<i32>} : memref<128x256xf32, #tpu.memory_space<vmem>>, vector<1x16xf32>,
      %get3A_186 = vector.shape_cast %get3A_185 : vector<1x16xf32> to vector<16xf32>
      %sub3A_187 = arith.subf %get3A_186, %get3A_182 : vector<16xf32>
      %add3A_188 = arith.addf %get3A_182, %sub3A_187 : vector<16xf32>
      %swap3A_189 = arith.index_cast %scan3A_60 : i32 to index
      %swap3A_190 = arith.constant 112 : index
      %swap3A_191 = tpu.vector_load %arg8[%swap3A_189, %swap3A_190] {strides = array<i32>} : memref<128x256xf32, #tpu.memory_space<vmem>>, vector<1x16xf32>,
      %swap3A_192 = vector.shape_cast %swap3A_191 : vector<1x16xf32> to vector<16xf32>
      %swap3A_193 = vector.shape_cast %add3A_188 : vector<16xf32> to vector<1x16xf32>
      tpu.vector_store %arg8[%swap3A_189, %swap3A_190], %swap3A_193 {strides = array<i32>} : memref<128x256xf32, #tpu.memory_space<vmem>>, vector<1x16xf32>,
      %mul3A_194 = arith.mulf %sub3A_187, %sub3A_187 : vector<16xf32>
      %add3A_195 = arith.addf %add3A_178, %mul3A_194 : vector<16xf32>
      %get3A_196 = arith.index_cast %scan3A_60 : i32 to index
      %get3A_197 = arith.constant 128 : index
      %get3A_198 = tpu.vector_load %arg9[%get3A_196, %get3A_197] {strides = array<i32>} : memref<128x256xf32, #tpu.memory_space<vmem>>, vector<1x16xf32>,
      %get3A_199 = vector.shape_cast %get3A_198 : vector<1x16xf32> to vector<16xf32>
      %get3A_200 = arith.index_cast %scan3A_60 : i32 to index
      %get3A_201 = arith.constant 128 : index
      %get3A_202 = tpu.vector_load %arg8[%get3A_200, %get3A_201] {strides = array<i32>} : memref<128x256xf32, #tpu.memory_space<vmem>>, vector<1x16xf32>,
      %get3A_203 = vector.shape_cast %get3A_202 : vector<1x16xf32> to vector<16xf32>
      %sub3A_204 = arith.subf %get3A_203, %get3A_199 : vector<16xf32>
      %add3A_205 = arith.addf %get3A_199, %sub3A_204 : vector<16xf32>
      %swap3A_206 = arith.index_cast %scan3A_60 : i32 to index
      %swap3A_207 = arith.constant 128 : index
      %swap3A_208 = tpu.vector_load %arg8[%swap3A_206, %swap3A_207] {strides = array<i32>} : memref<128x256xf32, #tpu.memory_space<vmem>>, vector<1x16xf32>,
      %swap3A_209 = vector.shape_cast %swap3A_208 : vector<1x16xf32> to vector<16xf32>
      %swap3A_210 = vector.shape_cast %add3A_205 : vector<16xf32> to vector<1x16xf32>
      tpu.vector_store %arg8[%swap3A_206, %swap3A_207], %swap3A_210 {strides = array<i32>} : memref<128x256xf32, #tpu.memory_space<vmem>>, vector<1x16xf32>,
      %mul3A_211 = arith.mulf %sub3A_204, %sub3A_204 : vector<16xf32>
      %add3A_212 = arith.addf %add3A_195, %mul3A_211 : vector<16xf32>
      %get3A_213 = arith.index_cast %scan3A_60 : i32 to index
      %get3A_214 = arith.constant 144 : index
      %get3A_215 = tpu.vector_load %arg9[%get3A_213, %get3A_214] {strides = array<i32>} : memref<128x256xf32, #tpu.memory_space<vmem>>, vector<1x16xf32>,
      %get3A_216 = vector.shape_cast %get3A_215 : vector<1x16xf32> to vector<16xf32>
      %get3A_217 = arith.index_cast %scan3A_60 : i32 to index
      %get3A_218 = arith.constant 144 : index
      %get3A_219 = tpu.vector_load %arg8[%get3A_217, %get3A_218] {strides = array<i32>} : memref<128x256xf32, #tpu.memory_space<vmem>>, vector<1x16xf32>,
      %get3A_220 = vector.shape_cast %get3A_219 : vector<1x16xf32> to vector<16xf32>
      %sub3A_221 = arith.subf %get3A_220, %get3A_216 : vector<16xf32>
      %add3A_222 = arith.addf %get3A_216, %sub3A_221 : vector<16xf32>
      %swap3A_223 = arith.index_cast %scan3A_60 : i32 to index
      %swap3A_224 = arith.constant 144 : index
      %swap3A_225 = tpu.vector_load %arg8[%swap3A_223, %swap3A_224] {strides = array<i32>} : memref<128x256xf32, #tpu.memory_space<vmem>>, vector<1x16xf32>,
      %swap3A_226 = vector.shape_cast %swap3A_225 : vector<1x16xf32> to vector<16xf32>
      %swap3A_227 = vector.shape_cast %add3A_222 : vector<16xf32> to vector<1x16xf32>
      tpu.vector_store %arg8[%swap3A_223, %swap3A_224], %swap3A_227 {strides = array<i32>} : memref<128x256xf32, #tpu.memory_space<vmem>>, vector<1x16xf32>,
      %mul3A_228 = arith.mulf %sub3A_221, %sub3A_221 : vector<16xf32>
      %add3A_229 = arith.addf %add3A_212, %mul3A_228 : vector<16xf32>
      %get3A_230 = arith.index_cast %scan3A_60 : i32 to index
      %get3A_231 = arith.constant 160 : index
      %get3A_232 = tpu.vector_load %arg9[%get3A_230, %get3A_231] {strides = array<i32>} : memref<128x256xf32, #tpu.memory_space<vmem>>, vector<1x16xf32>,
      %get3A_233 = vector.shape_cast %get3A_232 : vector<1x16xf32> to vector<16xf32>
      %get3A_234 = arith.index_cast %scan3A_60 : i32 to index
      %get3A_235 = arith.constant 160 : index
      %get3A_236 = tpu.vector_load %arg8[%get3A_234, %get3A_235] {strides = array<i32>} : memref<128x256xf32, #tpu.memory_space<vmem>>, vector<1x16xf32>,
      %get3A_237 = vector.shape_cast %get3A_236 : vector<1x16xf32> to vector<16xf32>
      %sub3A_238 = arith.subf %get3A_237, %get3A_233 : vector<16xf32>
      %add3A_239 = arith.addf %get3A_233, %sub3A_238 : vector<16xf32>
      %swap3A_240 = arith.index_cast %scan3A_60 : i32 to index
      %swap3A_241 = arith.constant 160 : index
      %swap3A_242 = tpu.vector_load %arg8[%swap3A_240, %swap3A_241] {strides = array<i32>} : memref<128x256xf32, #tpu.memory_space<vmem>>, vector<1x16xf32>,
      %swap3A_243 = vector.shape_cast %swap3A_242 : vector<1x16xf32> to vector<16xf32>
      %swap3A_244 = vector.shape_cast %add3A_239 : vector<16xf32> to vector<1x16xf32>
      tpu.vector_store %arg8[%swap3A_240, %swap3A_241], %swap3A_244 {strides = array<i32>} : memref<128x256xf32, #tpu.memory_space<vmem>>, vector<1x16xf32>,
      %mul3A_245 = arith.mulf %sub3A_238, %sub3A_238 : vector<16xf32>
      %add3A_246 = arith.addf %add3A_229, %mul3A_245 : vector<16xf32>
      %get3A_247 = arith.index_cast %scan3A_60 : i32 to index
      %get3A_248 = arith.constant 176 : index
      %get3A_249 = tpu.vector_load %arg9[%get3A_247, %get3A_248] {strides = array<i32>} : memref<128x256xf32, #tpu.memory_space<vmem>>, vector<1x16xf32>,
      %get3A_250 = vector.shape_cast %get3A_249 : vector<1x16xf32> to vector<16xf32>
      %get3A_251 = arith.index_cast %scan3A_60 : i32 to index
      %get3A_252 = arith.constant 176 : index
      %get3A_253 = tpu.vector_load %arg8[%get3A_251, %get3A_252] {strides = array<i32>} : memref<128x256xf32, #tpu.memory_space<vmem>>, vector<1x16xf32>,
      %get3A_254 = vector.shape_cast %get3A_253 : vector<1x16xf32> to vector<16xf32>
      %sub3A_255 = arith.subf %get3A_254, %get3A_250 : vector<16xf32>
      %add3A_256 = arith.addf %get3A_250, %sub3A_255 : vector<16xf32>
      %swap3A_257 = arith.index_cast %scan3A_60 : i32 to index
      %swap3A_258 = arith.constant 176 : index
      %swap3A_259 = tpu.vector_load %arg8[%swap3A_257, %swap3A_258] {strides = array<i32>} : memref<128x256xf32, #tpu.memory_space<vmem>>, vector<1x16xf32>,
      %swap3A_260 = vector.shape_cast %swap3A_259 : vector<1x16xf32> to vector<16xf32>
      %swap3A_261 = vector.shape_cast %add3A_256 : vector<16xf32> to vector<1x16xf32>
      tpu.vector_store %arg8[%swap3A_257, %swap3A_258], %swap3A_261 {strides = array<i32>} : memref<128x256xf32, #tpu.memory_space<vmem>>, vector<1x16xf32>,
      %mul3A_262 = arith.mulf %sub3A_255, %sub3A_255 : vector<16xf32>
      %add3A_263 = arith.addf %add3A_246, %mul3A_262 : vector<16xf32>
      %get3A_264 = arith.index_cast %scan3A_60 : i32 to index
      %get3A_265 = arith.constant 192 : index
      %get3A_266 = tpu.vector_load %arg9[%get3A_264, %get3A_265] {strides = array<i32>} : memref<128x256xf32, #tpu.memory_space<vmem>>, vector<1x16xf32>,
      %get3A_267 = vector.shape_cast %get3A_266 : vector<1x16xf32> to vector<16xf32>
      %get3A_268 = arith.index_cast %scan3A_60 : i32 to index
      %get3A_269 = arith.constant 192 : index
      %get3A_270 = tpu.vector_load %arg8[%get3A_268, %get3A_269] {strides = array<i32>} : memref<128x256xf32, #tpu.memory_space<vmem>>, vector<1x16xf32>,
      %get3A_271 = vector.shape_cast %get3A_270 : vector<1x16xf32> to vector<16xf32>
      %sub3A_272 = arith.subf %get3A_271, %get3A_267 : vector<16xf32>
      %add3A_273 = arith.addf %get3A_267, %sub3A_272 : vector<16xf32>
      %swap3A_274 = arith.index_cast %scan3A_60 : i32 to index
      %swap3A_275 = arith.constant 192 : index
      %swap3A_276 = tpu.vector_load %arg8[%swap3A_274, %swap3A_275] {strides = array<i32>} : memref<128x256xf32, #tpu.memory_space<vmem>>, vector<1x16xf32>,
      %swap3A_277 = vector.shape_cast %swap3A_276 : vector<1x16xf32> to vector<16xf32>
      %swap3A_278 = vector.shape_cast %add3A_273 : vector<16xf32> to vector<1x16xf32>
      tpu.vector_store %arg8[%swap3A_274, %swap3A_275], %swap3A_278 {strides = array<i32>} : memref<128x256xf32, #tpu.memory_space<vmem>>, vector<1x16xf32>,
      %mul3A_279 = arith.mulf %sub3A_272, %sub3A_272 : vector<16xf32>
      %add3A_280 = arith.addf %add3A_263, %mul3A_279 : vector<16xf32>
      %get3A_281 = arith.index_cast %scan3A_60 : i32 to index
      %get3A_282 = arith.constant 208 : index
      %get3A_283 = tpu.vector_load %arg9[%get3A_281, %get3A_282] {strides = array<i32>} : memref<128x256xf32, #tpu.memory_space<vmem>>, vector<1x16xf32>,
      %get3A_284 = vector.shape_cast %get3A_283 : vector<1x16xf32> to vector<16xf32>
      %get3A_285 = arith.index_cast %scan3A_60 : i32 to index
      %get3A_286 = arith.constant 208 : index
      %get3A_287 = tpu.vector_load %arg8[%get3A_285, %get3A_286] {strides = array<i32>} : memref<128x256xf32, #tpu.memory_space<vmem>>, vector<1x16xf32>,
      %get3A_288 = vector.shape_cast %get3A_287 : vector<1x16xf32> to vector<16xf32>
      %sub3A_289 = arith.subf %get3A_288, %get3A_284 : vector<16xf32>
      %add3A_290 = arith.addf %get3A_284, %sub3A_289 : vector<16xf32>
      %swap3A_291 = arith.index_cast %scan3A_60 : i32 to index
      %swap3A_292 = arith.constant 208 : index
      %swap3A_293 = tpu.vector_load %arg8[%swap3A_291, %swap3A_292] {strides = array<i32>} : memref<128x256xf32, #tpu.memory_space<vmem>>, vector<1x16xf32>,
      %swap3A_294 = vector.shape_cast %swap3A_293 : vector<1x16xf32> to vector<16xf32>
      %swap3A_295 = vector.shape_cast %add3A_290 : vector<16xf32> to vector<1x16xf32>
      tpu.vector_store %arg8[%swap3A_291, %swap3A_292], %swap3A_295 {strides = array<i32>} : memref<128x256xf32, #tpu.memory_space<vmem>>, vector<1x16xf32>,
      %mul3A_296 = arith.mulf %sub3A_289, %sub3A_289 : vector<16xf32>
      %add3A_297 = arith.addf %add3A_280, %mul3A_296 : vector<16xf32>
      %get3A_298 = arith.index_cast %scan3A_60 : i32 to index
      %get3A_299 = arith.constant 224 : index
      %get3A_300 = tpu.vector_load %arg9[%get3A_298, %get3A_299] {strides = array<i32>} : memref<128x256xf32, #tpu.memory_space<vmem>>, vector<1x16xf32>,
      %get3A_301 = vector.shape_cast %get3A_300 : vector<1x16xf32> to vector<16xf32>
      %get3A_302 = arith.index_cast %scan3A_60 : i32 to index
      %get3A_303 = arith.constant 224 : index
      %get3A_304 = tpu.vector_load %arg8[%get3A_302, %get3A_303] {strides = array<i32>} : memref<128x256xf32, #tpu.memory_space<vmem>>, vector<1x16xf32>,
      %get3A_305 = vector.shape_cast %get3A_304 : vector<1x16xf32> to vector<16xf32>
      %sub3A_306 = arith.subf %get3A_305, %get3A_301 : vector<16xf32>
      %add3A_307 = arith.addf %get3A_301, %sub3A_306 : vector<16xf32>
      %swap3A_308 = arith.index_cast %scan3A_60 : i32 to index
      %swap3A_309 = arith.constant 224 : index
      %swap3A_310 = tpu.vector_load %arg8[%swap3A_308, %swap3A_309] {strides = array<i32>} : memref<128x256xf32, #tpu.memory_space<vmem>>, vector<1x16xf32>,
      %swap3A_311 = vector.shape_cast %swap3A_310 : vector<1x16xf32> to vector<16xf32>
      %swap3A_312 = vector.shape_cast %add3A_307 : vector<16xf32> to vector<1x16xf32>
      tpu.vector_store %arg8[%swap3A_308, %swap3A_309], %swap3A_312 {strides = array<i32>} : memref<128x256xf32, #tpu.memory_space<vmem>>, vector<1x16xf32>,
      %mul3A_313 = arith.mulf %sub3A_306, %sub3A_306 : vector<16xf32>
      %add3A_314 = arith.addf %add3A_297, %mul3A_313 : vector<16xf32>
      %get3A_315 = arith.index_cast %scan3A_60 : i32 to index
      %get3A_316 = arith.constant 240 : index
      %get3A_317 = tpu.vector_load %arg9[%get3A_315, %get3A_316] {strides = array<i32>} : memref<128x256xf32, #tpu.memory_space<vmem>>, vector<1x16xf32>,
      %get3A_318 = vector.shape_cast %get3A_317 : vector<1x16xf32> to vector<16xf32>
      %get3A_319 = arith.index_cast %scan3A_60 : i32 to index
      %get3A_320 = arith.constant 240 : index
      %get3A_321 = tpu.vector_load %arg8[%get3A_319, %get3A_320] {strides = array<i32>} : memref<128x256xf32, #tpu.memory_space<vmem>>, vector<1x16xf32>,
      %get3A_322 = vector.shape_cast %get3A_321 : vector<1x16xf32> to vector<16xf32>
      %sub3A_323 = arith.subf %get3A_322, %get3A_318 : vector<16xf32>
      %add3A_324 = arith.addf %get3A_318, %sub3A_323 : vector<16xf32>
      %swap3A_325 = arith.index_cast %scan3A_60 : i32 to index
      %swap3A_326 = arith.constant 240 : index
      %swap3A_327 = tpu.vector_load %arg8[%swap3A_325, %swap3A_326] {strides = array<i32>} : memref<128x256xf32, #tpu.memory_space<vmem>>, vector<1x16xf32>,
      %swap3A_328 = vector.shape_cast %swap3A_327 : vector<1x16xf32> to vector<16xf32>
      %swap3A_329 = vector.shape_cast %add3A_324 : vector<16xf32> to vector<1x16xf32>
      tpu.vector_store %arg8[%swap3A_325, %swap3A_326], %swap3A_329 {strides = array<i32>} : memref<128x256xf32, #tpu.memory_space<vmem>>, vector<1x16xf32>,
      %mul3A_330 = arith.mulf %sub3A_323, %sub3A_323 : vector<16xf32>
      %add3A_331 = arith.addf %add3A_314, %mul3A_330 : vector<16xf32>
      scf.yield %add3A_331 : vector<16xf32>
    }
    %scan3A_14 = arith.constant 128 : i32
    "tpu.region"() ({
      %run_scoped3A = tpu.sem_alloc : memref<!tpu.dma_semaphore, #tpu.memory_space<semaphore_mem>>
      %dma_start3A_60 = arith.constant 0 : i32
      %dma_start3A_61 = tpu.memref_slice %arg5[%add3A_5, %dma_start3A_60] : memref<16384x256xf32, #tpu.memory_space<hbm>> -> memref<128x256xf32, #tpu.memory_space<hbm>>
      %dma_start3A_62 = arith.constant 0 : i32
      %dma_start3A_63 = tpu.memref_slice %arg5[%add3A_5, %dma_start3A_62] : memref<16384x256xf32, #tpu.memory_space<hbm>> -> memref<128x256xf32, #tpu.memory_space<hbm>>
      tpu.enqueue_dma source(%arg8 : memref<128x256xf32, #tpu.memory_space<vmem>>) target(%dma_start3A_63 : memref<128x256xf32, #tpu.memory_space<hbm>>) target_semaphore(%run_scoped3A : memref<!tpu.dma_semaphore, #tpu.memory_space<semaphore_mem>>)
      %dma_wait3A_64 = arith.constant 0 : i32
      %dma_wait3A_65 = tpu.memref_slice %arg5[%add3A_5, %dma_wait3A_64] : memref<16384x256xf32, #tpu.memory_space<hbm>> -> memref<128x256xf32, #tpu.memory_space<hbm>>
      %dma_wait3A_66 = arith.constant 0 : i32
      %dma_wait3A_67 = tpu.memref_slice %arg5[%add3A_5, %dma_wait3A_66] : memref<16384x256xf32, #tpu.memory_space<hbm>> -> memref<128x256xf32, #tpu.memory_space<hbm>>
      tpu.wait_dma2 semaphore(%run_scoped3A : memref<!tpu.dma_semaphore, #tpu.memory_space<semaphore_mem>>) src(%arg8 : memref<128x256xf32, #tpu.memory_space<vmem>>) dst(%dma_wait3A_67 : memref<128x256xf32, #tpu.memory_space<hbm>>)
      tpu.yield
    }) : () -> ()
    %add3A_15 = arith.constant 128 : i32
    %add3A_16 = arith.addi %mul3A_2, %add3A_15 : i32
    "tpu.region"() ({
      %run_scoped3A = tpu.sem_alloc : memref<!tpu.dma_semaphore, #tpu.memory_space<semaphore_mem>>
      %dma_start3A_60 = tpu.memref_slice %arg3[%add3A_16] : memref<16384xi32, #tpu.memory_space<hbm>> -> memref<128xi32, #tpu.memory_space<hbm>>
      %dma_start3A_61 = tpu.memref_slice %arg3[%add3A_16] : memref<16384xi32, #tpu.memory_space<hbm>> -> memref<128xi32, #tpu.memory_space<hbm>>
      tpu.enqueue_dma source(%dma_start3A_61 : memref<128xi32, #tpu.memory_space<hbm>>) target(%arg7 : memref<128xi32, #tpu.memory_space<vmem>>) target_semaphore(%run_scoped3A : memref<!tpu.dma_semaphore, #tpu.memory_space<semaphore_mem>>)
      %dma_wait3A_62 = tpu.memref_slice %arg3[%add3A_16] : memref<16384xi32, #tpu.memory_space<hbm>> -> memref<128xi32, #tpu.memory_space<hbm>>
      %dma_wait3A_63 = tpu.memref_slice %arg3[%add3A_16] : memref<16384xi32, #tpu.memory_space<hbm>> -> memref<128xi32, #tpu.memory_space<hbm>>
      tpu.wait_dma2 semaphore(%run_scoped3A : memref<!tpu.dma_semaphore, #tpu.memory_space<semaphore_mem>>) src(%dma_wait3A_63 : memref<128xi32, #tpu.memory_space<hbm>>) dst(%arg7 : memref<128xi32, #tpu.memory_space<vmem>>)
      tpu.yield
    }) : () -> ()
    %dma_start3A_17 = arith.constant 0 : i32
    %dma_start3A_18 = arith.constant 0 : i32
    %dma_start3A_19 = tpu.memref_slice %arg2[%dma_start3A_17, %dma_start3A_18] : memref<8192x256xf32, #tpu.memory_space<hbm>> -> memref<8192x256xf32, #tpu.memory_space<hbm>>
    tpu.enqueue_indirect_dma source(%dma_start3A_19 : memref<8192x256xf32, #tpu.memory_space<hbm>>) target(%arg8 : memref<128x256xf32, #tpu.memory_space<vmem>>) offsets(%arg7 : memref<128xi32, #tpu.memory_space<vmem>>) semaphore(%arg11 : memref<!tpu.dma_semaphore, #tpu.memory_space<semaphore_mem>>)
    %dma_wait3A_20 = arith.constant 0 : i32
    %dma_wait3A_21 = arith.constant 0 : i32
    %dma_wait3A_22 = tpu.memref_slice %arg2[%dma_wait3A_20, %dma_wait3A_21] : memref<8192x256xf32, #tpu.memory_space<hbm>> -> memref<8192x256xf32, #tpu.memory_space<hbm>>
    tpu.wait_indirect_dma semaphore(%arg11 : memref<!tpu.dma_semaphore, #tpu.memory_space<semaphore_mem>>) src(%dma_wait3A_22 : memref<8192x256xf32, #tpu.memory_space<hbm>>) dst(%arg8 : memref<128x256xf32, #tpu.memory_space<vmem>>)
    "tpu.region"() ({
      %run_scoped3A = tpu.sem_alloc : memref<!tpu.dma_semaphore, #tpu.memory_space<semaphore_mem>>
      %dma_start3A_60 = arith.constant 0 : i32
      %dma_start3A_61 = tpu.memref_slice %arg4[%add3A_16, %dma_start3A_60] : memref<16384x256xf32, #tpu.memory_space<hbm>> -> memref<128x256xf32, #tpu.memory_space<hbm>>
      %dma_start3A_62 = arith.constant 0 : i32
      %dma_start3A_63 = tpu.memref_slice %arg4[%add3A_16, %dma_start3A_62] : memref<16384x256xf32, #tpu.memory_space<hbm>> -> memref<128x256xf32, #tpu.memory_space<hbm>>
      tpu.enqueue_dma source(%dma_start3A_63 : memref<128x256xf32, #tpu.memory_space<hbm>>) target(%arg9 : memref<128x256xf32, #tpu.memory_space<vmem>>) target_semaphore(%run_scoped3A : memref<!tpu.dma_semaphore, #tpu.memory_space<semaphore_mem>>)
      %dma_wait3A_64 = arith.constant 0 : i32
      %dma_wait3A_65 = tpu.memref_slice %arg4[%add3A_16, %dma_wait3A_64] : memref<16384x256xf32, #tpu.memory_space<hbm>> -> memref<128x256xf32, #tpu.memory_space<hbm>>
      %dma_wait3A_66 = arith.constant 0 : i32
      %dma_wait3A_67 = tpu.memref_slice %arg4[%add3A_16, %dma_wait3A_66] : memref<16384x256xf32, #tpu.memory_space<hbm>> -> memref<128x256xf32, #tpu.memory_space<hbm>>
      tpu.wait_dma2 semaphore(%run_scoped3A : memref<!tpu.dma_semaphore, #tpu.memory_space<semaphore_mem>>) src(%dma_wait3A_67 : memref<128x256xf32, #tpu.memory_space<hbm>>) dst(%arg9 : memref<128x256xf32, #tpu.memory_space<vmem>>)
      tpu.yield
    }) : () -> ()
    %scan3A_23 = arith.constant 0 : i32
    %scan3A_24 = arith.constant 128 : i32
    %scan3A_25 = arith.addi %scan3A_23, %scan3A_24 : i32
    %scan3A_26 = arith.constant 1 : i32
    %scan3A_27 = scf.for %scan3A_60 = %scan3A_23 to %scan3A_25 step %scan3A_26 iter_args(%scan3A_61 = %scan3A_13) -> (vector<16xf32>)  : i32 {
      %get3A = arith.index_cast %scan3A_60 : i32 to index
      %get3A_62 = arith.constant 0 : index
      %get3A_63 = tpu.vector_load %arg9[%get3A, %get3A_62] {strides = array<i32>} : memref<128x256xf32, #tpu.memory_space<vmem>>, vector<1x16xf32>,
      %get3A_64 = vector.shape_cast %get3A_63 : vector<1x16xf32> to vector<16xf32>
      %get3A_65 = arith.index_cast %scan3A_60 : i32 to index
      %get3A_66 = arith.constant 0 : index
      %get3A_67 = tpu.vector_load %arg8[%get3A_65, %get3A_66] {strides = array<i32>} : memref<128x256xf32, #tpu.memory_space<vmem>>, vector<1x16xf32>,
      %get3A_68 = vector.shape_cast %get3A_67 : vector<1x16xf32> to vector<16xf32>
      %sub3A = arith.subf %get3A_68, %get3A_64 : vector<16xf32>
      %add3A_69 = arith.addf %get3A_64, %sub3A : vector<16xf32>
      %swap3A_70 = arith.index_cast %scan3A_60 : i32 to index
      %swap3A_71 = arith.constant 0 : index
      %swap3A_72 = tpu.vector_load %arg8[%swap3A_70, %swap3A_71] {strides = array<i32>} : memref<128x256xf32, #tpu.memory_space<vmem>>, vector<1x16xf32>,
      %swap3A_73 = vector.shape_cast %swap3A_72 : vector<1x16xf32> to vector<16xf32>
      %swap3A_74 = vector.shape_cast %add3A_69 : vector<16xf32> to vector<1x16xf32>
      tpu.vector_store %arg8[%swap3A_70, %swap3A_71], %swap3A_74 {strides = array<i32>} : memref<128x256xf32, #tpu.memory_space<vmem>>, vector<1x16xf32>,
      %mul3A_75 = arith.mulf %sub3A, %sub3A : vector<16xf32>
      %add3A_76 = arith.addf %scan3A_61, %mul3A_75 : vector<16xf32>
      %get3A_77 = arith.index_cast %scan3A_60 : i32 to index
      %get3A_78 = arith.constant 16 : index
      %get3A_79 = tpu.vector_load %arg9[%get3A_77, %get3A_78] {strides = array<i32>} : memref<128x256xf32, #tpu.memory_space<vmem>>, vector<1x16xf32>,
      %get3A_80 = vector.shape_cast %get3A_79 : vector<1x16xf32> to vector<16xf32>
      %get3A_81 = arith.index_cast %scan3A_60 : i32 to index
      %get3A_82 = arith.constant 16 : index
      %get3A_83 = tpu.vector_load %arg8[%get3A_81, %get3A_82] {strides = array<i32>} : memref<128x256xf32, #tpu.memory_space<vmem>>, vector<1x16xf32>,
      %get3A_84 = vector.shape_cast %get3A_83 : vector<1x16xf32> to vector<16xf32>
      %sub3A_85 = arith.subf %get3A_84, %get3A_80 : vector<16xf32>
      %add3A_86 = arith.addf %get3A_80, %sub3A_85 : vector<16xf32>
      %swap3A_87 = arith.index_cast %scan3A_60 : i32 to index
      %swap3A_88 = arith.constant 16 : index
      %swap3A_89 = tpu.vector_load %arg8[%swap3A_87, %swap3A_88] {strides = array<i32>} : memref<128x256xf32, #tpu.memory_space<vmem>>, vector<1x16xf32>,
      %swap3A_90 = vector.shape_cast %swap3A_89 : vector<1x16xf32> to vector<16xf32>
      %swap3A_91 = vector.shape_cast %add3A_86 : vector<16xf32> to vector<1x16xf32>
      tpu.vector_store %arg8[%swap3A_87, %swap3A_88], %swap3A_91 {strides = array<i32>} : memref<128x256xf32, #tpu.memory_space<vmem>>, vector<1x16xf32>,
      %mul3A_92 = arith.mulf %sub3A_85, %sub3A_85 : vector<16xf32>
      %add3A_93 = arith.addf %add3A_76, %mul3A_92 : vector<16xf32>
      %get3A_94 = arith.index_cast %scan3A_60 : i32 to index
      %get3A_95 = arith.constant 32 : index
      %get3A_96 = tpu.vector_load %arg9[%get3A_94, %get3A_95] {strides = array<i32>} : memref<128x256xf32, #tpu.memory_space<vmem>>, vector<1x16xf32>,
      %get3A_97 = vector.shape_cast %get3A_96 : vector<1x16xf32> to vector<16xf32>
      %get3A_98 = arith.index_cast %scan3A_60 : i32 to index
      %get3A_99 = arith.constant 32 : index
      %get3A_100 = tpu.vector_load %arg8[%get3A_98, %get3A_99] {strides = array<i32>} : memref<128x256xf32, #tpu.memory_space<vmem>>, vector<1x16xf32>,
      %get3A_101 = vector.shape_cast %get3A_100 : vector<1x16xf32> to vector<16xf32>
      %sub3A_102 = arith.subf %get3A_101, %get3A_97 : vector<16xf32>
      %add3A_103 = arith.addf %get3A_97, %sub3A_102 : vector<16xf32>
      %swap3A_104 = arith.index_cast %scan3A_60 : i32 to index
      %swap3A_105 = arith.constant 32 : index
      %swap3A_106 = tpu.vector_load %arg8[%swap3A_104, %swap3A_105] {strides = array<i32>} : memref<128x256xf32, #tpu.memory_space<vmem>>, vector<1x16xf32>,
      %swap3A_107 = vector.shape_cast %swap3A_106 : vector<1x16xf32> to vector<16xf32>
      %swap3A_108 = vector.shape_cast %add3A_103 : vector<16xf32> to vector<1x16xf32>
      tpu.vector_store %arg8[%swap3A_104, %swap3A_105], %swap3A_108 {strides = array<i32>} : memref<128x256xf32, #tpu.memory_space<vmem>>, vector<1x16xf32>,
      %mul3A_109 = arith.mulf %sub3A_102, %sub3A_102 : vector<16xf32>
      %add3A_110 = arith.addf %add3A_93, %mul3A_109 : vector<16xf32>
      %get3A_111 = arith.index_cast %scan3A_60 : i32 to index
      %get3A_112 = arith.constant 48 : index
      %get3A_113 = tpu.vector_load %arg9[%get3A_111, %get3A_112] {strides = array<i32>} : memref<128x256xf32, #tpu.memory_space<vmem>>, vector<1x16xf32>,
      %get3A_114 = vector.shape_cast %get3A_113 : vector<1x16xf32> to vector<16xf32>
      %get3A_115 = arith.index_cast %scan3A_60 : i32 to index
      %get3A_116 = arith.constant 48 : index
      %get3A_117 = tpu.vector_load %arg8[%get3A_115, %get3A_116] {strides = array<i32>} : memref<128x256xf32, #tpu.memory_space<vmem>>, vector<1x16xf32>,
      %get3A_118 = vector.shape_cast %get3A_117 : vector<1x16xf32> to vector<16xf32>
      %sub3A_119 = arith.subf %get3A_118, %get3A_114 : vector<16xf32>
      %add3A_120 = arith.addf %get3A_114, %sub3A_119 : vector<16xf32>
      %swap3A_121 = arith.index_cast %scan3A_60 : i32 to index
      %swap3A_122 = arith.constant 48 : index
      %swap3A_123 = tpu.vector_load %arg8[%swap3A_121, %swap3A_122] {strides = array<i32>} : memref<128x256xf32, #tpu.memory_space<vmem>>, vector<1x16xf32>,
      %swap3A_124 = vector.shape_cast %swap3A_123 : vector<1x16xf32> to vector<16xf32>
      %swap3A_125 = vector.shape_cast %add3A_120 : vector<16xf32> to vector<1x16xf32>
      tpu.vector_store %arg8[%swap3A_121, %swap3A_122], %swap3A_125 {strides = array<i32>} : memref<128x256xf32, #tpu.memory_space<vmem>>, vector<1x16xf32>,
      %mul3A_126 = arith.mulf %sub3A_119, %sub3A_119 : vector<16xf32>
      %add3A_127 = arith.addf %add3A_110, %mul3A_126 : vector<16xf32>
      %get3A_128 = arith.index_cast %scan3A_60 : i32 to index
      %get3A_129 = arith.constant 64 : index
      %get3A_130 = tpu.vector_load %arg9[%get3A_128, %get3A_129] {strides = array<i32>} : memref<128x256xf32, #tpu.memory_space<vmem>>, vector<1x16xf32>,
      %get3A_131 = vector.shape_cast %get3A_130 : vector<1x16xf32> to vector<16xf32>
      %get3A_132 = arith.index_cast %scan3A_60 : i32 to index
      %get3A_133 = arith.constant 64 : index
      %get3A_134 = tpu.vector_load %arg8[%get3A_132, %get3A_133] {strides = array<i32>} : memref<128x256xf32, #tpu.memory_space<vmem>>, vector<1x16xf32>,
      %get3A_135 = vector.shape_cast %get3A_134 : vector<1x16xf32> to vector<16xf32>
      %sub3A_136 = arith.subf %get3A_135, %get3A_131 : vector<16xf32>
      %add3A_137 = arith.addf %get3A_131, %sub3A_136 : vector<16xf32>
      %swap3A_138 = arith.index_cast %scan3A_60 : i32 to index
      %swap3A_139 = arith.constant 64 : index
      %swap3A_140 = tpu.vector_load %arg8[%swap3A_138, %swap3A_139] {strides = array<i32>} : memref<128x256xf32, #tpu.memory_space<vmem>>, vector<1x16xf32>,
      %swap3A_141 = vector.shape_cast %swap3A_140 : vector<1x16xf32> to vector<16xf32>
      %swap3A_142 = vector.shape_cast %add3A_137 : vector<16xf32> to vector<1x16xf32>
      tpu.vector_store %arg8[%swap3A_138, %swap3A_139], %swap3A_142 {strides = array<i32>} : memref<128x256xf32, #tpu.memory_space<vmem>>, vector<1x16xf32>,
      %mul3A_143 = arith.mulf %sub3A_136, %sub3A_136 : vector<16xf32>
      %add3A_144 = arith.addf %add3A_127, %mul3A_143 : vector<16xf32>
      %get3A_145 = arith.index_cast %scan3A_60 : i32 to index
      %get3A_146 = arith.constant 80 : index
      %get3A_147 = tpu.vector_load %arg9[%get3A_145, %get3A_146] {strides = array<i32>} : memref<128x256xf32, #tpu.memory_space<vmem>>, vector<1x16xf32>,
      %get3A_148 = vector.shape_cast %get3A_147 : vector<1x16xf32> to vector<16xf32>
      %get3A_149 = arith.index_cast %scan3A_60 : i32 to index
      %get3A_150 = arith.constant 80 : index
      %get3A_151 = tpu.vector_load %arg8[%get3A_149, %get3A_150] {strides = array<i32>} : memref<128x256xf32, #tpu.memory_space<vmem>>, vector<1x16xf32>,
      %get3A_152 = vector.shape_cast %get3A_151 : vector<1x16xf32> to vector<16xf32>
      %sub3A_153 = arith.subf %get3A_152, %get3A_148 : vector<16xf32>
      %add3A_154 = arith.addf %get3A_148, %sub3A_153 : vector<16xf32>
      %swap3A_155 = arith.index_cast %scan3A_60 : i32 to index
      %swap3A_156 = arith.constant 80 : index
      %swap3A_157 = tpu.vector_load %arg8[%swap3A_155, %swap3A_156] {strides = array<i32>} : memref<128x256xf32, #tpu.memory_space<vmem>>, vector<1x16xf32>,
      %swap3A_158 = vector.shape_cast %swap3A_157 : vector<1x16xf32> to vector<16xf32>
      %swap3A_159 = vector.shape_cast %add3A_154 : vector<16xf32> to vector<1x16xf32>
      tpu.vector_store %arg8[%swap3A_155, %swap3A_156], %swap3A_159 {strides = array<i32>} : memref<128x256xf32, #tpu.memory_space<vmem>>, vector<1x16xf32>,
      %mul3A_160 = arith.mulf %sub3A_153, %sub3A_153 : vector<16xf32>
      %add3A_161 = arith.addf %add3A_144, %mul3A_160 : vector<16xf32>
      %get3A_162 = arith.index_cast %scan3A_60 : i32 to index
      %get3A_163 = arith.constant 96 : index
      %get3A_164 = tpu.vector_load %arg9[%get3A_162, %get3A_163] {strides = array<i32>} : memref<128x256xf32, #tpu.memory_space<vmem>>, vector<1x16xf32>,
      %get3A_165 = vector.shape_cast %get3A_164 : vector<1x16xf32> to vector<16xf32>
      %get3A_166 = arith.index_cast %scan3A_60 : i32 to index
      %get3A_167 = arith.constant 96 : index
      %get3A_168 = tpu.vector_load %arg8[%get3A_166, %get3A_167] {strides = array<i32>} : memref<128x256xf32, #tpu.memory_space<vmem>>, vector<1x16xf32>,
      %get3A_169 = vector.shape_cast %get3A_168 : vector<1x16xf32> to vector<16xf32>
      %sub3A_170 = arith.subf %get3A_169, %get3A_165 : vector<16xf32>
      %add3A_171 = arith.addf %get3A_165, %sub3A_170 : vector<16xf32>
      %swap3A_172 = arith.index_cast %scan3A_60 : i32 to index
      %swap3A_173 = arith.constant 96 : index
      %swap3A_174 = tpu.vector_load %arg8[%swap3A_172, %swap3A_173] {strides = array<i32>} : memref<128x256xf32, #tpu.memory_space<vmem>>, vector<1x16xf32>,
      %swap3A_175 = vector.shape_cast %swap3A_174 : vector<1x16xf32> to vector<16xf32>
      %swap3A_176 = vector.shape_cast %add3A_171 : vector<16xf32> to vector<1x16xf32>
      tpu.vector_store %arg8[%swap3A_172, %swap3A_173], %swap3A_176 {strides = array<i32>} : memref<128x256xf32, #tpu.memory_space<vmem>>, vector<1x16xf32>,
      %mul3A_177 = arith.mulf %sub3A_170, %sub3A_170 : vector<16xf32>
      %add3A_178 = arith.addf %add3A_161, %mul3A_177 : vector<16xf32>
      %get3A_179 = arith.index_cast %scan3A_60 : i32 to index
      %get3A_180 = arith.constant 112 : index
      %get3A_181 = tpu.vector_load %arg9[%get3A_179, %get3A_180] {strides = array<i32>} : memref<128x256xf32, #tpu.memory_space<vmem>>, vector<1x16xf32>,
      %get3A_182 = vector.shape_cast %get3A_181 : vector<1x16xf32> to vector<16xf32>
      %get3A_183 = arith.index_cast %scan3A_60 : i32 to index
      %get3A_184 = arith.constant 112 : index
      %get3A_185 = tpu.vector_load %arg8[%get3A_183, %get3A_184] {strides = array<i32>} : memref<128x256xf32, #tpu.memory_space<vmem>>, vector<1x16xf32>,
      %get3A_186 = vector.shape_cast %get3A_185 : vector<1x16xf32> to vector<16xf32>
      %sub3A_187 = arith.subf %get3A_186, %get3A_182 : vector<16xf32>
      %add3A_188 = arith.addf %get3A_182, %sub3A_187 : vector<16xf32>
      %swap3A_189 = arith.index_cast %scan3A_60 : i32 to index
      %swap3A_190 = arith.constant 112 : index
      %swap3A_191 = tpu.vector_load %arg8[%swap3A_189, %swap3A_190] {strides = array<i32>} : memref<128x256xf32, #tpu.memory_space<vmem>>, vector<1x16xf32>,
      %swap3A_192 = vector.shape_cast %swap3A_191 : vector<1x16xf32> to vector<16xf32>
      %swap3A_193 = vector.shape_cast %add3A_188 : vector<16xf32> to vector<1x16xf32>
      tpu.vector_store %arg8[%swap3A_189, %swap3A_190], %swap3A_193 {strides = array<i32>} : memref<128x256xf32, #tpu.memory_space<vmem>>, vector<1x16xf32>,
      %mul3A_194 = arith.mulf %sub3A_187, %sub3A_187 : vector<16xf32>
      %add3A_195 = arith.addf %add3A_178, %mul3A_194 : vector<16xf32>
      %get3A_196 = arith.index_cast %scan3A_60 : i32 to index
      %get3A_197 = arith.constant 128 : index
      %get3A_198 = tpu.vector_load %arg9[%get3A_196, %get3A_197] {strides = array<i32>} : memref<128x256xf32, #tpu.memory_space<vmem>>, vector<1x16xf32>,
      %get3A_199 = vector.shape_cast %get3A_198 : vector<1x16xf32> to vector<16xf32>
      %get3A_200 = arith.index_cast %scan3A_60 : i32 to index
      %get3A_201 = arith.constant 128 : index
      %get3A_202 = tpu.vector_load %arg8[%get3A_200, %get3A_201] {strides = array<i32>} : memref<128x256xf32, #tpu.memory_space<vmem>>, vector<1x16xf32>,
      %get3A_203 = vector.shape_cast %get3A_202 : vector<1x16xf32> to vector<16xf32>
      %sub3A_204 = arith.subf %get3A_203, %get3A_199 : vector<16xf32>
      %add3A_205 = arith.addf %get3A_199, %sub3A_204 : vector<16xf32>
      %swap3A_206 = arith.index_cast %scan3A_60 : i32 to index
      %swap3A_207 = arith.constant 128 : index
      %swap3A_208 = tpu.vector_load %arg8[%swap3A_206, %swap3A_207] {strides = array<i32>} : memref<128x256xf32, #tpu.memory_space<vmem>>, vector<1x16xf32>,
      %swap3A_209 = vector.shape_cast %swap3A_208 : vector<1x16xf32> to vector<16xf32>
      %swap3A_210 = vector.shape_cast %add3A_205 : vector<16xf32> to vector<1x16xf32>
      tpu.vector_store %arg8[%swap3A_206, %swap3A_207], %swap3A_210 {strides = array<i32>} : memref<128x256xf32, #tpu.memory_space<vmem>>, vector<1x16xf32>,
      %mul3A_211 = arith.mulf %sub3A_204, %sub3A_204 : vector<16xf32>
      %add3A_212 = arith.addf %add3A_195, %mul3A_211 : vector<16xf32>
      %get3A_213 = arith.index_cast %scan3A_60 : i32 to index
      %get3A_214 = arith.constant 144 : index
      %get3A_215 = tpu.vector_load %arg9[%get3A_213, %get3A_214] {strides = array<i32>} : memref<128x256xf32, #tpu.memory_space<vmem>>, vector<1x16xf32>,
      %get3A_216 = vector.shape_cast %get3A_215 : vector<1x16xf32> to vector<16xf32>
      %get3A_217 = arith.index_cast %scan3A_60 : i32 to index
      %get3A_218 = arith.constant 144 : index
      %get3A_219 = tpu.vector_load %arg8[%get3A_217, %get3A_218] {strides = array<i32>} : memref<128x256xf32, #tpu.memory_space<vmem>>, vector<1x16xf32>,
      %get3A_220 = vector.shape_cast %get3A_219 : vector<1x16xf32> to vector<16xf32>
      %sub3A_221 = arith.subf %get3A_220, %get3A_216 : vector<16xf32>
      %add3A_222 = arith.addf %get3A_216, %sub3A_221 : vector<16xf32>
      %swap3A_223 = arith.index_cast %scan3A_60 : i32 to index
      %swap3A_224 = arith.constant 144 : index
      %swap3A_225 = tpu.vector_load %arg8[%swap3A_223, %swap3A_224] {strides = array<i32>} : memref<128x256xf32, #tpu.memory_space<vmem>>, vector<1x16xf32>,
      %swap3A_226 = vector.shape_cast %swap3A_225 : vector<1x16xf32> to vector<16xf32>
      %swap3A_227 = vector.shape_cast %add3A_222 : vector<16xf32> to vector<1x16xf32>
      tpu.vector_store %arg8[%swap3A_223, %swap3A_224], %swap3A_227 {strides = array<i32>} : memref<128x256xf32, #tpu.memory_space<vmem>>, vector<1x16xf32>,
      %mul3A_228 = arith.mulf %sub3A_221, %sub3A_221 : vector<16xf32>
      %add3A_229 = arith.addf %add3A_212, %mul3A_228 : vector<16xf32>
      %get3A_230 = arith.index_cast %scan3A_60 : i32 to index
      %get3A_231 = arith.constant 160 : index
      %get3A_232 = tpu.vector_load %arg9[%get3A_230, %get3A_231] {strides = array<i32>} : memref<128x256xf32, #tpu.memory_space<vmem>>, vector<1x16xf32>,
      %get3A_233 = vector.shape_cast %get3A_232 : vector<1x16xf32> to vector<16xf32>
      %get3A_234 = arith.index_cast %scan3A_60 : i32 to index
      %get3A_235 = arith.constant 160 : index
      %get3A_236 = tpu.vector_load %arg8[%get3A_234, %get3A_235] {strides = array<i32>} : memref<128x256xf32, #tpu.memory_space<vmem>>, vector<1x16xf32>,
      %get3A_237 = vector.shape_cast %get3A_236 : vector<1x16xf32> to vector<16xf32>
      %sub3A_238 = arith.subf %get3A_237, %get3A_233 : vector<16xf32>
      %add3A_239 = arith.addf %get3A_233, %sub3A_238 : vector<16xf32>
      %swap3A_240 = arith.index_cast %scan3A_60 : i32 to index
      %swap3A_241 = arith.constant 160 : index
      %swap3A_242 = tpu.vector_load %arg8[%swap3A_240, %swap3A_241] {strides = array<i32>} : memref<128x256xf32, #tpu.memory_space<vmem>>, vector<1x16xf32>,
      %swap3A_243 = vector.shape_cast %swap3A_242 : vector<1x16xf32> to vector<16xf32>
      %swap3A_244 = vector.shape_cast %add3A_239 : vector<16xf32> to vector<1x16xf32>
      tpu.vector_store %arg8[%swap3A_240, %swap3A_241], %swap3A_244 {strides = array<i32>} : memref<128x256xf32, #tpu.memory_space<vmem>>, vector<1x16xf32>,
      %mul3A_245 = arith.mulf %sub3A_238, %sub3A_238 : vector<16xf32>
      %add3A_246 = arith.addf %add3A_229, %mul3A_245 : vector<16xf32>
      %get3A_247 = arith.index_cast %scan3A_60 : i32 to index
      %get3A_248 = arith.constant 176 : index
      %get3A_249 = tpu.vector_load %arg9[%get3A_247, %get3A_248] {strides = array<i32>} : memref<128x256xf32, #tpu.memory_space<vmem>>, vector<1x16xf32>,
      %get3A_250 = vector.shape_cast %get3A_249 : vector<1x16xf32> to vector<16xf32>
      %get3A_251 = arith.index_cast %scan3A_60 : i32 to index
      %get3A_252 = arith.constant 176 : index
      %get3A_253 = tpu.vector_load %arg8[%get3A_251, %get3A_252] {strides = array<i32>} : memref<128x256xf32, #tpu.memory_space<vmem>>, vector<1x16xf32>,
      %get3A_254 = vector.shape_cast %get3A_253 : vector<1x16xf32> to vector<16xf32>
      %sub3A_255 = arith.subf %get3A_254, %get3A_250 : vector<16xf32>
      %add3A_256 = arith.addf %get3A_250, %sub3A_255 : vector<16xf32>
      %swap3A_257 = arith.index_cast %scan3A_60 : i32 to index
      %swap3A_258 = arith.constant 176 : index
      %swap3A_259 = tpu.vector_load %arg8[%swap3A_257, %swap3A_258] {strides = array<i32>} : memref<128x256xf32, #tpu.memory_space<vmem>>, vector<1x16xf32>,
      %swap3A_260 = vector.shape_cast %swap3A_259 : vector<1x16xf32> to vector<16xf32>
      %swap3A_261 = vector.shape_cast %add3A_256 : vector<16xf32> to vector<1x16xf32>
      tpu.vector_store %arg8[%swap3A_257, %swap3A_258], %swap3A_261 {strides = array<i32>} : memref<128x256xf32, #tpu.memory_space<vmem>>, vector<1x16xf32>,
      %mul3A_262 = arith.mulf %sub3A_255, %sub3A_255 : vector<16xf32>
      %add3A_263 = arith.addf %add3A_246, %mul3A_262 : vector<16xf32>
      %get3A_264 = arith.index_cast %scan3A_60 : i32 to index
      %get3A_265 = arith.constant 192 : index
      %get3A_266 = tpu.vector_load %arg9[%get3A_264, %get3A_265] {strides = array<i32>} : memref<128x256xf32, #tpu.memory_space<vmem>>, vector<1x16xf32>,
      %get3A_267 = vector.shape_cast %get3A_266 : vector<1x16xf32> to vector<16xf32>
      %get3A_268 = arith.index_cast %scan3A_60 : i32 to index
      %get3A_269 = arith.constant 192 : index
      %get3A_270 = tpu.vector_load %arg8[%get3A_268, %get3A_269] {strides = array<i32>} : memref<128x256xf32, #tpu.memory_space<vmem>>, vector<1x16xf32>,
      %get3A_271 = vector.shape_cast %get3A_270 : vector<1x16xf32> to vector<16xf32>
      %sub3A_272 = arith.subf %get3A_271, %get3A_267 : vector<16xf32>
      %add3A_273 = arith.addf %get3A_267, %sub3A_272 : vector<16xf32>
      %swap3A_274 = arith.index_cast %scan3A_60 : i32 to index
      %swap3A_275 = arith.constant 192 : index
      %swap3A_276 = tpu.vector_load %arg8[%swap3A_274, %swap3A_275] {strides = array<i32>} : memref<128x256xf32, #tpu.memory_space<vmem>>, vector<1x16xf32>,
      %swap3A_277 = vector.shape_cast %swap3A_276 : vector<1x16xf32> to vector<16xf32>
      %swap3A_278 = vector.shape_cast %add3A_273 : vector<16xf32> to vector<1x16xf32>
      tpu.vector_store %arg8[%swap3A_274, %swap3A_275], %swap3A_278 {strides = array<i32>} : memref<128x256xf32, #tpu.memory_space<vmem>>, vector<1x16xf32>,
      %mul3A_279 = arith.mulf %sub3A_272, %sub3A_272 : vector<16xf32>
      %add3A_280 = arith.addf %add3A_263, %mul3A_279 : vector<16xf32>
      %get3A_281 = arith.index_cast %scan3A_60 : i32 to index
      %get3A_282 = arith.constant 208 : index
      %get3A_283 = tpu.vector_load %arg9[%get3A_281, %get3A_282] {strides = array<i32>} : memref<128x256xf32, #tpu.memory_space<vmem>>, vector<1x16xf32>,
      %get3A_284 = vector.shape_cast %get3A_283 : vector<1x16xf32> to vector<16xf32>
      %get3A_285 = arith.index_cast %scan3A_60 : i32 to index
      %get3A_286 = arith.constant 208 : index
      %get3A_287 = tpu.vector_load %arg8[%get3A_285, %get3A_286] {strides = array<i32>} : memref<128x256xf32, #tpu.memory_space<vmem>>, vector<1x16xf32>,
      %get3A_288 = vector.shape_cast %get3A_287 : vector<1x16xf32> to vector<16xf32>
      %sub3A_289 = arith.subf %get3A_288, %get3A_284 : vector<16xf32>
      %add3A_290 = arith.addf %get3A_284, %sub3A_289 : vector<16xf32>
      %swap3A_291 = arith.index_cast %scan3A_60 : i32 to index
      %swap3A_292 = arith.constant 208 : index
      %swap3A_293 = tpu.vector_load %arg8[%swap3A_291, %swap3A_292] {strides = array<i32>} : memref<128x256xf32, #tpu.memory_space<vmem>>, vector<1x16xf32>,
      %swap3A_294 = vector.shape_cast %swap3A_293 : vector<1x16xf32> to vector<16xf32>
      %swap3A_295 = vector.shape_cast %add3A_290 : vector<16xf32> to vector<1x16xf32>
      tpu.vector_store %arg8[%swap3A_291, %swap3A_292], %swap3A_295 {strides = array<i32>} : memref<128x256xf32, #tpu.memory_space<vmem>>, vector<1x16xf32>,
      %mul3A_296 = arith.mulf %sub3A_289, %sub3A_289 : vector<16xf32>
      %add3A_297 = arith.addf %add3A_280, %mul3A_296 : vector<16xf32>
      %get3A_298 = arith.index_cast %scan3A_60 : i32 to index
      %get3A_299 = arith.constant 224 : index
      %get3A_300 = tpu.vector_load %arg9[%get3A_298, %get3A_299] {strides = array<i32>} : memref<128x256xf32, #tpu.memory_space<vmem>>, vector<1x16xf32>,
      %get3A_301 = vector.shape_cast %get3A_300 : vector<1x16xf32> to vector<16xf32>
      %get3A_302 = arith.index_cast %scan3A_60 : i32 to index
      %get3A_303 = arith.constant 224 : index
      %get3A_304 = tpu.vector_load %arg8[%get3A_302, %get3A_303] {strides = array<i32>} : memref<128x256xf32, #tpu.memory_space<vmem>>, vector<1x16xf32>,
      %get3A_305 = vector.shape_cast %get3A_304 : vector<1x16xf32> to vector<16xf32>
      %sub3A_306 = arith.subf %get3A_305, %get3A_301 : vector<16xf32>
      %add3A_307 = arith.addf %get3A_301, %sub3A_306 : vector<16xf32>
      %swap3A_308 = arith.index_cast %scan3A_60 : i32 to index
      %swap3A_309 = arith.constant 224 : index
      %swap3A_310 = tpu.vector_load %arg8[%swap3A_308, %swap3A_309] {strides = array<i32>} : memref<128x256xf32, #tpu.memory_space<vmem>>, vector<1x16xf32>,
      %swap3A_311 = vector.shape_cast %swap3A_310 : vector<1x16xf32> to vector<16xf32>
      %swap3A_312 = vector.shape_cast %add3A_307 : vector<16xf32> to vector<1x16xf32>
      tpu.vector_store %arg8[%swap3A_308, %swap3A_309], %swap3A_312 {strides = array<i32>} : memref<128x256xf32, #tpu.memory_space<vmem>>, vector<1x16xf32>,
      %mul3A_313 = arith.mulf %sub3A_306, %sub3A_306 : vector<16xf32>
      %add3A_314 = arith.addf %add3A_297, %mul3A_313 : vector<16xf32>
      %get3A_315 = arith.index_cast %scan3A_60 : i32 to index
      %get3A_316 = arith.constant 240 : index
      %get3A_317 = tpu.vector_load %arg9[%get3A_315, %get3A_316] {strides = array<i32>} : memref<128x256xf32, #tpu.memory_space<vmem>>, vector<1x16xf32>,
      %get3A_318 = vector.shape_cast %get3A_317 : vector<1x16xf32> to vector<16xf32>
      %get3A_319 = arith.index_cast %scan3A_60 : i32 to index
      %get3A_320 = arith.constant 240 : index
      %get3A_321 = tpu.vector_load %arg8[%get3A_319, %get3A_320] {strides = array<i32>} : memref<128x256xf32, #tpu.memory_space<vmem>>, vector<1x16xf32>,
      %get3A_322 = vector.shape_cast %get3A_321 : vector<1x16xf32> to vector<16xf32>
      %sub3A_323 = arith.subf %get3A_322, %get3A_318 : vector<16xf32>
      %add3A_324 = arith.addf %get3A_318, %sub3A_323 : vector<16xf32>
      %swap3A_325 = arith.index_cast %scan3A_60 : i32 to index
      %swap3A_326 = arith.constant 240 : index
      %swap3A_327 = tpu.vector_load %arg8[%swap3A_325, %swap3A_326] {strides = array<i32>} : memref<128x256xf32, #tpu.memory_space<vmem>>, vector<1x16xf32>,
      %swap3A_328 = vector.shape_cast %swap3A_327 : vector<1x16xf32> to vector<16xf32>
      %swap3A_329 = vector.shape_cast %add3A_324 : vector<16xf32> to vector<1x16xf32>
      tpu.vector_store %arg8[%swap3A_325, %swap3A_326], %swap3A_329 {strides = array<i32>} : memref<128x256xf32, #tpu.memory_space<vmem>>, vector<1x16xf32>,
      %mul3A_330 = arith.mulf %sub3A_323, %sub3A_323 : vector<16xf32>
      %add3A_331 = arith.addf %add3A_314, %mul3A_330 : vector<16xf32>
      scf.yield %add3A_331 : vector<16xf32>
    }
    %scan3A_28 = arith.constant 128 : i32
    "tpu.region"() ({
      %run_scoped3A = tpu.sem_alloc : memref<!tpu.dma_semaphore, #tpu.memory_space<semaphore_mem>>
      %dma_start3A_60 = arith.constant 0 : i32
      %dma_start3A_61 = tpu.memref_slice %arg5[%add3A_16, %dma_start3A_60] : memref<16384x256xf32, #tpu.memory_space<hbm>> -> memref<128x256xf32, #tpu.memory_space<hbm>>
      %dma_start3A_62 = arith.constant 0 : i32
      %dma_start3A_63 = tpu.memref_slice %arg5[%add3A_16, %dma_start3A_62] : memref<16384x256xf32, #tpu.memory_space<hbm>> -> memref<128x256xf32, #tpu.memory_space<hbm>>
      tpu.enqueue_dma source(%arg8 : memref<128x256xf32, #tpu.memory_space<vmem>>) target(%dma_start3A_63 : memref<128x256xf32, #tpu.memory_space<hbm>>) target_semaphore(%run_scoped3A : memref<!tpu.dma_semaphore, #tpu.memory_space<semaphore_mem>>)
      %dma_wait3A_64 = arith.constant 0 : i32
      %dma_wait3A_65 = tpu.memref_slice %arg5[%add3A_16, %dma_wait3A_64] : memref<16384x256xf32, #tpu.memory_space<hbm>> -> memref<128x256xf32, #tpu.memory_space<hbm>>
      %dma_wait3A_66 = arith.constant 0 : i32
      %dma_wait3A_67 = tpu.memref_slice %arg5[%add3A_16, %dma_wait3A_66] : memref<16384x256xf32, #tpu.memory_space<hbm>> -> memref<128x256xf32, #tpu.memory_space<hbm>>
      tpu.wait_dma2 semaphore(%run_scoped3A : memref<!tpu.dma_semaphore, #tpu.memory_space<semaphore_mem>>) src(%arg8 : memref<128x256xf32, #tpu.memory_space<vmem>>) dst(%dma_wait3A_67 : memref<128x256xf32, #tpu.memory_space<hbm>>)
      tpu.yield
    }) : () -> ()
    %add3A_29 = arith.constant 256 : i32
    %add3A_30 = arith.addi %mul3A_2, %add3A_29 : i32
    "tpu.region"() ({
      %run_scoped3A = tpu.sem_alloc : memref<!tpu.dma_semaphore, #tpu.memory_space<semaphore_mem>>
      %dma_start3A_60 = tpu.memref_slice %arg3[%add3A_30] : memref<16384xi32, #tpu.memory_space<hbm>> -> memref<128xi32, #tpu.memory_space<hbm>>
      %dma_start3A_61 = tpu.memref_slice %arg3[%add3A_30] : memref<16384xi32, #tpu.memory_space<hbm>> -> memref<128xi32, #tpu.memory_space<hbm>>
      tpu.enqueue_dma source(%dma_start3A_61 : memref<128xi32, #tpu.memory_space<hbm>>) target(%arg7 : memref<128xi32, #tpu.memory_space<vmem>>) target_semaphore(%run_scoped3A : memref<!tpu.dma_semaphore, #tpu.memory_space<semaphore_mem>>)
      %dma_wait3A_62 = tpu.memref_slice %arg3[%add3A_30] : memref<16384xi32, #tpu.memory_space<hbm>> -> memref<128xi32, #tpu.memory_space<hbm>>
      %dma_wait3A_63 = tpu.memref_slice %arg3[%add3A_30] : memref<16384xi32, #tpu.memory_space<hbm>> -> memref<128xi32, #tpu.memory_space<hbm>>
      tpu.wait_dma2 semaphore(%run_scoped3A : memref<!tpu.dma_semaphore, #tpu.memory_space<semaphore_mem>>) src(%dma_wait3A_63 : memref<128xi32, #tpu.memory_space<hbm>>) dst(%arg7 : memref<128xi32, #tpu.memory_space<vmem>>)
      tpu.yield
    }) : () -> ()
    %dma_start3A_31 = arith.constant 0 : i32
    %dma_start3A_32 = arith.constant 0 : i32
    %dma_start3A_33 = tpu.memref_slice %arg2[%dma_start3A_31, %dma_start3A_32] : memref<8192x256xf32, #tpu.memory_space<hbm>> -> memref<8192x256xf32, #tpu.memory_space<hbm>>
    tpu.enqueue_indirect_dma source(%dma_start3A_33 : memref<8192x256xf32, #tpu.memory_space<hbm>>) target(%arg8 : memref<128x256xf32, #tpu.memory_space<vmem>>) offsets(%arg7 : memref<128xi32, #tpu.memory_space<vmem>>) semaphore(%arg11 : memref<!tpu.dma_semaphore, #tpu.memory_space<semaphore_mem>>)
    %dma_wait3A_34 = arith.constant 0 : i32
    %dma_wait3A_35 = arith.constant 0 : i32
    %dma_wait3A_36 = tpu.memref_slice %arg2[%dma_wait3A_34, %dma_wait3A_35] : memref<8192x256xf32, #tpu.memory_space<hbm>> -> memref<8192x256xf32, #tpu.memory_space<hbm>>
    tpu.wait_indirect_dma semaphore(%arg11 : memref<!tpu.dma_semaphore, #tpu.memory_space<semaphore_mem>>) src(%dma_wait3A_36 : memref<8192x256xf32, #tpu.memory_space<hbm>>) dst(%arg8 : memref<128x256xf32, #tpu.memory_space<vmem>>)
    "tpu.region"() ({
      %run_scoped3A = tpu.sem_alloc : memref<!tpu.dma_semaphore, #tpu.memory_space<semaphore_mem>>
      %dma_start3A_60 = arith.constant 0 : i32
      %dma_start3A_61 = tpu.memref_slice %arg4[%add3A_30, %dma_start3A_60] : memref<16384x256xf32, #tpu.memory_space<hbm>> -> memref<128x256xf32, #tpu.memory_space<hbm>>
      %dma_start3A_62 = arith.constant 0 : i32
      %dma_start3A_63 = tpu.memref_slice %arg4[%add3A_30, %dma_start3A_62] : memref<16384x256xf32, #tpu.memory_space<hbm>> -> memref<128x256xf32, #tpu.memory_space<hbm>>
      tpu.enqueue_dma source(%dma_start3A_63 : memref<128x256xf32, #tpu.memory_space<hbm>>) target(%arg9 : memref<128x256xf32, #tpu.memory_space<vmem>>) target_semaphore(%run_scoped3A : memref<!tpu.dma_semaphore, #tpu.memory_space<semaphore_mem>>)
      %dma_wait3A_64 = arith.constant 0 : i32
      %dma_wait3A_65 = tpu.memref_slice %arg4[%add3A_30, %dma_wait3A_64] : memref<16384x256xf32, #tpu.memory_space<hbm>> -> memref<128x256xf32, #tpu.memory_space<hbm>>
      %dma_wait3A_66 = arith.constant 0 : i32
      %dma_wait3A_67 = tpu.memref_slice %arg4[%add3A_30, %dma_wait3A_66] : memref<16384x256xf32, #tpu.memory_space<hbm>> -> memref<128x256xf32, #tpu.memory_space<hbm>>
      tpu.wait_dma2 semaphore(%run_scoped3A : memref<!tpu.dma_semaphore, #tpu.memory_space<semaphore_mem>>) src(%dma_wait3A_67 : memref<128x256xf32, #tpu.memory_space<hbm>>) dst(%arg9 : memref<128x256xf32, #tpu.memory_space<vmem>>)
      tpu.yield
    }) : () -> ()
    %scan3A_37 = arith.constant 0 : i32
    %scan3A_38 = arith.constant 128 : i32
    %scan3A_39 = arith.addi %scan3A_37, %scan3A_38 : i32
    %scan3A_40 = arith.constant 1 : i32
    %scan3A_41 = scf.for %scan3A_60 = %scan3A_37 to %scan3A_39 step %scan3A_40 iter_args(%scan3A_61 = %scan3A_27) -> (vector<16xf32>)  : i32 {
      %get3A = arith.index_cast %scan3A_60 : i32 to index
      %get3A_62 = arith.constant 0 : index
      %get3A_63 = tpu.vector_load %arg9[%get3A, %get3A_62] {strides = array<i32>} : memref<128x256xf32, #tpu.memory_space<vmem>>, vector<1x16xf32>,
      %get3A_64 = vector.shape_cast %get3A_63 : vector<1x16xf32> to vector<16xf32>
      %get3A_65 = arith.index_cast %scan3A_60 : i32 to index
      %get3A_66 = arith.constant 0 : index
      %get3A_67 = tpu.vector_load %arg8[%get3A_65, %get3A_66] {strides = array<i32>} : memref<128x256xf32, #tpu.memory_space<vmem>>, vector<1x16xf32>,
      %get3A_68 = vector.shape_cast %get3A_67 : vector<1x16xf32> to vector<16xf32>
      %sub3A = arith.subf %get3A_68, %get3A_64 : vector<16xf32>
      %add3A_69 = arith.addf %get3A_64, %sub3A : vector<16xf32>
      %swap3A_70 = arith.index_cast %scan3A_60 : i32 to index
      %swap3A_71 = arith.constant 0 : index
      %swap3A_72 = tpu.vector_load %arg8[%swap3A_70, %swap3A_71] {strides = array<i32>} : memref<128x256xf32, #tpu.memory_space<vmem>>, vector<1x16xf32>,
      %swap3A_73 = vector.shape_cast %swap3A_72 : vector<1x16xf32> to vector<16xf32>
      %swap3A_74 = vector.shape_cast %add3A_69 : vector<16xf32> to vector<1x16xf32>
      tpu.vector_store %arg8[%swap3A_70, %swap3A_71], %swap3A_74 {strides = array<i32>} : memref<128x256xf32, #tpu.memory_space<vmem>>, vector<1x16xf32>,
      %mul3A_75 = arith.mulf %sub3A, %sub3A : vector<16xf32>
      %add3A_76 = arith.addf %scan3A_61, %mul3A_75 : vector<16xf32>
      %get3A_77 = arith.index_cast %scan3A_60 : i32 to index
      %get3A_78 = arith.constant 16 : index
      %get3A_79 = tpu.vector_load %arg9[%get3A_77, %get3A_78] {strides = array<i32>} : memref<128x256xf32, #tpu.memory_space<vmem>>, vector<1x16xf32>,
      %get3A_80 = vector.shape_cast %get3A_79 : vector<1x16xf32> to vector<16xf32>
      %get3A_81 = arith.index_cast %scan3A_60 : i32 to index
      %get3A_82 = arith.constant 16 : index
      %get3A_83 = tpu.vector_load %arg8[%get3A_81, %get3A_82] {strides = array<i32>} : memref<128x256xf32, #tpu.memory_space<vmem>>, vector<1x16xf32>,
      %get3A_84 = vector.shape_cast %get3A_83 : vector<1x16xf32> to vector<16xf32>
      %sub3A_85 = arith.subf %get3A_84, %get3A_80 : vector<16xf32>
      %add3A_86 = arith.addf %get3A_80, %sub3A_85 : vector<16xf32>
      %swap3A_87 = arith.index_cast %scan3A_60 : i32 to index
      %swap3A_88 = arith.constant 16 : index
      %swap3A_89 = tpu.vector_load %arg8[%swap3A_87, %swap3A_88] {strides = array<i32>} : memref<128x256xf32, #tpu.memory_space<vmem>>, vector<1x16xf32>,
      %swap3A_90 = vector.shape_cast %swap3A_89 : vector<1x16xf32> to vector<16xf32>
      %swap3A_91 = vector.shape_cast %add3A_86 : vector<16xf32> to vector<1x16xf32>
      tpu.vector_store %arg8[%swap3A_87, %swap3A_88], %swap3A_91 {strides = array<i32>} : memref<128x256xf32, #tpu.memory_space<vmem>>, vector<1x16xf32>,
      %mul3A_92 = arith.mulf %sub3A_85, %sub3A_85 : vector<16xf32>
      %add3A_93 = arith.addf %add3A_76, %mul3A_92 : vector<16xf32>
      %get3A_94 = arith.index_cast %scan3A_60 : i32 to index
      %get3A_95 = arith.constant 32 : index
      %get3A_96 = tpu.vector_load %arg9[%get3A_94, %get3A_95] {strides = array<i32>} : memref<128x256xf32, #tpu.memory_space<vmem>>, vector<1x16xf32>,
      %get3A_97 = vector.shape_cast %get3A_96 : vector<1x16xf32> to vector<16xf32>
      %get3A_98 = arith.index_cast %scan3A_60 : i32 to index
      %get3A_99 = arith.constant 32 : index
      %get3A_100 = tpu.vector_load %arg8[%get3A_98, %get3A_99] {strides = array<i32>} : memref<128x256xf32, #tpu.memory_space<vmem>>, vector<1x16xf32>,
      %get3A_101 = vector.shape_cast %get3A_100 : vector<1x16xf32> to vector<16xf32>
      %sub3A_102 = arith.subf %get3A_101, %get3A_97 : vector<16xf32>
      %add3A_103 = arith.addf %get3A_97, %sub3A_102 : vector<16xf32>
      %swap3A_104 = arith.index_cast %scan3A_60 : i32 to index
      %swap3A_105 = arith.constant 32 : index
      %swap3A_106 = tpu.vector_load %arg8[%swap3A_104, %swap3A_105] {strides = array<i32>} : memref<128x256xf32, #tpu.memory_space<vmem>>, vector<1x16xf32>,
      %swap3A_107 = vector.shape_cast %swap3A_106 : vector<1x16xf32> to vector<16xf32>
      %swap3A_108 = vector.shape_cast %add3A_103 : vector<16xf32> to vector<1x16xf32>
      tpu.vector_store %arg8[%swap3A_104, %swap3A_105], %swap3A_108 {strides = array<i32>} : memref<128x256xf32, #tpu.memory_space<vmem>>, vector<1x16xf32>,
      %mul3A_109 = arith.mulf %sub3A_102, %sub3A_102 : vector<16xf32>
      %add3A_110 = arith.addf %add3A_93, %mul3A_109 : vector<16xf32>
      %get3A_111 = arith.index_cast %scan3A_60 : i32 to index
      %get3A_112 = arith.constant 48 : index
      %get3A_113 = tpu.vector_load %arg9[%get3A_111, %get3A_112] {strides = array<i32>} : memref<128x256xf32, #tpu.memory_space<vmem>>, vector<1x16xf32>,
      %get3A_114 = vector.shape_cast %get3A_113 : vector<1x16xf32> to vector<16xf32>
      %get3A_115 = arith.index_cast %scan3A_60 : i32 to index
      %get3A_116 = arith.constant 48 : index
      %get3A_117 = tpu.vector_load %arg8[%get3A_115, %get3A_116] {strides = array<i32>} : memref<128x256xf32, #tpu.memory_space<vmem>>, vector<1x16xf32>,
      %get3A_118 = vector.shape_cast %get3A_117 : vector<1x16xf32> to vector<16xf32>
      %sub3A_119 = arith.subf %get3A_118, %get3A_114 : vector<16xf32>
      %add3A_120 = arith.addf %get3A_114, %sub3A_119 : vector<16xf32>
      %swap3A_121 = arith.index_cast %scan3A_60 : i32 to index
      %swap3A_122 = arith.constant 48 : index
      %swap3A_123 = tpu.vector_load %arg8[%swap3A_121, %swap3A_122] {strides = array<i32>} : memref<128x256xf32, #tpu.memory_space<vmem>>, vector<1x16xf32>,
      %swap3A_124 = vector.shape_cast %swap3A_123 : vector<1x16xf32> to vector<16xf32>
      %swap3A_125 = vector.shape_cast %add3A_120 : vector<16xf32> to vector<1x16xf32>
      tpu.vector_store %arg8[%swap3A_121, %swap3A_122], %swap3A_125 {strides = array<i32>} : memref<128x256xf32, #tpu.memory_space<vmem>>, vector<1x16xf32>,
      %mul3A_126 = arith.mulf %sub3A_119, %sub3A_119 : vector<16xf32>
      %add3A_127 = arith.addf %add3A_110, %mul3A_126 : vector<16xf32>
      %get3A_128 = arith.index_cast %scan3A_60 : i32 to index
      %get3A_129 = arith.constant 64 : index
      %get3A_130 = tpu.vector_load %arg9[%get3A_128, %get3A_129] {strides = array<i32>} : memref<128x256xf32, #tpu.memory_space<vmem>>, vector<1x16xf32>,
      %get3A_131 = vector.shape_cast %get3A_130 : vector<1x16xf32> to vector<16xf32>
      %get3A_132 = arith.index_cast %scan3A_60 : i32 to index
      %get3A_133 = arith.constant 64 : index
      %get3A_134 = tpu.vector_load %arg8[%get3A_132, %get3A_133] {strides = array<i32>} : memref<128x256xf32, #tpu.memory_space<vmem>>, vector<1x16xf32>,
      %get3A_135 = vector.shape_cast %get3A_134 : vector<1x16xf32> to vector<16xf32>
      %sub3A_136 = arith.subf %get3A_135, %get3A_131 : vector<16xf32>
      %add3A_137 = arith.addf %get3A_131, %sub3A_136 : vector<16xf32>
      %swap3A_138 = arith.index_cast %scan3A_60 : i32 to index
      %swap3A_139 = arith.constant 64 : index
      %swap3A_140 = tpu.vector_load %arg8[%swap3A_138, %swap3A_139] {strides = array<i32>} : memref<128x256xf32, #tpu.memory_space<vmem>>, vector<1x16xf32>,
      %swap3A_141 = vector.shape_cast %swap3A_140 : vector<1x16xf32> to vector<16xf32>
      %swap3A_142 = vector.shape_cast %add3A_137 : vector<16xf32> to vector<1x16xf32>
      tpu.vector_store %arg8[%swap3A_138, %swap3A_139], %swap3A_142 {strides = array<i32>} : memref<128x256xf32, #tpu.memory_space<vmem>>, vector<1x16xf32>,
      %mul3A_143 = arith.mulf %sub3A_136, %sub3A_136 : vector<16xf32>
      %add3A_144 = arith.addf %add3A_127, %mul3A_143 : vector<16xf32>
      %get3A_145 = arith.index_cast %scan3A_60 : i32 to index
      %get3A_146 = arith.constant 80 : index
      %get3A_147 = tpu.vector_load %arg9[%get3A_145, %get3A_146] {strides = array<i32>} : memref<128x256xf32, #tpu.memory_space<vmem>>, vector<1x16xf32>,
      %get3A_148 = vector.shape_cast %get3A_147 : vector<1x16xf32> to vector<16xf32>
      %get3A_149 = arith.index_cast %scan3A_60 : i32 to index
      %get3A_150 = arith.constant 80 : index
      %get3A_151 = tpu.vector_load %arg8[%get3A_149, %get3A_150] {strides = array<i32>} : memref<128x256xf32, #tpu.memory_space<vmem>>, vector<1x16xf32>,
      %get3A_152 = vector.shape_cast %get3A_151 : vector<1x16xf32> to vector<16xf32>
      %sub3A_153 = arith.subf %get3A_152, %get3A_148 : vector<16xf32>
      %add3A_154 = arith.addf %get3A_148, %sub3A_153 : vector<16xf32>
      %swap3A_155 = arith.index_cast %scan3A_60 : i32 to index
      %swap3A_156 = arith.constant 80 : index
      %swap3A_157 = tpu.vector_load %arg8[%swap3A_155, %swap3A_156] {strides = array<i32>} : memref<128x256xf32, #tpu.memory_space<vmem>>, vector<1x16xf32>,
      %swap3A_158 = vector.shape_cast %swap3A_157 : vector<1x16xf32> to vector<16xf32>
      %swap3A_159 = vector.shape_cast %add3A_154 : vector<16xf32> to vector<1x16xf32>
      tpu.vector_store %arg8[%swap3A_155, %swap3A_156], %swap3A_159 {strides = array<i32>} : memref<128x256xf32, #tpu.memory_space<vmem>>, vector<1x16xf32>,
      %mul3A_160 = arith.mulf %sub3A_153, %sub3A_153 : vector<16xf32>
      %add3A_161 = arith.addf %add3A_144, %mul3A_160 : vector<16xf32>
      %get3A_162 = arith.index_cast %scan3A_60 : i32 to index
      %get3A_163 = arith.constant 96 : index
      %get3A_164 = tpu.vector_load %arg9[%get3A_162, %get3A_163] {strides = array<i32>} : memref<128x256xf32, #tpu.memory_space<vmem>>, vector<1x16xf32>,
      %get3A_165 = vector.shape_cast %get3A_164 : vector<1x16xf32> to vector<16xf32>
      %get3A_166 = arith.index_cast %scan3A_60 : i32 to index
      %get3A_167 = arith.constant 96 : index
      %get3A_168 = tpu.vector_load %arg8[%get3A_166, %get3A_167] {strides = array<i32>} : memref<128x256xf32, #tpu.memory_space<vmem>>, vector<1x16xf32>,
      %get3A_169 = vector.shape_cast %get3A_168 : vector<1x16xf32> to vector<16xf32>
      %sub3A_170 = arith.subf %get3A_169, %get3A_165 : vector<16xf32>
      %add3A_171 = arith.addf %get3A_165, %sub3A_170 : vector<16xf32>
      %swap3A_172 = arith.index_cast %scan3A_60 : i32 to index
      %swap3A_173 = arith.constant 96 : index
      %swap3A_174 = tpu.vector_load %arg8[%swap3A_172, %swap3A_173] {strides = array<i32>} : memref<128x256xf32, #tpu.memory_space<vmem>>, vector<1x16xf32>,
      %swap3A_175 = vector.shape_cast %swap3A_174 : vector<1x16xf32> to vector<16xf32>
      %swap3A_176 = vector.shape_cast %add3A_171 : vector<16xf32> to vector<1x16xf32>
      tpu.vector_store %arg8[%swap3A_172, %swap3A_173], %swap3A_176 {strides = array<i32>} : memref<128x256xf32, #tpu.memory_space<vmem>>, vector<1x16xf32>,
      %mul3A_177 = arith.mulf %sub3A_170, %sub3A_170 : vector<16xf32>
      %add3A_178 = arith.addf %add3A_161, %mul3A_177 : vector<16xf32>
      %get3A_179 = arith.index_cast %scan3A_60 : i32 to index
      %get3A_180 = arith.constant 112 : index
      %get3A_181 = tpu.vector_load %arg9[%get3A_179, %get3A_180] {strides = array<i32>} : memref<128x256xf32, #tpu.memory_space<vmem>>, vector<1x16xf32>,
      %get3A_182 = vector.shape_cast %get3A_181 : vector<1x16xf32> to vector<16xf32>
      %get3A_183 = arith.index_cast %scan3A_60 : i32 to index
      %get3A_184 = arith.constant 112 : index
      %get3A_185 = tpu.vector_load %arg8[%get3A_183, %get3A_184] {strides = array<i32>} : memref<128x256xf32, #tpu.memory_space<vmem>>, vector<1x16xf32>,
      %get3A_186 = vector.shape_cast %get3A_185 : vector<1x16xf32> to vector<16xf32>
      %sub3A_187 = arith.subf %get3A_186, %get3A_182 : vector<16xf32>
      %add3A_188 = arith.addf %get3A_182, %sub3A_187 : vector<16xf32>
      %swap3A_189 = arith.index_cast %scan3A_60 : i32 to index
      %swap3A_190 = arith.constant 112 : index
      %swap3A_191 = tpu.vector_load %arg8[%swap3A_189, %swap3A_190] {strides = array<i32>} : memref<128x256xf32, #tpu.memory_space<vmem>>, vector<1x16xf32>,
      %swap3A_192 = vector.shape_cast %swap3A_191 : vector<1x16xf32> to vector<16xf32>
      %swap3A_193 = vector.shape_cast %add3A_188 : vector<16xf32> to vector<1x16xf32>
      tpu.vector_store %arg8[%swap3A_189, %swap3A_190], %swap3A_193 {strides = array<i32>} : memref<128x256xf32, #tpu.memory_space<vmem>>, vector<1x16xf32>,
      %mul3A_194 = arith.mulf %sub3A_187, %sub3A_187 : vector<16xf32>
      %add3A_195 = arith.addf %add3A_178, %mul3A_194 : vector<16xf32>
      %get3A_196 = arith.index_cast %scan3A_60 : i32 to index
      %get3A_197 = arith.constant 128 : index
      %get3A_198 = tpu.vector_load %arg9[%get3A_196, %get3A_197] {strides = array<i32>} : memref<128x256xf32, #tpu.memory_space<vmem>>, vector<1x16xf32>,
      %get3A_199 = vector.shape_cast %get3A_198 : vector<1x16xf32> to vector<16xf32>
      %get3A_200 = arith.index_cast %scan3A_60 : i32 to index
      %get3A_201 = arith.constant 128 : index
      %get3A_202 = tpu.vector_load %arg8[%get3A_200, %get3A_201] {strides = array<i32>} : memref<128x256xf32, #tpu.memory_space<vmem>>, vector<1x16xf32>,
      %get3A_203 = vector.shape_cast %get3A_202 : vector<1x16xf32> to vector<16xf32>
      %sub3A_204 = arith.subf %get3A_203, %get3A_199 : vector<16xf32>
      %add3A_205 = arith.addf %get3A_199, %sub3A_204 : vector<16xf32>
      %swap3A_206 = arith.index_cast %scan3A_60 : i32 to index
      %swap3A_207 = arith.constant 128 : index
      %swap3A_208 = tpu.vector_load %arg8[%swap3A_206, %swap3A_207] {strides = array<i32>} : memref<128x256xf32, #tpu.memory_space<vmem>>, vector<1x16xf32>,
      %swap3A_209 = vector.shape_cast %swap3A_208 : vector<1x16xf32> to vector<16xf32>
      %swap3A_210 = vector.shape_cast %add3A_205 : vector<16xf32> to vector<1x16xf32>
      tpu.vector_store %arg8[%swap3A_206, %swap3A_207], %swap3A_210 {strides = array<i32>} : memref<128x256xf32, #tpu.memory_space<vmem>>, vector<1x16xf32>,
      %mul3A_211 = arith.mulf %sub3A_204, %sub3A_204 : vector<16xf32>
      %add3A_212 = arith.addf %add3A_195, %mul3A_211 : vector<16xf32>
      %get3A_213 = arith.index_cast %scan3A_60 : i32 to index
      %get3A_214 = arith.constant 144 : index
      %get3A_215 = tpu.vector_load %arg9[%get3A_213, %get3A_214] {strides = array<i32>} : memref<128x256xf32, #tpu.memory_space<vmem>>, vector<1x16xf32>,
      %get3A_216 = vector.shape_cast %get3A_215 : vector<1x16xf32> to vector<16xf32>
      %get3A_217 = arith.index_cast %scan3A_60 : i32 to index
      %get3A_218 = arith.constant 144 : index
      %get3A_219 = tpu.vector_load %arg8[%get3A_217, %get3A_218] {strides = array<i32>} : memref<128x256xf32, #tpu.memory_space<vmem>>, vector<1x16xf32>,
      %get3A_220 = vector.shape_cast %get3A_219 : vector<1x16xf32> to vector<16xf32>
      %sub3A_221 = arith.subf %get3A_220, %get3A_216 : vector<16xf32>
      %add3A_222 = arith.addf %get3A_216, %sub3A_221 : vector<16xf32>
      %swap3A_223 = arith.index_cast %scan3A_60 : i32 to index
      %swap3A_224 = arith.constant 144 : index
      %swap3A_225 = tpu.vector_load %arg8[%swap3A_223, %swap3A_224] {strides = array<i32>} : memref<128x256xf32, #tpu.memory_space<vmem>>, vector<1x16xf32>,
      %swap3A_226 = vector.shape_cast %swap3A_225 : vector<1x16xf32> to vector<16xf32>
      %swap3A_227 = vector.shape_cast %add3A_222 : vector<16xf32> to vector<1x16xf32>
      tpu.vector_store %arg8[%swap3A_223, %swap3A_224], %swap3A_227 {strides = array<i32>} : memref<128x256xf32, #tpu.memory_space<vmem>>, vector<1x16xf32>,
      %mul3A_228 = arith.mulf %sub3A_221, %sub3A_221 : vector<16xf32>
      %add3A_229 = arith.addf %add3A_212, %mul3A_228 : vector<16xf32>
      %get3A_230 = arith.index_cast %scan3A_60 : i32 to index
      %get3A_231 = arith.constant 160 : index
      %get3A_232 = tpu.vector_load %arg9[%get3A_230, %get3A_231] {strides = array<i32>} : memref<128x256xf32, #tpu.memory_space<vmem>>, vector<1x16xf32>,
      %get3A_233 = vector.shape_cast %get3A_232 : vector<1x16xf32> to vector<16xf32>
      %get3A_234 = arith.index_cast %scan3A_60 : i32 to index
      %get3A_235 = arith.constant 160 : index
      %get3A_236 = tpu.vector_load %arg8[%get3A_234, %get3A_235] {strides = array<i32>} : memref<128x256xf32, #tpu.memory_space<vmem>>, vector<1x16xf32>,
      %get3A_237 = vector.shape_cast %get3A_236 : vector<1x16xf32> to vector<16xf32>
      %sub3A_238 = arith.subf %get3A_237, %get3A_233 : vector<16xf32>
      %add3A_239 = arith.addf %get3A_233, %sub3A_238 : vector<16xf32>
      %swap3A_240 = arith.index_cast %scan3A_60 : i32 to index
      %swap3A_241 = arith.constant 160 : index
      %swap3A_242 = tpu.vector_load %arg8[%swap3A_240, %swap3A_241] {strides = array<i32>} : memref<128x256xf32, #tpu.memory_space<vmem>>, vector<1x16xf32>,
      %swap3A_243 = vector.shape_cast %swap3A_242 : vector<1x16xf32> to vector<16xf32>
      %swap3A_244 = vector.shape_cast %add3A_239 : vector<16xf32> to vector<1x16xf32>
      tpu.vector_store %arg8[%swap3A_240, %swap3A_241], %swap3A_244 {strides = array<i32>} : memref<128x256xf32, #tpu.memory_space<vmem>>, vector<1x16xf32>,
      %mul3A_245 = arith.mulf %sub3A_238, %sub3A_238 : vector<16xf32>
      %add3A_246 = arith.addf %add3A_229, %mul3A_245 : vector<16xf32>
      %get3A_247 = arith.index_cast %scan3A_60 : i32 to index
      %get3A_248 = arith.constant 176 : index
      %get3A_249 = tpu.vector_load %arg9[%get3A_247, %get3A_248] {strides = array<i32>} : memref<128x256xf32, #tpu.memory_space<vmem>>, vector<1x16xf32>,
      %get3A_250 = vector.shape_cast %get3A_249 : vector<1x16xf32> to vector<16xf32>
      %get3A_251 = arith.index_cast %scan3A_60 : i32 to index
      %get3A_252 = arith.constant 176 : index
      %get3A_253 = tpu.vector_load %arg8[%get3A_251, %get3A_252] {strides = array<i32>} : memref<128x256xf32, #tpu.memory_space<vmem>>, vector<1x16xf32>,
      %get3A_254 = vector.shape_cast %get3A_253 : vector<1x16xf32> to vector<16xf32>
      %sub3A_255 = arith.subf %get3A_254, %get3A_250 : vector<16xf32>
      %add3A_256 = arith.addf %get3A_250, %sub3A_255 : vector<16xf32>
      %swap3A_257 = arith.index_cast %scan3A_60 : i32 to index
      %swap3A_258 = arith.constant 176 : index
      %swap3A_259 = tpu.vector_load %arg8[%swap3A_257, %swap3A_258] {strides = array<i32>} : memref<128x256xf32, #tpu.memory_space<vmem>>, vector<1x16xf32>,
      %swap3A_260 = vector.shape_cast %swap3A_259 : vector<1x16xf32> to vector<16xf32>
      %swap3A_261 = vector.shape_cast %add3A_256 : vector<16xf32> to vector<1x16xf32>
      tpu.vector_store %arg8[%swap3A_257, %swap3A_258], %swap3A_261 {strides = array<i32>} : memref<128x256xf32, #tpu.memory_space<vmem>>, vector<1x16xf32>,
      %mul3A_262 = arith.mulf %sub3A_255, %sub3A_255 : vector<16xf32>
      %add3A_263 = arith.addf %add3A_246, %mul3A_262 : vector<16xf32>
      %get3A_264 = arith.index_cast %scan3A_60 : i32 to index
      %get3A_265 = arith.constant 192 : index
      %get3A_266 = tpu.vector_load %arg9[%get3A_264, %get3A_265] {strides = array<i32>} : memref<128x256xf32, #tpu.memory_space<vmem>>, vector<1x16xf32>,
      %get3A_267 = vector.shape_cast %get3A_266 : vector<1x16xf32> to vector<16xf32>
      %get3A_268 = arith.index_cast %scan3A_60 : i32 to index
      %get3A_269 = arith.constant 192 : index
      %get3A_270 = tpu.vector_load %arg8[%get3A_268, %get3A_269] {strides = array<i32>} : memref<128x256xf32, #tpu.memory_space<vmem>>, vector<1x16xf32>,
      %get3A_271 = vector.shape_cast %get3A_270 : vector<1x16xf32> to vector<16xf32>
      %sub3A_272 = arith.subf %get3A_271, %get3A_267 : vector<16xf32>
      %add3A_273 = arith.addf %get3A_267, %sub3A_272 : vector<16xf32>
      %swap3A_274 = arith.index_cast %scan3A_60 : i32 to index
      %swap3A_275 = arith.constant 192 : index
      %swap3A_276 = tpu.vector_load %arg8[%swap3A_274, %swap3A_275] {strides = array<i32>} : memref<128x256xf32, #tpu.memory_space<vmem>>, vector<1x16xf32>,
      %swap3A_277 = vector.shape_cast %swap3A_276 : vector<1x16xf32> to vector<16xf32>
      %swap3A_278 = vector.shape_cast %add3A_273 : vector<16xf32> to vector<1x16xf32>
      tpu.vector_store %arg8[%swap3A_274, %swap3A_275], %swap3A_278 {strides = array<i32>} : memref<128x256xf32, #tpu.memory_space<vmem>>, vector<1x16xf32>,
      %mul3A_279 = arith.mulf %sub3A_272, %sub3A_272 : vector<16xf32>
      %add3A_280 = arith.addf %add3A_263, %mul3A_279 : vector<16xf32>
      %get3A_281 = arith.index_cast %scan3A_60 : i32 to index
      %get3A_282 = arith.constant 208 : index
      %get3A_283 = tpu.vector_load %arg9[%get3A_281, %get3A_282] {strides = array<i32>} : memref<128x256xf32, #tpu.memory_space<vmem>>, vector<1x16xf32>,
      %get3A_284 = vector.shape_cast %get3A_283 : vector<1x16xf32> to vector<16xf32>
      %get3A_285 = arith.index_cast %scan3A_60 : i32 to index
      %get3A_286 = arith.constant 208 : index
      %get3A_287 = tpu.vector_load %arg8[%get3A_285, %get3A_286] {strides = array<i32>} : memref<128x256xf32, #tpu.memory_space<vmem>>, vector<1x16xf32>,
      %get3A_288 = vector.shape_cast %get3A_287 : vector<1x16xf32> to vector<16xf32>
      %sub3A_289 = arith.subf %get3A_288, %get3A_284 : vector<16xf32>
      %add3A_290 = arith.addf %get3A_284, %sub3A_289 : vector<16xf32>
      %swap3A_291 = arith.index_cast %scan3A_60 : i32 to index
      %swap3A_292 = arith.constant 208 : index
      %swap3A_293 = tpu.vector_load %arg8[%swap3A_291, %swap3A_292] {strides = array<i32>} : memref<128x256xf32, #tpu.memory_space<vmem>>, vector<1x16xf32>,
      %swap3A_294 = vector.shape_cast %swap3A_293 : vector<1x16xf32> to vector<16xf32>
      %swap3A_295 = vector.shape_cast %add3A_290 : vector<16xf32> to vector<1x16xf32>
      tpu.vector_store %arg8[%swap3A_291, %swap3A_292], %swap3A_295 {strides = array<i32>} : memref<128x256xf32, #tpu.memory_space<vmem>>, vector<1x16xf32>,
      %mul3A_296 = arith.mulf %sub3A_289, %sub3A_289 : vector<16xf32>
      %add3A_297 = arith.addf %add3A_280, %mul3A_296 : vector<16xf32>
      %get3A_298 = arith.index_cast %scan3A_60 : i32 to index
      %get3A_299 = arith.constant 224 : index
      %get3A_300 = tpu.vector_load %arg9[%get3A_298, %get3A_299] {strides = array<i32>} : memref<128x256xf32, #tpu.memory_space<vmem>>, vector<1x16xf32>,
      %get3A_301 = vector.shape_cast %get3A_300 : vector<1x16xf32> to vector<16xf32>
      %get3A_302 = arith.index_cast %scan3A_60 : i32 to index
      %get3A_303 = arith.constant 224 : index
      %get3A_304 = tpu.vector_load %arg8[%get3A_302, %get3A_303] {strides = array<i32>} : memref<128x256xf32, #tpu.memory_space<vmem>>, vector<1x16xf32>,
      %get3A_305 = vector.shape_cast %get3A_304 : vector<1x16xf32> to vector<16xf32>
      %sub3A_306 = arith.subf %get3A_305, %get3A_301 : vector<16xf32>
      %add3A_307 = arith.addf %get3A_301, %sub3A_306 : vector<16xf32>
      %swap3A_308 = arith.index_cast %scan3A_60 : i32 to index
      %swap3A_309 = arith.constant 224 : index
      %swap3A_310 = tpu.vector_load %arg8[%swap3A_308, %swap3A_309] {strides = array<i32>} : memref<128x256xf32, #tpu.memory_space<vmem>>, vector<1x16xf32>,
      %swap3A_311 = vector.shape_cast %swap3A_310 : vector<1x16xf32> to vector<16xf32>
      %swap3A_312 = vector.shape_cast %add3A_307 : vector<16xf32> to vector<1x16xf32>
      tpu.vector_store %arg8[%swap3A_308, %swap3A_309], %swap3A_312 {strides = array<i32>} : memref<128x256xf32, #tpu.memory_space<vmem>>, vector<1x16xf32>,
      %mul3A_313 = arith.mulf %sub3A_306, %sub3A_306 : vector<16xf32>
      %add3A_314 = arith.addf %add3A_297, %mul3A_313 : vector<16xf32>
      %get3A_315 = arith.index_cast %scan3A_60 : i32 to index
      %get3A_316 = arith.constant 240 : index
      %get3A_317 = tpu.vector_load %arg9[%get3A_315, %get3A_316] {strides = array<i32>} : memref<128x256xf32, #tpu.memory_space<vmem>>, vector<1x16xf32>,
      %get3A_318 = vector.shape_cast %get3A_317 : vector<1x16xf32> to vector<16xf32>
      %get3A_319 = arith.index_cast %scan3A_60 : i32 to index
      %get3A_320 = arith.constant 240 : index
      %get3A_321 = tpu.vector_load %arg8[%get3A_319, %get3A_320] {strides = array<i32>} : memref<128x256xf32, #tpu.memory_space<vmem>>, vector<1x16xf32>,
      %get3A_322 = vector.shape_cast %get3A_321 : vector<1x16xf32> to vector<16xf32>
      %sub3A_323 = arith.subf %get3A_322, %get3A_318 : vector<16xf32>
      %add3A_324 = arith.addf %get3A_318, %sub3A_323 : vector<16xf32>
      %swap3A_325 = arith.index_cast %scan3A_60 : i32 to index
      %swap3A_326 = arith.constant 240 : index
      %swap3A_327 = tpu.vector_load %arg8[%swap3A_325, %swap3A_326] {strides = array<i32>} : memref<128x256xf32, #tpu.memory_space<vmem>>, vector<1x16xf32>,
      %swap3A_328 = vector.shape_cast %swap3A_327 : vector<1x16xf32> to vector<16xf32>
      %swap3A_329 = vector.shape_cast %add3A_324 : vector<16xf32> to vector<1x16xf32>
      tpu.vector_store %arg8[%swap3A_325, %swap3A_326], %swap3A_329 {strides = array<i32>} : memref<128x256xf32, #tpu.memory_space<vmem>>, vector<1x16xf32>,
      %mul3A_330 = arith.mulf %sub3A_323, %sub3A_323 : vector<16xf32>
      %add3A_331 = arith.addf %add3A_314, %mul3A_330 : vector<16xf32>
      scf.yield %add3A_331 : vector<16xf32>
    }
    %scan3A_42 = arith.constant 128 : i32
    "tpu.region"() ({
      %run_scoped3A = tpu.sem_alloc : memref<!tpu.dma_semaphore, #tpu.memory_space<semaphore_mem>>
      %dma_start3A_60 = arith.constant 0 : i32
      %dma_start3A_61 = tpu.memref_slice %arg5[%add3A_30, %dma_start3A_60] : memref<16384x256xf32, #tpu.memory_space<hbm>> -> memref<128x256xf32, #tpu.memory_space<hbm>>
      %dma_start3A_62 = arith.constant 0 : i32
      %dma_start3A_63 = tpu.memref_slice %arg5[%add3A_30, %dma_start3A_62] : memref<16384x256xf32, #tpu.memory_space<hbm>> -> memref<128x256xf32, #tpu.memory_space<hbm>>
      tpu.enqueue_dma source(%arg8 : memref<128x256xf32, #tpu.memory_space<vmem>>) target(%dma_start3A_63 : memref<128x256xf32, #tpu.memory_space<hbm>>) target_semaphore(%run_scoped3A : memref<!tpu.dma_semaphore, #tpu.memory_space<semaphore_mem>>)
      %dma_wait3A_64 = arith.constant 0 : i32
      %dma_wait3A_65 = tpu.memref_slice %arg5[%add3A_30, %dma_wait3A_64] : memref<16384x256xf32, #tpu.memory_space<hbm>> -> memref<128x256xf32, #tpu.memory_space<hbm>>
      %dma_wait3A_66 = arith.constant 0 : i32
      %dma_wait3A_67 = tpu.memref_slice %arg5[%add3A_30, %dma_wait3A_66] : memref<16384x256xf32, #tpu.memory_space<hbm>> -> memref<128x256xf32, #tpu.memory_space<hbm>>
      tpu.wait_dma2 semaphore(%run_scoped3A : memref<!tpu.dma_semaphore, #tpu.memory_space<semaphore_mem>>) src(%arg8 : memref<128x256xf32, #tpu.memory_space<vmem>>) dst(%dma_wait3A_67 : memref<128x256xf32, #tpu.memory_space<hbm>>)
      tpu.yield
    }) : () -> ()
    %add3A_43 = arith.constant 384 : i32
    %add3A_44 = arith.addi %mul3A_2, %add3A_43 : i32
    "tpu.region"() ({
      %run_scoped3A = tpu.sem_alloc : memref<!tpu.dma_semaphore, #tpu.memory_space<semaphore_mem>>
      %dma_start3A_60 = tpu.memref_slice %arg3[%add3A_44] : memref<16384xi32, #tpu.memory_space<hbm>> -> memref<128xi32, #tpu.memory_space<hbm>>
      %dma_start3A_61 = tpu.memref_slice %arg3[%add3A_44] : memref<16384xi32, #tpu.memory_space<hbm>> -> memref<128xi32, #tpu.memory_space<hbm>>
      tpu.enqueue_dma source(%dma_start3A_61 : memref<128xi32, #tpu.memory_space<hbm>>) target(%arg7 : memref<128xi32, #tpu.memory_space<vmem>>) target_semaphore(%run_scoped3A : memref<!tpu.dma_semaphore, #tpu.memory_space<semaphore_mem>>)
      %dma_wait3A_62 = tpu.memref_slice %arg3[%add3A_44] : memref<16384xi32, #tpu.memory_space<hbm>> -> memref<128xi32, #tpu.memory_space<hbm>>
      %dma_wait3A_63 = tpu.memref_slice %arg3[%add3A_44] : memref<16384xi32, #tpu.memory_space<hbm>> -> memref<128xi32, #tpu.memory_space<hbm>>
      tpu.wait_dma2 semaphore(%run_scoped3A : memref<!tpu.dma_semaphore, #tpu.memory_space<semaphore_mem>>) src(%dma_wait3A_63 : memref<128xi32, #tpu.memory_space<hbm>>) dst(%arg7 : memref<128xi32, #tpu.memory_space<vmem>>)
      tpu.yield
    }) : () -> ()
    %dma_start3A_45 = arith.constant 0 : i32
    %dma_start3A_46 = arith.constant 0 : i32
    %dma_start3A_47 = tpu.memref_slice %arg2[%dma_start3A_45, %dma_start3A_46] : memref<8192x256xf32, #tpu.memory_space<hbm>> -> memref<8192x256xf32, #tpu.memory_space<hbm>>
    tpu.enqueue_indirect_dma source(%dma_start3A_47 : memref<8192x256xf32, #tpu.memory_space<hbm>>) target(%arg8 : memref<128x256xf32, #tpu.memory_space<vmem>>) offsets(%arg7 : memref<128xi32, #tpu.memory_space<vmem>>) semaphore(%arg11 : memref<!tpu.dma_semaphore, #tpu.memory_space<semaphore_mem>>)
    %dma_wait3A_48 = arith.constant 0 : i32
    %dma_wait3A_49 = arith.constant 0 : i32
    %dma_wait3A_50 = tpu.memref_slice %arg2[%dma_wait3A_48, %dma_wait3A_49] : memref<8192x256xf32, #tpu.memory_space<hbm>> -> memref<8192x256xf32, #tpu.memory_space<hbm>>
    tpu.wait_indirect_dma semaphore(%arg11 : memref<!tpu.dma_semaphore, #tpu.memory_space<semaphore_mem>>) src(%dma_wait3A_50 : memref<8192x256xf32, #tpu.memory_space<hbm>>) dst(%arg8 : memref<128x256xf32, #tpu.memory_space<vmem>>)
    "tpu.region"() ({
      %run_scoped3A = tpu.sem_alloc : memref<!tpu.dma_semaphore, #tpu.memory_space<semaphore_mem>>
      %dma_start3A_60 = arith.constant 0 : i32
      %dma_start3A_61 = tpu.memref_slice %arg4[%add3A_44, %dma_start3A_60] : memref<16384x256xf32, #tpu.memory_space<hbm>> -> memref<128x256xf32, #tpu.memory_space<hbm>>
      %dma_start3A_62 = arith.constant 0 : i32
      %dma_start3A_63 = tpu.memref_slice %arg4[%add3A_44, %dma_start3A_62] : memref<16384x256xf32, #tpu.memory_space<hbm>> -> memref<128x256xf32, #tpu.memory_space<hbm>>
      tpu.enqueue_dma source(%dma_start3A_63 : memref<128x256xf32, #tpu.memory_space<hbm>>) target(%arg9 : memref<128x256xf32, #tpu.memory_space<vmem>>) target_semaphore(%run_scoped3A : memref<!tpu.dma_semaphore, #tpu.memory_space<semaphore_mem>>)
      %dma_wait3A_64 = arith.constant 0 : i32
      %dma_wait3A_65 = tpu.memref_slice %arg4[%add3A_44, %dma_wait3A_64] : memref<16384x256xf32, #tpu.memory_space<hbm>> -> memref<128x256xf32, #tpu.memory_space<hbm>>
      %dma_wait3A_66 = arith.constant 0 : i32
      %dma_wait3A_67 = tpu.memref_slice %arg4[%add3A_44, %dma_wait3A_66] : memref<16384x256xf32, #tpu.memory_space<hbm>> -> memref<128x256xf32, #tpu.memory_space<hbm>>
      tpu.wait_dma2 semaphore(%run_scoped3A : memref<!tpu.dma_semaphore, #tpu.memory_space<semaphore_mem>>) src(%dma_wait3A_67 : memref<128x256xf32, #tpu.memory_space<hbm>>) dst(%arg9 : memref<128x256xf32, #tpu.memory_space<vmem>>)
      tpu.yield
    }) : () -> ()
    %scan3A_51 = arith.constant 0 : i32
    %scan3A_52 = arith.constant 128 : i32
    %scan3A_53 = arith.addi %scan3A_51, %scan3A_52 : i32
    %scan3A_54 = arith.constant 1 : i32
    %scan3A_55 = scf.for %scan3A_60 = %scan3A_51 to %scan3A_53 step %scan3A_54 iter_args(%scan3A_61 = %scan3A_41) -> (vector<16xf32>)  : i32 {
      %get3A = arith.index_cast %scan3A_60 : i32 to index
      %get3A_62 = arith.constant 0 : index
      %get3A_63 = tpu.vector_load %arg9[%get3A, %get3A_62] {strides = array<i32>} : memref<128x256xf32, #tpu.memory_space<vmem>>, vector<1x16xf32>,
      %get3A_64 = vector.shape_cast %get3A_63 : vector<1x16xf32> to vector<16xf32>
      %get3A_65 = arith.index_cast %scan3A_60 : i32 to index
      %get3A_66 = arith.constant 0 : index
      %get3A_67 = tpu.vector_load %arg8[%get3A_65, %get3A_66] {strides = array<i32>} : memref<128x256xf32, #tpu.memory_space<vmem>>, vector<1x16xf32>,
      %get3A_68 = vector.shape_cast %get3A_67 : vector<1x16xf32> to vector<16xf32>
      %sub3A = arith.subf %get3A_68, %get3A_64 : vector<16xf32>
      %add3A_69 = arith.addf %get3A_64, %sub3A : vector<16xf32>
      %swap3A_70 = arith.index_cast %scan3A_60 : i32 to index
      %swap3A_71 = arith.constant 0 : index
      %swap3A_72 = tpu.vector_load %arg8[%swap3A_70, %swap3A_71] {strides = array<i32>} : memref<128x256xf32, #tpu.memory_space<vmem>>, vector<1x16xf32>,
      %swap3A_73 = vector.shape_cast %swap3A_72 : vector<1x16xf32> to vector<16xf32>
      %swap3A_74 = vector.shape_cast %add3A_69 : vector<16xf32> to vector<1x16xf32>
      tpu.vector_store %arg8[%swap3A_70, %swap3A_71], %swap3A_74 {strides = array<i32>} : memref<128x256xf32, #tpu.memory_space<vmem>>, vector<1x16xf32>,
      %mul3A_75 = arith.mulf %sub3A, %sub3A : vector<16xf32>
      %add3A_76 = arith.addf %scan3A_61, %mul3A_75 : vector<16xf32>
      %get3A_77 = arith.index_cast %scan3A_60 : i32 to index
      %get3A_78 = arith.constant 16 : index
      %get3A_79 = tpu.vector_load %arg9[%get3A_77, %get3A_78] {strides = array<i32>} : memref<128x256xf32, #tpu.memory_space<vmem>>, vector<1x16xf32>,
      %get3A_80 = vector.shape_cast %get3A_79 : vector<1x16xf32> to vector<16xf32>
      %get3A_81 = arith.index_cast %scan3A_60 : i32 to index
      %get3A_82 = arith.constant 16 : index
      %get3A_83 = tpu.vector_load %arg8[%get3A_81, %get3A_82] {strides = array<i32>} : memref<128x256xf32, #tpu.memory_space<vmem>>, vector<1x16xf32>,
      %get3A_84 = vector.shape_cast %get3A_83 : vector<1x16xf32> to vector<16xf32>
      %sub3A_85 = arith.subf %get3A_84, %get3A_80 : vector<16xf32>
      %add3A_86 = arith.addf %get3A_80, %sub3A_85 : vector<16xf32>
      %swap3A_87 = arith.index_cast %scan3A_60 : i32 to index
      %swap3A_88 = arith.constant 16 : index
      %swap3A_89 = tpu.vector_load %arg8[%swap3A_87, %swap3A_88] {strides = array<i32>} : memref<128x256xf32, #tpu.memory_space<vmem>>, vector<1x16xf32>,
      %swap3A_90 = vector.shape_cast %swap3A_89 : vector<1x16xf32> to vector<16xf32>
      %swap3A_91 = vector.shape_cast %add3A_86 : vector<16xf32> to vector<1x16xf32>
      tpu.vector_store %arg8[%swap3A_87, %swap3A_88], %swap3A_91 {strides = array<i32>} : memref<128x256xf32, #tpu.memory_space<vmem>>, vector<1x16xf32>,
      %mul3A_92 = arith.mulf %sub3A_85, %sub3A_85 : vector<16xf32>
      %add3A_93 = arith.addf %add3A_76, %mul3A_92 : vector<16xf32>
      %get3A_94 = arith.index_cast %scan3A_60 : i32 to index
      %get3A_95 = arith.constant 32 : index
      %get3A_96 = tpu.vector_load %arg9[%get3A_94, %get3A_95] {strides = array<i32>} : memref<128x256xf32, #tpu.memory_space<vmem>>, vector<1x16xf32>,
      %get3A_97 = vector.shape_cast %get3A_96 : vector<1x16xf32> to vector<16xf32>
      %get3A_98 = arith.index_cast %scan3A_60 : i32 to index
      %get3A_99 = arith.constant 32 : index
      %get3A_100 = tpu.vector_load %arg8[%get3A_98, %get3A_99] {strides = array<i32>} : memref<128x256xf32, #tpu.memory_space<vmem>>, vector<1x16xf32>,
      %get3A_101 = vector.shape_cast %get3A_100 : vector<1x16xf32> to vector<16xf32>
      %sub3A_102 = arith.subf %get3A_101, %get3A_97 : vector<16xf32>
      %add3A_103 = arith.addf %get3A_97, %sub3A_102 : vector<16xf32>
      %swap3A_104 = arith.index_cast %scan3A_60 : i32 to index
      %swap3A_105 = arith.constant 32 : index
      %swap3A_106 = tpu.vector_load %arg8[%swap3A_104, %swap3A_105] {strides = array<i32>} : memref<128x256xf32, #tpu.memory_space<vmem>>, vector<1x16xf32>,
      %swap3A_107 = vector.shape_cast %swap3A_106 : vector<1x16xf32> to vector<16xf32>
      %swap3A_108 = vector.shape_cast %add3A_103 : vector<16xf32> to vector<1x16xf32>
      tpu.vector_store %arg8[%swap3A_104, %swap3A_105], %swap3A_108 {strides = array<i32>} : memref<128x256xf32, #tpu.memory_space<vmem>>, vector<1x16xf32>,
      %mul3A_109 = arith.mulf %sub3A_102, %sub3A_102 : vector<16xf32>
      %add3A_110 = arith.addf %add3A_93, %mul3A_109 : vector<16xf32>
      %get3A_111 = arith.index_cast %scan3A_60 : i32 to index
      %get3A_112 = arith.constant 48 : index
      %get3A_113 = tpu.vector_load %arg9[%get3A_111, %get3A_112] {strides = array<i32>} : memref<128x256xf32, #tpu.memory_space<vmem>>, vector<1x16xf32>,
      %get3A_114 = vector.shape_cast %get3A_113 : vector<1x16xf32> to vector<16xf32>
      %get3A_115 = arith.index_cast %scan3A_60 : i32 to index
      %get3A_116 = arith.constant 48 : index
      %get3A_117 = tpu.vector_load %arg8[%get3A_115, %get3A_116] {strides = array<i32>} : memref<128x256xf32, #tpu.memory_space<vmem>>, vector<1x16xf32>,
      %get3A_118 = vector.shape_cast %get3A_117 : vector<1x16xf32> to vector<16xf32>
      %sub3A_119 = arith.subf %get3A_118, %get3A_114 : vector<16xf32>
      %add3A_120 = arith.addf %get3A_114, %sub3A_119 : vector<16xf32>
      %swap3A_121 = arith.index_cast %scan3A_60 : i32 to index
      %swap3A_122 = arith.constant 48 : index
      %swap3A_123 = tpu.vector_load %arg8[%swap3A_121, %swap3A_122] {strides = array<i32>} : memref<128x256xf32, #tpu.memory_space<vmem>>, vector<1x16xf32>,
      %swap3A_124 = vector.shape_cast %swap3A_123 : vector<1x16xf32> to vector<16xf32>
      %swap3A_125 = vector.shape_cast %add3A_120 : vector<16xf32> to vector<1x16xf32>
      tpu.vector_store %arg8[%swap3A_121, %swap3A_122], %swap3A_125 {strides = array<i32>} : memref<128x256xf32, #tpu.memory_space<vmem>>, vector<1x16xf32>,
      %mul3A_126 = arith.mulf %sub3A_119, %sub3A_119 : vector<16xf32>
      %add3A_127 = arith.addf %add3A_110, %mul3A_126 : vector<16xf32>
      %get3A_128 = arith.index_cast %scan3A_60 : i32 to index
      %get3A_129 = arith.constant 64 : index
      %get3A_130 = tpu.vector_load %arg9[%get3A_128, %get3A_129] {strides = array<i32>} : memref<128x256xf32, #tpu.memory_space<vmem>>, vector<1x16xf32>,
      %get3A_131 = vector.shape_cast %get3A_130 : vector<1x16xf32> to vector<16xf32>
      %get3A_132 = arith.index_cast %scan3A_60 : i32 to index
      %get3A_133 = arith.constant 64 : index
      %get3A_134 = tpu.vector_load %arg8[%get3A_132, %get3A_133] {strides = array<i32>} : memref<128x256xf32, #tpu.memory_space<vmem>>, vector<1x16xf32>,
      %get3A_135 = vector.shape_cast %get3A_134 : vector<1x16xf32> to vector<16xf32>
      %sub3A_136 = arith.subf %get3A_135, %get3A_131 : vector<16xf32>
      %add3A_137 = arith.addf %get3A_131, %sub3A_136 : vector<16xf32>
      %swap3A_138 = arith.index_cast %scan3A_60 : i32 to index
      %swap3A_139 = arith.constant 64 : index
      %swap3A_140 = tpu.vector_load %arg8[%swap3A_138, %swap3A_139] {strides = array<i32>} : memref<128x256xf32, #tpu.memory_space<vmem>>, vector<1x16xf32>,
      %swap3A_141 = vector.shape_cast %swap3A_140 : vector<1x16xf32> to vector<16xf32>
      %swap3A_142 = vector.shape_cast %add3A_137 : vector<16xf32> to vector<1x16xf32>
      tpu.vector_store %arg8[%swap3A_138, %swap3A_139], %swap3A_142 {strides = array<i32>} : memref<128x256xf32, #tpu.memory_space<vmem>>, vector<1x16xf32>,
      %mul3A_143 = arith.mulf %sub3A_136, %sub3A_136 : vector<16xf32>
      %add3A_144 = arith.addf %add3A_127, %mul3A_143 : vector<16xf32>
      %get3A_145 = arith.index_cast %scan3A_60 : i32 to index
      %get3A_146 = arith.constant 80 : index
      %get3A_147 = tpu.vector_load %arg9[%get3A_145, %get3A_146] {strides = array<i32>} : memref<128x256xf32, #tpu.memory_space<vmem>>, vector<1x16xf32>,
      %get3A_148 = vector.shape_cast %get3A_147 : vector<1x16xf32> to vector<16xf32>
      %get3A_149 = arith.index_cast %scan3A_60 : i32 to index
      %get3A_150 = arith.constant 80 : index
      %get3A_151 = tpu.vector_load %arg8[%get3A_149, %get3A_150] {strides = array<i32>} : memref<128x256xf32, #tpu.memory_space<vmem>>, vector<1x16xf32>,
      %get3A_152 = vector.shape_cast %get3A_151 : vector<1x16xf32> to vector<16xf32>
      %sub3A_153 = arith.subf %get3A_152, %get3A_148 : vector<16xf32>
      %add3A_154 = arith.addf %get3A_148, %sub3A_153 : vector<16xf32>
      %swap3A_155 = arith.index_cast %scan3A_60 : i32 to index
      %swap3A_156 = arith.constant 80 : index
      %swap3A_157 = tpu.vector_load %arg8[%swap3A_155, %swap3A_156] {strides = array<i32>} : memref<128x256xf32, #tpu.memory_space<vmem>>, vector<1x16xf32>,
      %swap3A_158 = vector.shape_cast %swap3A_157 : vector<1x16xf32> to vector<16xf32>
      %swap3A_159 = vector.shape_cast %add3A_154 : vector<16xf32> to vector<1x16xf32>
      tpu.vector_store %arg8[%swap3A_155, %swap3A_156], %swap3A_159 {strides = array<i32>} : memref<128x256xf32, #tpu.memory_space<vmem>>, vector<1x16xf32>,
      %mul3A_160 = arith.mulf %sub3A_153, %sub3A_153 : vector<16xf32>
      %add3A_161 = arith.addf %add3A_144, %mul3A_160 : vector<16xf32>
      %get3A_162 = arith.index_cast %scan3A_60 : i32 to index
      %get3A_163 = arith.constant 96 : index
      %get3A_164 = tpu.vector_load %arg9[%get3A_162, %get3A_163] {strides = array<i32>} : memref<128x256xf32, #tpu.memory_space<vmem>>, vector<1x16xf32>,
      %get3A_165 = vector.shape_cast %get3A_164 : vector<1x16xf32> to vector<16xf32>
      %get3A_166 = arith.index_cast %scan3A_60 : i32 to index
      %get3A_167 = arith.constant 96 : index
      %get3A_168 = tpu.vector_load %arg8[%get3A_166, %get3A_167] {strides = array<i32>} : memref<128x256xf32, #tpu.memory_space<vmem>>, vector<1x16xf32>,
      %get3A_169 = vector.shape_cast %get3A_168 : vector<1x16xf32> to vector<16xf32>
      %sub3A_170 = arith.subf %get3A_169, %get3A_165 : vector<16xf32>
      %add3A_171 = arith.addf %get3A_165, %sub3A_170 : vector<16xf32>
      %swap3A_172 = arith.index_cast %scan3A_60 : i32 to index
      %swap3A_173 = arith.constant 96 : index
      %swap3A_174 = tpu.vector_load %arg8[%swap3A_172, %swap3A_173] {strides = array<i32>} : memref<128x256xf32, #tpu.memory_space<vmem>>, vector<1x16xf32>,
      %swap3A_175 = vector.shape_cast %swap3A_174 : vector<1x16xf32> to vector<16xf32>
      %swap3A_176 = vector.shape_cast %add3A_171 : vector<16xf32> to vector<1x16xf32>
      tpu.vector_store %arg8[%swap3A_172, %swap3A_173], %swap3A_176 {strides = array<i32>} : memref<128x256xf32, #tpu.memory_space<vmem>>, vector<1x16xf32>,
      %mul3A_177 = arith.mulf %sub3A_170, %sub3A_170 : vector<16xf32>
      %add3A_178 = arith.addf %add3A_161, %mul3A_177 : vector<16xf32>
      %get3A_179 = arith.index_cast %scan3A_60 : i32 to index
      %get3A_180 = arith.constant 112 : index
      %get3A_181 = tpu.vector_load %arg9[%get3A_179, %get3A_180] {strides = array<i32>} : memref<128x256xf32, #tpu.memory_space<vmem>>, vector<1x16xf32>,
      %get3A_182 = vector.shape_cast %get3A_181 : vector<1x16xf32> to vector<16xf32>
      %get3A_183 = arith.index_cast %scan3A_60 : i32 to index
      %get3A_184 = arith.constant 112 : index
      %get3A_185 = tpu.vector_load %arg8[%get3A_183, %get3A_184] {strides = array<i32>} : memref<128x256xf32, #tpu.memory_space<vmem>>, vector<1x16xf32>,
      %get3A_186 = vector.shape_cast %get3A_185 : vector<1x16xf32> to vector<16xf32>
      %sub3A_187 = arith.subf %get3A_186, %get3A_182 : vector<16xf32>
      %add3A_188 = arith.addf %get3A_182, %sub3A_187 : vector<16xf32>
      %swap3A_189 = arith.index_cast %scan3A_60 : i32 to index
      %swap3A_190 = arith.constant 112 : index
      %swap3A_191 = tpu.vector_load %arg8[%swap3A_189, %swap3A_190] {strides = array<i32>} : memref<128x256xf32, #tpu.memory_space<vmem>>, vector<1x16xf32>,
      %swap3A_192 = vector.shape_cast %swap3A_191 : vector<1x16xf32> to vector<16xf32>
      %swap3A_193 = vector.shape_cast %add3A_188 : vector<16xf32> to vector<1x16xf32>
      tpu.vector_store %arg8[%swap3A_189, %swap3A_190], %swap3A_193 {strides = array<i32>} : memref<128x256xf32, #tpu.memory_space<vmem>>, vector<1x16xf32>,
      %mul3A_194 = arith.mulf %sub3A_187, %sub3A_187 : vector<16xf32>
      %add3A_195 = arith.addf %add3A_178, %mul3A_194 : vector<16xf32>
      %get3A_196 = arith.index_cast %scan3A_60 : i32 to index
      %get3A_197 = arith.constant 128 : index
      %get3A_198 = tpu.vector_load %arg9[%get3A_196, %get3A_197] {strides = array<i32>} : memref<128x256xf32, #tpu.memory_space<vmem>>, vector<1x16xf32>,
      %get3A_199 = vector.shape_cast %get3A_198 : vector<1x16xf32> to vector<16xf32>
      %get3A_200 = arith.index_cast %scan3A_60 : i32 to index
      %get3A_201 = arith.constant 128 : index
      %get3A_202 = tpu.vector_load %arg8[%get3A_200, %get3A_201] {strides = array<i32>} : memref<128x256xf32, #tpu.memory_space<vmem>>, vector<1x16xf32>,
      %get3A_203 = vector.shape_cast %get3A_202 : vector<1x16xf32> to vector<16xf32>
      %sub3A_204 = arith.subf %get3A_203, %get3A_199 : vector<16xf32>
      %add3A_205 = arith.addf %get3A_199, %sub3A_204 : vector<16xf32>
      %swap3A_206 = arith.index_cast %scan3A_60 : i32 to index
      %swap3A_207 = arith.constant 128 : index
      %swap3A_208 = tpu.vector_load %arg8[%swap3A_206, %swap3A_207] {strides = array<i32>} : memref<128x256xf32, #tpu.memory_space<vmem>>, vector<1x16xf32>,
      %swap3A_209 = vector.shape_cast %swap3A_208 : vector<1x16xf32> to vector<16xf32>
      %swap3A_210 = vector.shape_cast %add3A_205 : vector<16xf32> to vector<1x16xf32>
      tpu.vector_store %arg8[%swap3A_206, %swap3A_207], %swap3A_210 {strides = array<i32>} : memref<128x256xf32, #tpu.memory_space<vmem>>, vector<1x16xf32>,
      %mul3A_211 = arith.mulf %sub3A_204, %sub3A_204 : vector<16xf32>
      %add3A_212 = arith.addf %add3A_195, %mul3A_211 : vector<16xf32>
      %get3A_213 = arith.index_cast %scan3A_60 : i32 to index
      %get3A_214 = arith.constant 144 : index
      %get3A_215 = tpu.vector_load %arg9[%get3A_213, %get3A_214] {strides = array<i32>} : memref<128x256xf32, #tpu.memory_space<vmem>>, vector<1x16xf32>,
      %get3A_216 = vector.shape_cast %get3A_215 : vector<1x16xf32> to vector<16xf32>
      %get3A_217 = arith.index_cast %scan3A_60 : i32 to index
      %get3A_218 = arith.constant 144 : index
      %get3A_219 = tpu.vector_load %arg8[%get3A_217, %get3A_218] {strides = array<i32>} : memref<128x256xf32, #tpu.memory_space<vmem>>, vector<1x16xf32>,
      %get3A_220 = vector.shape_cast %get3A_219 : vector<1x16xf32> to vector<16xf32>
      %sub3A_221 = arith.subf %get3A_220, %get3A_216 : vector<16xf32>
      %add3A_222 = arith.addf %get3A_216, %sub3A_221 : vector<16xf32>
      %swap3A_223 = arith.index_cast %scan3A_60 : i32 to index
      %swap3A_224 = arith.constant 144 : index
      %swap3A_225 = tpu.vector_load %arg8[%swap3A_223, %swap3A_224] {strides = array<i32>} : memref<128x256xf32, #tpu.memory_space<vmem>>, vector<1x16xf32>,
      %swap3A_226 = vector.shape_cast %swap3A_225 : vector<1x16xf32> to vector<16xf32>
      %swap3A_227 = vector.shape_cast %add3A_222 : vector<16xf32> to vector<1x16xf32>
      tpu.vector_store %arg8[%swap3A_223, %swap3A_224], %swap3A_227 {strides = array<i32>} : memref<128x256xf32, #tpu.memory_space<vmem>>, vector<1x16xf32>,
      %mul3A_228 = arith.mulf %sub3A_221, %sub3A_221 : vector<16xf32>
      %add3A_229 = arith.addf %add3A_212, %mul3A_228 : vector<16xf32>
      %get3A_230 = arith.index_cast %scan3A_60 : i32 to index
      %get3A_231 = arith.constant 160 : index
      %get3A_232 = tpu.vector_load %arg9[%get3A_230, %get3A_231] {strides = array<i32>} : memref<128x256xf32, #tpu.memory_space<vmem>>, vector<1x16xf32>,
      %get3A_233 = vector.shape_cast %get3A_232 : vector<1x16xf32> to vector<16xf32>
      %get3A_234 = arith.index_cast %scan3A_60 : i32 to index
      %get3A_235 = arith.constant 160 : index
      %get3A_236 = tpu.vector_load %arg8[%get3A_234, %get3A_235] {strides = array<i32>} : memref<128x256xf32, #tpu.memory_space<vmem>>, vector<1x16xf32>,
      %get3A_237 = vector.shape_cast %get3A_236 : vector<1x16xf32> to vector<16xf32>
      %sub3A_238 = arith.subf %get3A_237, %get3A_233 : vector<16xf32>
      %add3A_239 = arith.addf %get3A_233, %sub3A_238 : vector<16xf32>
      %swap3A_240 = arith.index_cast %scan3A_60 : i32 to index
      %swap3A_241 = arith.constant 160 : index
      %swap3A_242 = tpu.vector_load %arg8[%swap3A_240, %swap3A_241] {strides = array<i32>} : memref<128x256xf32, #tpu.memory_space<vmem>>, vector<1x16xf32>,
      %swap3A_243 = vector.shape_cast %swap3A_242 : vector<1x16xf32> to vector<16xf32>
      %swap3A_244 = vector.shape_cast %add3A_239 : vector<16xf32> to vector<1x16xf32>
      tpu.vector_store %arg8[%swap3A_240, %swap3A_241], %swap3A_244 {strides = array<i32>} : memref<128x256xf32, #tpu.memory_space<vmem>>, vector<1x16xf32>,
      %mul3A_245 = arith.mulf %sub3A_238, %sub3A_238 : vector<16xf32>
      %add3A_246 = arith.addf %add3A_229, %mul3A_245 : vector<16xf32>
      %get3A_247 = arith.index_cast %scan3A_60 : i32 to index
      %get3A_248 = arith.constant 176 : index
      %get3A_249 = tpu.vector_load %arg9[%get3A_247, %get3A_248] {strides = array<i32>} : memref<128x256xf32, #tpu.memory_space<vmem>>, vector<1x16xf32>,
      %get3A_250 = vector.shape_cast %get3A_249 : vector<1x16xf32> to vector<16xf32>
      %get3A_251 = arith.index_cast %scan3A_60 : i32 to index
      %get3A_252 = arith.constant 176 : index
      %get3A_253 = tpu.vector_load %arg8[%get3A_251, %get3A_252] {strides = array<i32>} : memref<128x256xf32, #tpu.memory_space<vmem>>, vector<1x16xf32>,
      %get3A_254 = vector.shape_cast %get3A_253 : vector<1x16xf32> to vector<16xf32>
      %sub3A_255 = arith.subf %get3A_254, %get3A_250 : vector<16xf32>
      %add3A_256 = arith.addf %get3A_250, %sub3A_255 : vector<16xf32>
      %swap3A_257 = arith.index_cast %scan3A_60 : i32 to index
      %swap3A_258 = arith.constant 176 : index
      %swap3A_259 = tpu.vector_load %arg8[%swap3A_257, %swap3A_258] {strides = array<i32>} : memref<128x256xf32, #tpu.memory_space<vmem>>, vector<1x16xf32>,
      %swap3A_260 = vector.shape_cast %swap3A_259 : vector<1x16xf32> to vector<16xf32>
      %swap3A_261 = vector.shape_cast %add3A_256 : vector<16xf32> to vector<1x16xf32>
      tpu.vector_store %arg8[%swap3A_257, %swap3A_258], %swap3A_261 {strides = array<i32>} : memref<128x256xf32, #tpu.memory_space<vmem>>, vector<1x16xf32>,
      %mul3A_262 = arith.mulf %sub3A_255, %sub3A_255 : vector<16xf32>
      %add3A_263 = arith.addf %add3A_246, %mul3A_262 : vector<16xf32>
      %get3A_264 = arith.index_cast %scan3A_60 : i32 to index
      %get3A_265 = arith.constant 192 : index
      %get3A_266 = tpu.vector_load %arg9[%get3A_264, %get3A_265] {strides = array<i32>} : memref<128x256xf32, #tpu.memory_space<vmem>>, vector<1x16xf32>,
      %get3A_267 = vector.shape_cast %get3A_266 : vector<1x16xf32> to vector<16xf32>
      %get3A_268 = arith.index_cast %scan3A_60 : i32 to index
      %get3A_269 = arith.constant 192 : index
      %get3A_270 = tpu.vector_load %arg8[%get3A_268, %get3A_269] {strides = array<i32>} : memref<128x256xf32, #tpu.memory_space<vmem>>, vector<1x16xf32>,
      %get3A_271 = vector.shape_cast %get3A_270 : vector<1x16xf32> to vector<16xf32>
      %sub3A_272 = arith.subf %get3A_271, %get3A_267 : vector<16xf32>
      %add3A_273 = arith.addf %get3A_267, %sub3A_272 : vector<16xf32>
      %swap3A_274 = arith.index_cast %scan3A_60 : i32 to index
      %swap3A_275 = arith.constant 192 : index
      %swap3A_276 = tpu.vector_load %arg8[%swap3A_274, %swap3A_275] {strides = array<i32>} : memref<128x256xf32, #tpu.memory_space<vmem>>, vector<1x16xf32>,
      %swap3A_277 = vector.shape_cast %swap3A_276 : vector<1x16xf32> to vector<16xf32>
      %swap3A_278 = vector.shape_cast %add3A_273 : vector<16xf32> to vector<1x16xf32>
      tpu.vector_store %arg8[%swap3A_274, %swap3A_275], %swap3A_278 {strides = array<i32>} : memref<128x256xf32, #tpu.memory_space<vmem>>, vector<1x16xf32>,
      %mul3A_279 = arith.mulf %sub3A_272, %sub3A_272 : vector<16xf32>
      %add3A_280 = arith.addf %add3A_263, %mul3A_279 : vector<16xf32>
      %get3A_281 = arith.index_cast %scan3A_60 : i32 to index
      %get3A_282 = arith.constant 208 : index
      %get3A_283 = tpu.vector_load %arg9[%get3A_281, %get3A_282] {strides = array<i32>} : memref<128x256xf32, #tpu.memory_space<vmem>>, vector<1x16xf32>,
      %get3A_284 = vector.shape_cast %get3A_283 : vector<1x16xf32> to vector<16xf32>
      %get3A_285 = arith.index_cast %scan3A_60 : i32 to index
      %get3A_286 = arith.constant 208 : index
      %get3A_287 = tpu.vector_load %arg8[%get3A_285, %get3A_286] {strides = array<i32>} : memref<128x256xf32, #tpu.memory_space<vmem>>, vector<1x16xf32>,
      %get3A_288 = vector.shape_cast %get3A_287 : vector<1x16xf32> to vector<16xf32>
      %sub3A_289 = arith.subf %get3A_288, %get3A_284 : vector<16xf32>
      %add3A_290 = arith.addf %get3A_284, %sub3A_289 : vector<16xf32>
      %swap3A_291 = arith.index_cast %scan3A_60 : i32 to index
      %swap3A_292 = arith.constant 208 : index
      %swap3A_293 = tpu.vector_load %arg8[%swap3A_291, %swap3A_292] {strides = array<i32>} : memref<128x256xf32, #tpu.memory_space<vmem>>, vector<1x16xf32>,
      %swap3A_294 = vector.shape_cast %swap3A_293 : vector<1x16xf32> to vector<16xf32>
      %swap3A_295 = vector.shape_cast %add3A_290 : vector<16xf32> to vector<1x16xf32>
      tpu.vector_store %arg8[%swap3A_291, %swap3A_292], %swap3A_295 {strides = array<i32>} : memref<128x256xf32, #tpu.memory_space<vmem>>, vector<1x16xf32>,
      %mul3A_296 = arith.mulf %sub3A_289, %sub3A_289 : vector<16xf32>
      %add3A_297 = arith.addf %add3A_280, %mul3A_296 : vector<16xf32>
      %get3A_298 = arith.index_cast %scan3A_60 : i32 to index
      %get3A_299 = arith.constant 224 : index
      %get3A_300 = tpu.vector_load %arg9[%get3A_298, %get3A_299] {strides = array<i32>} : memref<128x256xf32, #tpu.memory_space<vmem>>, vector<1x16xf32>,
      %get3A_301 = vector.shape_cast %get3A_300 : vector<1x16xf32> to vector<16xf32>
      %get3A_302 = arith.index_cast %scan3A_60 : i32 to index
      %get3A_303 = arith.constant 224 : index
      %get3A_304 = tpu.vector_load %arg8[%get3A_302, %get3A_303] {strides = array<i32>} : memref<128x256xf32, #tpu.memory_space<vmem>>, vector<1x16xf32>,
      %get3A_305 = vector.shape_cast %get3A_304 : vector<1x16xf32> to vector<16xf32>
      %sub3A_306 = arith.subf %get3A_305, %get3A_301 : vector<16xf32>
      %add3A_307 = arith.addf %get3A_301, %sub3A_306 : vector<16xf32>
      %swap3A_308 = arith.index_cast %scan3A_60 : i32 to index
      %swap3A_309 = arith.constant 224 : index
      %swap3A_310 = tpu.vector_load %arg8[%swap3A_308, %swap3A_309] {strides = array<i32>} : memref<128x256xf32, #tpu.memory_space<vmem>>, vector<1x16xf32>,
      %swap3A_311 = vector.shape_cast %swap3A_310 : vector<1x16xf32> to vector<16xf32>
      %swap3A_312 = vector.shape_cast %add3A_307 : vector<16xf32> to vector<1x16xf32>
      tpu.vector_store %arg8[%swap3A_308, %swap3A_309], %swap3A_312 {strides = array<i32>} : memref<128x256xf32, #tpu.memory_space<vmem>>, vector<1x16xf32>,
      %mul3A_313 = arith.mulf %sub3A_306, %sub3A_306 : vector<16xf32>
      %add3A_314 = arith.addf %add3A_297, %mul3A_313 : vector<16xf32>
      %get3A_315 = arith.index_cast %scan3A_60 : i32 to index
      %get3A_316 = arith.constant 240 : index
      %get3A_317 = tpu.vector_load %arg9[%get3A_315, %get3A_316] {strides = array<i32>} : memref<128x256xf32, #tpu.memory_space<vmem>>, vector<1x16xf32>,
      %get3A_318 = vector.shape_cast %get3A_317 : vector<1x16xf32> to vector<16xf32>
      %get3A_319 = arith.index_cast %scan3A_60 : i32 to index
      %get3A_320 = arith.constant 240 : index
      %get3A_321 = tpu.vector_load %arg8[%get3A_319, %get3A_320] {strides = array<i32>} : memref<128x256xf32, #tpu.memory_space<vmem>>, vector<1x16xf32>,
      %get3A_322 = vector.shape_cast %get3A_321 : vector<1x16xf32> to vector<16xf32>
      %sub3A_323 = arith.subf %get3A_322, %get3A_318 : vector<16xf32>
      %add3A_324 = arith.addf %get3A_318, %sub3A_323 : vector<16xf32>
      %swap3A_325 = arith.index_cast %scan3A_60 : i32 to index
      %swap3A_326 = arith.constant 240 : index
      %swap3A_327 = tpu.vector_load %arg8[%swap3A_325, %swap3A_326] {strides = array<i32>} : memref<128x256xf32, #tpu.memory_space<vmem>>, vector<1x16xf32>,
      %swap3A_328 = vector.shape_cast %swap3A_327 : vector<1x16xf32> to vector<16xf32>
      %swap3A_329 = vector.shape_cast %add3A_324 : vector<16xf32> to vector<1x16xf32>
      tpu.vector_store %arg8[%swap3A_325, %swap3A_326], %swap3A_329 {strides = array<i32>} : memref<128x256xf32, #tpu.memory_space<vmem>>, vector<1x16xf32>,
      %mul3A_330 = arith.mulf %sub3A_323, %sub3A_323 : vector<16xf32>
      %add3A_331 = arith.addf %add3A_314, %mul3A_330 : vector<16xf32>
      scf.yield %add3A_331 : vector<16xf32>
    }
    %scan3A_56 = arith.constant 128 : i32
    "tpu.region"() ({
      %run_scoped3A = tpu.sem_alloc : memref<!tpu.dma_semaphore, #tpu.memory_space<semaphore_mem>>
      %dma_start3A_60 = arith.constant 0 : i32
      %dma_start3A_61 = tpu.memref_slice %arg5[%add3A_44, %dma_start3A_60] : memref<16384x256xf32, #tpu.memory_space<hbm>> -> memref<128x256xf32, #tpu.memory_space<hbm>>
      %dma_start3A_62 = arith.constant 0 : i32
      %dma_start3A_63 = tpu.memref_slice %arg5[%add3A_44, %dma_start3A_62] : memref<16384x256xf32, #tpu.memory_space<hbm>> -> memref<128x256xf32, #tpu.memory_space<hbm>>
      tpu.enqueue_dma source(%arg8 : memref<128x256xf32, #tpu.memory_space<vmem>>) target(%dma_start3A_63 : memref<128x256xf32, #tpu.memory_space<hbm>>) target_semaphore(%run_scoped3A : memref<!tpu.dma_semaphore, #tpu.memory_space<semaphore_mem>>)
      %dma_wait3A_64 = arith.constant 0 : i32
      %dma_wait3A_65 = tpu.memref_slice %arg5[%add3A_44, %dma_wait3A_64] : memref<16384x256xf32, #tpu.memory_space<hbm>> -> memref<128x256xf32, #tpu.memory_space<hbm>>
      %dma_wait3A_66 = arith.constant 0 : i32
      %dma_wait3A_67 = tpu.memref_slice %arg5[%add3A_44, %dma_wait3A_66] : memref<16384x256xf32, #tpu.memory_space<hbm>> -> memref<128x256xf32, #tpu.memory_space<hbm>>
      tpu.wait_dma2 semaphore(%run_scoped3A : memref<!tpu.dma_semaphore, #tpu.memory_space<semaphore_mem>>) src(%arg8 : memref<128x256xf32, #tpu.memory_space<vmem>>) dst(%dma_wait3A_67 : memref<128x256xf32, #tpu.memory_space<hbm>>)
      tpu.yield
    }) : () -> ()
    %swap3A = arith.constant 0 : index
    %swap3A_57 = tpu.vector_load %arg10[%swap3A] {strides = array<i32>} : memref<16xf32, #tpu.memory_space<vmem>>, vector<16xf32>,
    %swap3A_58 = vector.shape_cast %swap3A_57 : vector<16xf32> to vector<16xf32>
    %swap3A_59 = vector.shape_cast %scan3A_55 : vector<16xf32> to vector<16xf32>
    tpu.vector_store %arg10[%swap3A], %swap3A_59 {strides = array<i32>} : memref<16xf32, #tpu.memory_space<vmem>>, vector<16xf32>,
    "tpu.region"() ({
      %run_scoped3A = tpu.sem_alloc : memref<!tpu.dma_semaphore, #tpu.memory_space<semaphore_mem>>
      %dma_start3A_60 = arith.constant 0 : i32
      %dma_start3A_61 = tpu.memref_slice %arg6[%add3A, %dma_start3A_60] : memref<32x16xf32, #tpu.memory_space<hbm>> -> memref<1x16xf32, #tpu.memory_space<hbm>>
      %dma_start3A_62 = tpu.memref_squeeze %dma_start3A_61 : memref<1x16xf32, #tpu.memory_space<hbm>> -> memref<16xf32, #tpu.memory_space<hbm>>
      %dma_start3A_63 = arith.constant 0 : i32
      %dma_start3A_64 = tpu.memref_slice %arg6[%add3A, %dma_start3A_63] : memref<32x16xf32, #tpu.memory_space<hbm>> -> memref<1x16xf32, #tpu.memory_space<hbm>>
      %dma_start3A_65 = tpu.memref_squeeze %dma_start3A_64 : memref<1x16xf32, #tpu.memory_space<hbm>> -> memref<16xf32, #tpu.memory_space<hbm>>
      tpu.enqueue_dma source(%arg10 : memref<16xf32, #tpu.memory_space<vmem>>) target(%dma_start3A_65 : memref<16xf32, #tpu.memory_space<hbm>>) target_semaphore(%run_scoped3A : memref<!tpu.dma_semaphore, #tpu.memory_space<semaphore_mem>>)
      %dma_wait3A_66 = arith.constant 0 : i32
      %dma_wait3A_67 = tpu.memref_slice %arg6[%add3A, %dma_wait3A_66] : memref<32x16xf32, #tpu.memory_space<hbm>> -> memref<1x16xf32, #tpu.memory_space<hbm>>
      %dma_wait3A_68 = tpu.memref_squeeze %dma_wait3A_67 : memref<1x16xf32, #tpu.memory_space<hbm>> -> memref<16xf32, #tpu.memory_space<hbm>>
      %dma_wait3A_69 = arith.constant 0 : i32
      %dma_wait3A_70 = tpu.memref_slice %arg6[%add3A, %dma_wait3A_69] : memref<32x16xf32, #tpu.memory_space<hbm>> -> memref<1x16xf32, #tpu.memory_space<hbm>>
      %dma_wait3A_71 = tpu.memref_squeeze %dma_wait3A_70 : memref<1x16xf32, #tpu.memory_space<hbm>> -> memref<16xf32, #tpu.memory_space<hbm>>
      tpu.wait_dma2 semaphore(%run_scoped3A : memref<!tpu.dma_semaphore, #tpu.memory_space<semaphore_mem>>) src(%arg10 : memref<16xf32, #tpu.memory_space<vmem>>) dst(%dma_wait3A_71 : memref<16xf32, #tpu.memory_space<hbm>>)
      tpu.yield
    }) : () -> ()
    return
  }
}

module attributes {stable_mosaic.version = 14 : i64} {
  func.func @_argmin_body(%arg0: i32, %arg1: i32, %arg2: memref<1024x256xf32, #tpu.memory_space<vmem>>, %arg3: memref<256x1024xf32, #tpu.memory_space<vmem>>, %arg4: memref<1x1024x1xi32, #tpu.memory_space<vmem>>, %arg5: memref<1024x1xf32, #tpu.memory_space<vmem>>, %arg6: memref<1024x1xi32, #tpu.memory_space<vmem>>) attributes {dimension_semantics = [#tpu.dimension_semantics<arbitrary>, #tpu.dimension_semantics<arbitrary>], iteration_bounds = array<i64: 16, 8>, scalar_prefetch = 0 : i64, scratch_operands = 2 : i64, tpu.core_type = #tpu.core_type<tc>, window_params = [{transform_indices = @transform_0, window_bounds = array<i64: 1024, 256>}, {transform_indices = @transform_1, window_bounds = array<i64: 256, 1024>}, {transform_indices = @transform_2, window_bounds = array<i64: 1, 1024, 1>}]} {
    %get3A = arith.constant 0 : index
    %get3A_0 = arith.constant 0 : index
    %get3A_1 = vector.load %arg2[%get3A, %get3A_0] : memref<1024x256xf32, #tpu.memory_space<vmem>>, vector<1024x256xf32>
    %get3A_2 = arith.constant 0 : index
    %get3A_3 = arith.constant 0 : index
    %get3A_4 = vector.load %arg3[%get3A_2, %get3A_3] : memref<256x1024xf32, #tpu.memory_space<vmem>>, vector<256x1024xf32>
    %dot_general3A = arith.constant dense<0.000000e+00> : vector<1024x1024xf32>
    %dot_general3A_5 = tpu.matmul %get3A_1, %get3A_4, %dot_general3A {dimension_numbers = #tpu.dot_dimension_numbers<[1], [0], [0], [1], [0, 0, 1, 1], [], []>, transpose_lhs_hint = false} : vector<1024x256xf32>, vector<256x1024xf32>, vector<1024x1024xf32> -> vector<1024x1024xf32>
    %mul3A = arith.mulf %get3A_1, %get3A_1 : vector<1024x256xf32>
    %reduce_sum3A = arith.constant dense<0.000000e+00> : vector<1024xf32>
    %reduce_sum3A_6 = vector.multi_reduction <add>, %mul3A, %reduce_sum3A [1] : vector<1024x256xf32> to vector<1024xf32>
    %broadcast_in_dim3A = vector.shape_cast %reduce_sum3A_6 : vector<1024xf32> to vector<1024x1xf32>
    %mul3A_7 = arith.mulf %get3A_4, %get3A_4 : vector<256x1024xf32>
    %reduce_sum3A_8 = arith.constant dense<0.000000e+00> : vector<1024xf32>
    %reduce_sum3A_9 = vector.multi_reduction <add>, %mul3A_7, %reduce_sum3A_8 [0] : vector<256x1024xf32> to vector<1024xf32>
    %broadcast_in_dim3A_10 = vector.shape_cast %reduce_sum3A_9 : vector<1024xf32> to vector<1x1024xf32>
    %mul3A_11 = arith.constant 2.000000e+00 : f32
    %mul3A_12 = vector.broadcast %mul3A_11 : f32 to vector<1024x1024xf32>
    %mul3A_13 = arith.mulf %mul3A_12, %dot_general3A_5 : vector<1024x1024xf32>
    %sub3A = vector.broadcast %broadcast_in_dim3A : vector<1024x1xf32> to vector<1024x1024xf32>
    %sub3A_14 = arith.subf %sub3A, %mul3A_13 : vector<1024x1024xf32>
    %add3A = vector.broadcast %broadcast_in_dim3A_10 : vector<1x1024xf32> to vector<1024x1024xf32>
    %add3A_15 = arith.addf %sub3A_14, %add3A : vector<1024x1024xf32>
    %reduce_min3A = arith.constant dense<0x7F800000> : vector<1024xf32>
    %reduce_min3A_16 = vector.multi_reduction <minimumf>, %add3A_15, %reduce_min3A [1] : vector<1024x1024xf32> to vector<1024xf32>
    %broadcast_in_dim3A_17 = vector.shape_cast %reduce_min3A_16 : vector<1024xf32> to vector<1024x1xf32>
    %iota3A = tpu.iota {dimensions = array<i32: 1>} : vector<1024x1024xi32>
    %eq3A = vector.broadcast %broadcast_in_dim3A_17 : vector<1024x1xf32> to vector<1024x1024xf32>
    %eq3A_18 = arith.cmpf oeq, %add3A_15, %eq3A : vector<1024x1024xf32>
    %jit3A = arith.constant 8192 : i32
    %broadcast_in_dim3A_19 = vector.broadcast %jit3A : i32 to vector<1024x1024xi32>
    %select_n3A = arith.select %eq3A_18, %iota3A, %broadcast_in_dim3A_19 : vector<1024x1024xi1>, vector<1024x1024xi32>
    %reduce_min3A_20 = arith.constant dense<2147483647> : vector<1024xi32>
    %reduce_min3A_21 = vector.multi_reduction <minsi>, %select_n3A, %reduce_min3A_20 [1] : vector<1024x1024xi32> to vector<1024xi32>
    %broadcast_in_dim3A_22 = vector.shape_cast %reduce_min3A_21 : vector<1024xi32> to vector<1024x1xi32>
    %mul3A_23 = arith.constant 1024 : i32
    %mul3A_24 = arith.muli %arg1, %mul3A_23 : i32
    %add3A_25 = vector.broadcast %mul3A_24 : i32 to vector<1024x1xi32>
    %add3A_26 = arith.addi %broadcast_in_dim3A_22, %add3A_25 : vector<1024x1xi32>
    %eq3A_27 = arith.constant 0 : i32
    %eq3A_28 = arith.cmpi eq, %arg1, %eq3A_27 : i32
    %convert_element_type3A = arith.extui %eq3A_28 : i1 to i32
    %cond3A = arith.constant 0 : i32
    %cond3A_29 = arith.cmpi ne, %convert_element_type3A, %cond3A : i32
    scf.if %cond3A_29 {
      %swap3A = arith.constant 0 : index
      %swap3A_39 = arith.constant 0 : index
      %swap3A_40 = vector.load %arg5[%swap3A, %swap3A_39] : memref<1024x1xf32, #tpu.memory_space<vmem>>, vector<1024x1xf32>
      tpu.vector_store %arg5[%swap3A, %swap3A_39], %broadcast_in_dim3A_17 {strides = array<i32>} : memref<1024x1xf32, #tpu.memory_space<vmem>>, vector<1024x1xf32>,
      %swap3A_41 = arith.constant 0 : index
      %swap3A_42 = arith.constant 0 : index
      %swap3A_43 = vector.load %arg6[%swap3A_41, %swap3A_42] : memref<1024x1xi32, #tpu.memory_space<vmem>>, vector<1024x1xi32>
      tpu.vector_store %arg6[%swap3A_41, %swap3A_42], %add3A_26 {strides = array<i32>} : memref<1024x1xi32, #tpu.memory_space<vmem>>, vector<1024x1xi32>,
    } else {
    }
    %gt3A = arith.constant 0 : i32
    %gt3A_30 = arith.cmpi sgt, %arg1, %gt3A : i32
    %convert_element_type3A_31 = arith.extui %gt3A_30 : i1 to i32
    %cond3A_32 = arith.constant 0 : i32
    %cond3A_33 = arith.cmpi ne, %convert_element_type3A_31, %cond3A_32 : i32
    scf.if %cond3A_33 {
      %get3A_39 = arith.constant 0 : index
      %get3A_40 = arith.constant 0 : index
      %get3A_41 = vector.load %arg5[%get3A_39, %get3A_40] : memref<1024x1xf32, #tpu.memory_space<vmem>>, vector<1024x1xf32>
      %lt3A = arith.cmpf olt, %broadcast_in_dim3A_17, %get3A_41 : vector<1024x1xf32>
      %get3A_42 = arith.constant 0 : index
      %get3A_43 = arith.constant 0 : index
      %get3A_44 = vector.load %arg6[%get3A_42, %get3A_43] : memref<1024x1xi32, #tpu.memory_space<vmem>>, vector<1024x1xi32>
      %select_n3A_45 = arith.select %lt3A, %add3A_26, %get3A_44 : vector<1024x1xi1>, vector<1024x1xi32>
      %swap3A = arith.constant 0 : index
      %swap3A_46 = arith.constant 0 : index
      %swap3A_47 = vector.load %arg6[%swap3A, %swap3A_46] : memref<1024x1xi32, #tpu.memory_space<vmem>>, vector<1024x1xi32>
      tpu.vector_store %arg6[%swap3A, %swap3A_46], %select_n3A_45 {strides = array<i32>} : memref<1024x1xi32, #tpu.memory_space<vmem>>, vector<1024x1xi32>,
      %select_n3A_48 = arith.select %lt3A, %broadcast_in_dim3A_17, %get3A_41 : vector<1024x1xi1>, vector<1024x1xf32>
      %swap3A_49 = arith.constant 0 : index
      %swap3A_50 = arith.constant 0 : index
      %swap3A_51 = vector.load %arg5[%swap3A_49, %swap3A_50] : memref<1024x1xf32, #tpu.memory_space<vmem>>, vector<1024x1xf32>
      tpu.vector_store %arg5[%swap3A_49, %swap3A_50], %select_n3A_48 {strides = array<i32>} : memref<1024x1xf32, #tpu.memory_space<vmem>>, vector<1024x1xf32>,
    } else {
    }
    %eq3A_34 = arith.constant 7 : i32
    %eq3A_35 = arith.cmpi eq, %arg1, %eq3A_34 : i32
    %convert_element_type3A_36 = arith.extui %eq3A_35 : i1 to i32
    %cond3A_37 = arith.constant 0 : i32
    %cond3A_38 = arith.cmpi ne, %convert_element_type3A_36, %cond3A_37 : i32
    scf.if %cond3A_38 {
      %get3A_39 = arith.constant 0 : index
      %get3A_40 = arith.constant 0 : index
      %get3A_41 = vector.load %arg6[%get3A_39, %get3A_40] : memref<1024x1xi32, #tpu.memory_space<vmem>>, vector<1024x1xi32>
      %swap3A = arith.constant 0 : index
      %swap3A_42 = arith.constant 0 : index
      %swap3A_43 = arith.constant 0 : index
      %swap3A_44 = vector.load %arg4[%swap3A, %swap3A_42, %swap3A_43] : memref<1x1024x1xi32, #tpu.memory_space<vmem>>, vector<1x1024x1xi32>
      %swap3A_45 = vector.shape_cast %swap3A_44 : vector<1x1024x1xi32> to vector<1024x1xi32>
      %swap3A_46 = vector.shape_cast %get3A_41 : vector<1024x1xi32> to vector<1x1024x1xi32>
      tpu.vector_store %arg4[%swap3A, %swap3A_42, %swap3A_43], %swap3A_46 {strides = array<i32>} : memref<1x1024x1xi32, #tpu.memory_space<vmem>>, vector<1x1024x1xi32>,
    } else {
    }
    return
  }
  func.func @transform_0(%arg0: i32, %arg1: i32) -> (i32, i32) {
    %c0_i32 = arith.constant 0 : i32
    %c0_i32_0 = arith.constant 0 : i32
    return %arg0, %c0_i32 : i32, i32
  }
  func.func @transform_1(%arg0: i32, %arg1: i32) -> (i32, i32) {
    %c0_i32 = arith.constant 0 : i32
    %c0_i32_0 = arith.constant 0 : i32
    return %c0_i32, %arg1 : i32, i32
  }
  func.func @transform_2(%arg0: i32, %arg1: i32) -> (i32, i32, i32) {
    %c0_i32 = arith.constant 0 : i32
    %c0_i32_0 = arith.constant 0 : i32
    %c0_i32_1 = arith.constant 0 : i32
    return %arg0, %c0_i32, %c0_i32_0 : i32, i32, i32
  }
}

</mosaic_0001>

<sc_bundles>
// kernel: kernel.4.cloned.1.call-start
scs
__scs_entry_jumppad:
0x0: {  	(pc) =	sbr.rel $0x88, $3  }
0x1: {  	(tag) =	ssettag $0x0;
	lr =	simm.s32 $0x1  }
0x2: {  	[smem:$0x3F9F] =	sst lr;
	_ =	strace $0xD0000000  }
0x3: {  	_ = 	snop  }
0x4: {  	_ = 	snop  }
0x5: {  	_ = 	snop  }
0x6: {  	_ = 	snop  }
0x7: {  	_ = 	snop  }
__scs_overlays_trampoline_lowered:
0x8: {  	[smem:$0x3FAE] =	sst s0  }
0x9: {  	[smem:$0x3FAF] =	sst s1  }
0xa: {  	[smem:$0x3FB0] =	sst s2  }
0xb: {  	[smem:$0x3FB1] =	sst s3  }
0xc: {  	[smem:$0x3FB2] =	sst s4  }
0xd: {  	[smem:$0x3FB3] =	sst s5  }
0xe: {  	[smem:$0x3FB4] =	sst s6  }
0xf: {  	[smem:$0x3FB5] =	sst s7  }
0x10: {  	[smem:$0x3FB6] =	sst s8  }
0x11: {  	[smem:$0x3FB7] =	sst s9;
	s0 =	simm.s32 @!p0 $0x0  }
0x12: {  	s1 =	sld [smem:$0x3F9D];
	s0 =	simm.s32 @p0 $0x1  }
0x13: {  	[smem:$0x3FB8] =	sst s0;
	s0 =	simm.s32 @!p1 $0x0  }
0x14: {  	s2 =	sld [smem:$0x3F9C];
	s0 =	simm.s32 @p1 $0x1  }
0x15: {  	[smem:$0x3FB9] =	sst s0;
	s0 =	simm.s32 @!p2 $0x0  }
0x16: {  	s3 =	sld [smem:$0x3FDB];
	s0 =	simm.s32 @p2 $0x1  }
0x17: {  	s4 =	simm.s32 $0x1BF5;
	[smem:$0x3FBB] =	sst s0  }
0x18: {  	s0 =	sld [smem:$0x3F9E];
	_ =	swait.ge [sflag:s4], $0x0  }
0x19: {  	s7 =	sld [smem:$0x3F9F]  }
0x1a: {  	s8 =	sadd.s32 $0xFFFFE003, lr  }
0x1b: {  	s9 =	sadd.s32 $0xFFFFFEF7, lr;
	s5 =	simm.s32 $0xFFFFFFFF;
	p2 =	slt.u32 s8, $0xFFFFF086  }
0x1c: {  	p1 =	slt.u32 s9, $0xF7A;
	s5 =	simm.s32 @!p2 $0x0  }
0x1d: {  	s5 =	simm.s32 @p1 $0x1;
	p0 =	seq.s32 s7, s2  }
0x1e: {  	s7 =	smul.u32 @!p0 $0xF7A, s2;
	p2 =	seq.s32 @!p0 s5, $0x0  }
0x1f: {  	s9 =	smul.u32 $0xF7A, s1;
	s8 =	simm.s32 @!p0 $0x1BF5;
	p2 =	por !p2, p0  }
0x20: {  	[sflag:s8] =	ssyncset.s32 @!p0 $0xFFFFF086;
	s6 =	sadd.s32 @!p0 s3, s7;
	s7 =	simm.s32 @!p0 $0x108  }
0x21: {  	s3 =	sadd.s32 s3, s9;
	s6 =	sadd.s32 @!p0 $0x88, s6;
	s7 =	simm.s32 @p2 $0x1082  }
0x22: {  	[simem:s7], [sflag:s8] =	dma.local @!p0 [hbm:s6], $0xF7A  }
0x23: {  	s9 =	sor.u32 $0xD0000000, s2;
	s6 =	simm.s32 $0x108;
	_ =	swait.ge @!p0 [sflag:s8], $0x0  }
0x24: {  	s3 =	sadd.s32 $0x88, s3;
	s6 =	simm.s32 @!p1 $0x1082;
	[sflag:s4] =	ssyncset.s32 $0xFFFFF086  }
0x25: {  	[simem:s6], [sflag:s4] =	dma.local [hbm:s3], $0xF7A  }
0x26: {  	[smem:$0x3F9F] =	sst s1;
	(tag) =	ssettag s2;
	_ =	strace s9  }
0x27: {  	s1 =	sld [smem:$0x3FAF]  }
0x28: {  	s2 =	sld [smem:$0x3FB0]  }
0x29: {  	s4 =	sld [smem:$0x3FB2]  }
0x2a: {  	p0 =	seq.s32 s5, $0x0;
	s5 =	sld [smem:$0x3FB3]  }
0x2b: {  	s6 =	sld [smem:$0x3FB4]  }
0x2c: {  	s7 =	sld [smem:$0x3FB5]  }
0x2d: {  	s3 =	simm.s32 $0x108;
	s8 =	sld [smem:$0x3FB6]  }
0x2e: {  	s3 =	simm.s32 @!p0 $0x1082;
	s9 =	sld [smem:$0x3FB7]  }
0x2f: {  	lr =	sadd.s32 s0, s3;
	s0 =	sld [smem:$0x3FAE]  }
0x30: {  	s3 =	sld [smem:$0x3FB1]  }
0x31: {  	[smem:$0x3FBA] =	sst s10  }
0x32: {  	s10 =	sld [smem:$0x3FB8];
	_ =	sdelay $0x3  }
0x33: {  	p0 =	seq.s32 s10, $0x1;
	s10 =	sld [smem:$0x3FBA];
	_ =	sdelay $0x3  }
0x34: {  	[smem:$0x3FBA] =	sst s10  }
0x35: {  	s10 =	sld [smem:$0x3FB9];
	_ =	sdelay $0x3  }
0x36: {  	p1 =	seq.s32 s10, $0x1;
	s10 =	sld [smem:$0x3FBA];
	_ =	sdelay $0x3  }
0x37: {  	[smem:$0x3FBA] =	sst s10  }
0x38: {  	s10 =	sld [smem:$0x3FBB]  }
0x39: {  	_ = 	snop;
	(pc) =	sbr.ind lr, $3  }
0x3a: {  	_ = 	snop  }
0x3b: {  	_ = 	snop  }
0x3c: {  	p2 =	seq.s32 s10, $0x1;
	s10 =	sld [smem:$0x3FBA]  }
0x3d: {  	_ =	shalt  }
0x3e: {  	_ =	shalt  }
0x3f: {  	_ =	shalt  }
0x40: {  	_ =	shalt  }
0x41: {  	_ =	shalt  }
0x42: {  	_ =	shalt  }
0x43: {  	_ =	shalt  }
0x44: {  	_ =	shalt  }
0x45: {  	_ =	shalt  }
0x46: {  	_ =	shalt  }
0x47: {  	_ =	shalt  }
0x48: {  	_ =	shalt  }
0x49: {  	_ =	shalt  }
0x4a: {  	_ =	shalt  }
0x4b: {  	_ =	shalt  }
0x4c: {  	_ =	shalt  }
0x4d: {  	_ =	shalt  }
0x4e: {  	_ =	shalt  }
0x4f: {  	_ =	shalt  }
0x50: {  	_ =	shalt  }
0x51: {  	_ =	shalt  }
0x52: {  	_ =	shalt  }
0x53: {  	_ =	shalt  }
0x54: {  	_ =	shalt  }
0x55: {  	_ =	shalt  }
0x56: {  	_ =	shalt  }
0x57: {  	_ =	shalt  }
0x58: {  	_ =	shalt  }
0x59: {  	_ =	shalt  }
0x5a: {  	_ =	shalt  }
0x5b: {  	_ =	shalt  }
0x5c: {  	_ =	shalt  }
0x5d: {  	_ =	shalt  }
0x5e: {  	_ =	shalt  }
0x5f: {  	_ =	shalt  }
0x60: {  	_ =	shalt  }
0x61: {  	_ =	shalt  }
0x62: {  	_ =	shalt  }
0x63: {  	_ =	shalt  }
0x64: {  	_ =	shalt  }
0x65: {  	_ =	shalt  }
0x66: {  	_ =	shalt  }
0x67: {  	_ =	shalt  }
0x68: {  	_ =	shalt  }
0x69: {  	_ =	shalt  }
0x6a: {  	_ =	shalt  }
0x6b: {  	_ =	shalt  }
0x6c: {  	_ =	shalt  }
0x6d: {  	_ =	shalt  }
0x6e: {  	_ =	shalt  }
0x6f: {  	_ =	shalt  }
0x70: {  	_ =	shalt  }
0x71: {  	_ =	shalt  }
0x72: {  	_ =	shalt  }
0x73: {  	_ =	shalt  }
0x74: {  	_ =	shalt  }
0x75: {  	_ =	shalt  }
0x76: {  	_ =	shalt  }
0x77: {  	_ =	shalt  }
0x78: {  	_ =	shalt  }
0x79: {  	_ =	shalt  }
0x7a: {  	_ =	shalt  }
0x7b: {  	_ =	shalt  }
0x7c: {  	_ =	shalt  }
0x7d: {  	_ =	shalt  }
0x7e: {  	_ =	shalt  }
0x7f: {  	_ =	shalt  }
0x80: {  	_ =	shalt  }
0x81: {  	_ =	shalt  }
0x82: {  	_ =	shalt  }
0x83: {  	_ =	shalt  }
0x84: {  	_ =	shalt  }
0x85: {  	_ =	shalt  }
0x86: {  	_ =	shalt  }
0x87: {  	_ =	shalt  }
.Lfunc_end0:
.L_simem_size_0:
called_computation_lowered:
.L_overlay_start_0:
0x88: {  	s2 =	sld [smem:$0x3FD9]  }
0x89: {  	s3 =	sld [smem:$0x3FFE];
	_ =	sdelay $0x1  }
0x8a: {  	s1 =	srdreg.scid  }
0x8b: {  	s0 =	sand.u32 $0x1, s1  }
0x8c: {  	s14 =	sshll.u32 s0, $0xA;
	s2 =	sadd.s32 s3, s2  }
0x8d: {  	s2 =	sadd.s32 s2, s14  }
0x8e: {  	[smem:$0x3FC6] =	sst s2  }
0x8f: {  	_ = 	snop  }
0x90: {  	s2 =	sld [smem:$0x3FD0];
	_ =	sdelay $0x2  }
0x91: {  	s4 =	simm.s32 $0xA;
	s5 =	simm.s32 $0x10;
	s15 =	sld [smem:$0x3FC9]  }
0x92: {  	[smem:s5], [sflag:s4] =	dma.local [hbm:s2], $0x1  }
0x93: {  	_ =	swait.eq [sflag:s4], $0x1  }
0x94: {  	[sflag:s4] =	ssyncset.done $0x0  }
0x95: {  	[sflag:s4] =	ssyncadd.s32 $0xFFFFFFFF  }
0x96: {  	s16 =	sld [smem:$0x10];
	(tm) =	ssettm $0x1  }
0x97: {  	s17 =	sld [smem:$0x3FFB];
	_ =	sdelay $0x3  }
0x98: {  	_ =	strace s17  }
0x99: {  	s4 =	sld [smem:$0x3FFC];
	_ =	sdelay $0x3  }
0x9a: {  	_ =	strace s4  }
0x9b: {  	s4 =	sld [smem:$0x3FFD];
	_ =	sdelay $0x3  }
0x9c: {  	_ =	strace s4  }
0x9d: {  	_ =	strace $0x8FFFFFFF  }
0x9e: {  	s18 =	sld [smem:$0x3FDB];
	_ =	sdelay $0x1  }
0x9f: {  	s19 =	simm.s32 $_scs_section_size  }
0xa0: {  	s6 =	simm.s32 $_size__tile_overlayer_lowered;
	s7 =	simm.s32 $_tile_overlayer_lowered  }
0xa1: {  	s22 =	simm.s32 $0x1BFF;
	s21 =	sshll.u32 s7, $0x1;
	s4 =	sadd.s32 s19, s18  }
0xa2: {  	s8 =	simm.s32 $0x0;
	s20 =	sshll.u32 s6, $0x1;
	s6 =	sadd.s32 s21, s4  }
0xa3: {  	[timem:s8], [sflag:s22] =	dma.local [hbm:s6], s20  }
0xa4: {  	_ =	swait.ge [sflag:s22], s20  }
0xa5: {  	s5 =	ssub.s32 $0x0, s20;
	[sflag:s22] =	ssyncset.done $0x0  }
0xa6: {  	[sflag:s22] =	ssyncadd.s32 s5;
	_ =	sdelay $0x1  }
0xa7: {  	s23 =	simm.s32 $0x1B8B  }
0xa8: {  	_ =	swait.ge [sflag:s23], $0x1  }
0xa9: {  	[sflag:s23] =	ssyncset.done $0x0  }
0xaa: {  	s25 =	simm.s32 $0x1B8E;
	s24 =	sld [smem:$0x3FFE];
	[sflag:s23] =	ssyncadd.s32 $0xFFFFFFFF  }
0xab: {  	s26 =	simm.s32 $execute0_lowered;
	[smem:$0x3FD2] =	sst s25  }
0xac: {  	s6 =	sshll.u32 s26, $0x1;
	_ =	strace $0x80000046;
	[dreg:$0x1] =	wrdreg $0xFFFFFFFF  }
0xad: {  	s28 =	simm.s32 $_size_execute0_lowered;
	s4 =	sadd.s32 s4, s6;
	[dreg:$0x0] =	wrdreg $0x0  }
0xae: {  	s6 =	sshll.u32 s28, $0x1;
	[dreg:$0x2] =	wrdreg s4  }
0xaf: {  	[dreg:$0x3] =	wrdreg s6  }
0xb0: {  	[dreg:$0x4] =	wrdreg $0xC0  }
0xb1: {  	_ =	task [dreg:s8], $0x5FFFF  }
0xb2: {  	[dreg:$0x1] =	wrdreg $0xFFFFFFFF  }
0xb3: {  	[dreg:$0x0] =	wrdreg $0x60  }
0xb4: {  	[dreg:$0x2] =	wrdreg s24  }
0xb5: {  	[dreg:$0x3] =	wrdreg s15  }
0xb6: {  	[dreg:$0x4] =	wrdreg s16  }
0xb7: {  	[dreg:$0x5] =	wrdreg $0x9  }
0xb8: {  	_ =	task.clear_ibuf [dreg:s8], $0x6FFFF;
	_ =	strace $0x90000046  }
0xb9: {  	s29 =	simm.s32 $0x9;
	_ =	strace $0x80000048  }
0xba: {  	_ =	swait.ge [sflag:s29], $0x1  }
0xbb: {  	[sflag:s29] =	ssyncadd.s32 $0xFFFFFFFF  }
0xbc: {  	_ =	strace $0x90000048  }
0xbd: {  	_ =	sfence  }
0xbe: {  	s30 =	sld [smem:$0x0];
	_ =	sdelay $0x2  }
0xbf: {  	s31 =	sshll.u32 s1, $0xD;
	s1 =	sshrl.u32 s1, $0x2  }
0xc0: {  	s3 =	sand.u32 $0x4000, s31;
	s1 =	sadd.s32 s1, s30  }
0xc1: {  	s0 =	sor.u32 s3, s0;
	s1 =	sshll.u32 s1, $0x11  }
0xc2: {  	s0 =	sor.u32 s1, s0  }
0xc3: {  	s0 =	sadd.s32 $0x8F2B, s0  }
0xc4: {  	[sflag:s0] =	ssyncadd.remote.s32 $0x1  }
0xc5: {  	_ =	sfence.sel $0xFFFF  }
0xc6: {  	[dreg:$0x0] =	wrdreg $0xFFFFFFFF;
	(pc) =	sbr.abs _section_cstart, $3  }
0xc7: {  	[dreg:$0x1] =	wrdreg $0xFFFFFFFF  }
0xc8: {  	_ =	task.clear_ibuf [dreg:s8], $0x2FFFF;
	_ =	strace $0x9FFFFFFF  }
0xc9: {  	(tm) =	ssettm $0x7FFFFFFF  }
tec
execute0_lowered:
.L_overlay_start_1:
0x0: {  	(tag) =	ssettag $0x1  }
0x1: {  	s0 =	rddreg [dreg:$0x0]  }
0x2: {  	s1 =	rddreg [dreg:$0x1]  }
0x3: {  	s4 =	rddreg [dreg:$0x2]  }
0x4: {  	s2 =	simm.s32 $0x0;
	s3 =	srdreg.scid;
	s6 =	stileid.u32  }
0x5: {  	s28 =	simm.s32 $0x4080;
	s29 =	simm.s32 $0x4880;
	s30 =	simm.s32 $0x5080  }
0x6: {  	s31 =	simm.s32 $0x5880;
	[smem:$0x7FF] =	sst s2;
	s5 =	sand.u32 $0x1, s3  }
0x7: {  	s15 =	sshll.u32 s6, $0x1;
	s3 =	sadd.s32 $0x200, s0;
	s8 =	sadd.s32 $0x40200, s0  }
0x8: {  	_ =	strace $0x80000047;
	s6 =	sor.u32 s5, s15;
	s5 =	ssub.s32 $0x2, s5  }
0x9: {  	s7 =	sshll.u32 s6, $0x4;
	s16 =	sshrl.u32 s5, $0x1;
	s17 =	sshll.u32 s6, $0x9  }
0xa: {  	s9 =	sshll.u32 s6, $0x6;
	s6 =	sshll.u32 s6, $0xE;
	s0 =	sadd.s32 s7, s0  }
0xb: {  	s5 =	ssub.s32 s5, s16;
	s9 =	sadd.s32 s8, s9;
	s18 =	sor.u32 $0x80, s17  }
0xc: {  	s10 =	sadd.s32 s1, s6;
	s6 =	sadd.s32 s4, s6;
	[dreg:$0x4] =	wrdreg s9  }
0xd: {  	s21 =	sor.u32 $0x100, s17;
	s7 =	sor.u32 $0x180, s17;
	[dreg:$0x5] =	wrdreg s10  }
0xe: {  	[dreg:$0x6] =	wrdreg s6;
	s19 =	sshrl.u32 s18, $0x3;
	s20 =	sshll.u32 s18, $0x5  }
0xf: {  	s23 =	sshrl.u32 s21, $0x3;
	s24 =	sshll.u32 s21, $0x5;
	s25 =	sshrl.u32 s7, $0x3  }
0x10: {  	s7 =	sshll.u32 s7, $0x5;
	s16 =	sadd.s32 $0x40A00, s0;
	s17 =	smax.u32 s5, $0x1  }
0x11: {  	s18 =	simm.s32 $0x2;
	s21 =	simm.s32 $0x1080;
	s0 =	simm.s32 $0x6080  }
0x12: {  	s5 =	simm.s32 $0x7880;
	s6 =	sadd.s32 s8, s19;
	s22 =	sadd.s32 s1, s20  }
0x13: {  	s9 =	sadd.s32 s1, s24;
	s26 =	sadd.s32 s8, s25;
	[dreg:$0x7] =	wrdreg s6  }
0x14: {  	s1 =	sadd.s32 s1, s7;
	s15 =	sadd.s32 s4, s7;
	[dreg:$0x8] =	wrdreg s22  }
0x15: {  	s19 =	simm.s32 $0x80;
	s25 =	simm.s32 $0x3080;
	[dreg:$0xb] =	wrdreg s9  }
0x16: {  	s7 =	simm.s32 $0x8080;
	s6 =	sadd.s32 s4, s20;
	[dreg:$0xd] =	wrdreg s26  }
0x17: {  	[dreg:$0xe] =	wrdreg s1;
	s20 =	simm.s32 $0x880;
	s22 =	simm.s32 $0x1880  }
0x18: {  	s26 =	simm.s32 $0x3880;
	s1 =	simm.s32 $0x6880;
	[dreg:$0x9] =	wrdreg s6  }
0x19: {  	v2 =	vlaneseq.u32;
	s6 =	sadd.s32 s8, s23;
	s23 =	simm.s32 $0x2080;
	s8 =	simm.s32 $0x0  }
0x1a: {  	vm0 =	vmmov $0xffff;
	v1 =	vshrl.u32 v2, $0x3;
	[dreg:$0xa] =	wrdreg s6;
	s6 =	sadd.s32 s4, s24;
	s24 =	simm.s32 $0x2880  }
0x1b: {  	v0 =	vand.u32 $0x7, v2;
	v2 =	vor.u32 $0x8, v2;
	v1 =	vmul.u32 $0x8, v1;
	s4 =	simm.s32 $0x7080;
	[dreg:$0xc] =	wrdreg s6;
	s6 =	simm.s32 $0x1  }
.LBB2_1:
0x1c: {  	s9 =	rddreg [dreg:$0x4]  }
0x1d: {  	[tilespmem:s2], [sflag:$0x2] =	stream.linear.gather [hbm4b:s9+s2], $0x80, $0x38;
	[tilespmem:$0x10100] =	vst v63  }
0x1e: {  	_ =	swait.ge [sflag:s18], $0x80  }
0x1f: {  	[sflag:s18] =	ssyncset.done $0x0  }
0x20: {  	[sflag:s18] =	ssyncadd.s32 $0xFFFFFF80  }
0x21: {  	v3 =	vld [tilespmem:$0x0];
	_ =	sdelay $0x4  }
0x22: {  	v4 =	vshll.u32 v3, $0x1  }
0x23: {  	v3 =	vand.u32 $0x7, v3;
	v4 =	vand.u32 $0xFFFFFFF0, v4  }
0x24: {  	v3 =	vor.u32 v3, v4  }
0x25: {  	v4 =	vperm.xlane v3, v0;
	_ =	sdelay $0x1  }
0x26: {  	v3 =	vperm.xlane v3, v2;
	v4 =	vadd.s32 v1, v4;
	_ =	sdelay $0x1  }
0x27: {  	v3 =	vadd.s32 v1, v3;
	_ =	sdelay $0x2  }
0x28: {  	[tilespmem:s19], [sflag:$0x1] =	stream.indirect_vreg.gather [hbm4b:s3+s2], $0x80, v4, vm0, $0xb8;
	[tilespmem:$0x10100] =	vst v63  }
0x29: {  	_ = 	snop  }
0x2a: {  	[tilespmem:s20], [sflag:$0x1] =	stream.indirect_vreg.gather [hbm4b:s3+s2], $0x80, v3, vm0, $0xb8;
	[tilespmem:$0x10100] =	vst v63  }
0x2b: {  	v3 =	vld [tilespmem:$0x10];
	_ =	sdelay $0x4  }
0x2c: {  	v4 =	vshll.u32 v3, $0x1  }
0x2d: {  	v3 =	vand.u32 $0x7, v3;
	v4 =	vand.u32 $0xFFFFFFF0, v4  }
0x2e: {  	v3 =	vor.u32 v3, v4  }
0x2f: {  	v4 =	vperm.xlane v3, v0;
	_ =	sdelay $0x1  }
0x30: {  	v3 =	vperm.xlane v3, v2;
	v4 =	vadd.s32 v1, v4;
	_ =	sdelay $0x1  }
0x31: {  	v3 =	vadd.s32 v1, v3;
	_ =	sdelay $0x2  }
0x32: {  	[tilespmem:s21], [sflag:$0x1] =	stream.indirect_vreg.gather [hbm4b:s3+s2], $0x80, v4, vm0, $0xb8;
	[tilespmem:$0x10100] =	vst v63  }
0x33: {  	_ = 	snop  }
0x34: {  	[tilespmem:s22], [sflag:$0x1] =	stream.indirect_vreg.gather [hbm4b:s3+s2], $0x80, v3, vm0, $0xb8;
	[tilespmem:$0x10100] =	vst v63  }
0x35: {  	v3 =	vld [tilespmem:$0x20];
	_ =	sdelay $0x4  }
0x36: {  	v4 =	vshll.u32 v3, $0x1  }
0x37: {  	v3 =	vand.u32 $0x7, v3;
	v4 =	vand.u32 $0xFFFFFFF0, v4  }
0x38: {  	v3 =	vor.u32 v3, v4  }
0x39: {  	v4 =	vperm.xlane v3, v0;
	_ =	sdelay $0x1  }
0x3a: {  	v3 =	vperm.xlane v3, v2;
	v4 =	vadd.s32 v1, v4;
	_ =	sdelay $0x1  }
0x3b: {  	v3 =	vadd.s32 v1, v3;
	_ =	sdelay $0x2  }
0x3c: {  	[tilespmem:s23], [sflag:$0x1] =	stream.indirect_vreg.gather [hbm4b:s3+s2], $0x80, v4, vm0, $0xb8;
	[tilespmem:$0x10100] =	vst v63  }
0x3d: {  	_ = 	snop  }
0x3e: {  	[tilespmem:s24], [sflag:$0x1] =	stream.indirect_vreg.gather [hbm4b:s3+s2], $0x80, v3, vm0, $0xb8;
	[tilespmem:$0x10100] =	vst v63  }
0x3f: {  	v3 =	vld [tilespmem:$0x30];
	_ =	sdelay $0x4  }
0x40: {  	v4 =	vshll.u32 v3, $0x1  }
0x41: {  	v3 =	vand.u32 $0x7, v3;
	v4 =	vand.u32 $0xFFFFFFF0, v4  }
0x42: {  	v3 =	vor.u32 v3, v4  }
0x43: {  	v4 =	vperm.xlane v3, v0;
	_ =	sdelay $0x1  }
0x44: {  	v3 =	vperm.xlane v3, v2;
	v4 =	vadd.s32 v1, v4;
	_ =	sdelay $0x1  }
0x45: {  	v3 =	vadd.s32 v1, v3;
	_ =	sdelay $0x2  }
0x46: {  	[tilespmem:s25], [sflag:$0x1] =	stream.indirect_vreg.gather [hbm4b:s3+s2], $0x80, v4, vm0, $0xb8;
	[tilespmem:$0x10100] =	vst v63  }
0x47: {  	_ = 	snop  }
0x48: {  	[tilespmem:s26], [sflag:$0x1] =	stream.indirect_vreg.gather [hbm4b:s3+s2], $0x80, v3, vm0, $0xb8;
	[tilespmem:$0x10100] =	vst v63  }
0x49: {  	v3 =	vld [tilespmem:$0x40];
	_ =	sdelay $0x4  }
0x4a: {  	v4 =	vshll.u32 v3, $0x1  }
0x4b: {  	v3 =	vand.u32 $0x7, v3;
	v4 =	vand.u32 $0xFFFFFFF0, v4  }
0x4c: {  	v3 =	vor.u32 v3, v4  }
0x4d: {  	v4 =	vperm.xlane v3, v0;
	_ =	sdelay $0x1  }
0x4e: {  	v3 =	vperm.xlane v3, v2;
	v4 =	vadd.s32 v1, v4;
	_ =	sdelay $0x1  }
0x4f: {  	v3 =	vadd.s32 v1, v3;
	_ =	sdelay $0x2  }
0x50: {  	[tilespmem:s28], [sflag:$0x1] =	stream.indirect_vreg.gather [hbm4b:s3+s2], $0x80, v4, vm0, $0xb8;
	[tilespmem:$0x10100] =	vst v63  }
0x51: {  	_ = 	snop  }
0x52: {  	[tilespmem:s29], [sflag:$0x1] =	stream.indirect_vreg.gather [hbm4b:s3+s2], $0x80, v3, vm0, $0xb8;
	[tilespmem:$0x10100] =	vst v63  }
0x53: {  	v3 =	vld [tilespmem:$0x50];
	_ =	sdelay $0x4  }
0x54: {  	v4 =	vshll.u32 v3, $0x1  }
0x55: {  	v3 =	vand.u32 $0x7, v3;
	v4 =	vand.u32 $0xFFFFFFF0, v4  }
0x56: {  	v3 =	vor.u32 v3, v4  }
0x57: {  	v4 =	vperm.xlane v3, v0;
	_ =	sdelay $0x1  }
0x58: {  	v3 =	vperm.xlane v3, v2;
	v4 =	vadd.s32 v1, v4;
	_ =	sdelay $0x1  }
0x59: {  	v3 =	vadd.s32 v1, v3;
	_ =	sdelay $0x2  }
0x5a: {  	[tilespmem:s30], [sflag:$0x1] =	stream.indirect_vreg.gather [hbm4b:s3+s2], $0x80, v4, vm0, $0xb8;
	[tilespmem:$0x10100] =	vst v63  }
0x5b: {  	_ = 	snop  }
0x5c: {  	[tilespmem:s31], [sflag:$0x1] =	stream.indirect_vreg.gather [hbm4b:s3+s2], $0x80, v3, vm0, $0xb8;
	[tilespmem:$0x10100] =	vst v63  }
0x5d: {  	v3 =	vld [tilespmem:$0x60];
	_ =	sdelay $0x4  }
0x5e: {  	v4 =	vshll.u32 v3, $0x1  }
0x5f: {  	v3 =	vand.u32 $0x7, v3;
	v4 =	vand.u32 $0xFFFFFFF0, v4  }
0x60: {  	v3 =	vor.u32 v3, v4  }
0x61: {  	v4 =	vperm.xlane v3, v0;
	_ =	sdelay $0x1  }
0x62: {  	v3 =	vperm.xlane v3, v2;
	v4 =	vadd.s32 v1, v4;
	_ =	sdelay $0x1  }
0x63: {  	v3 =	vadd.s32 v1, v3;
	_ =	sdelay $0x2  }
0x64: {  	[tilespmem:s0], [sflag:$0x1] =	stream.indirect_vreg.gather [hbm4b:s3+s2], $0x80, v4, vm0, $0xb8;
	[tilespmem:$0x10100] =	vst v63  }
0x65: {  	_ = 	snop  }
0x66: {  	[tilespmem:s1], [sflag:$0x1] =	stream.indirect_vreg.gather [hbm4b:s3+s2], $0x80, v3, vm0, $0xb8;
	[tilespmem:$0x10100] =	vst v63  }
0x67: {  	v3 =	vld [tilespmem:$0x70];
	_ =	sdelay $0x4  }
0x68: {  	v4 =	vshll.u32 v3, $0x1  }
0x69: {  	v3 =	vand.u32 $0x7, v3;
	v4 =	vand.u32 $0xFFFFFFF0, v4  }
0x6a: {  	v3 =	vor.u32 v3, v4  }
0x6b: {  	v4 =	vperm.xlane v3, v0;
	_ =	sdelay $0x1  }
0x6c: {  	v3 =	vperm.xlane v3, v2;
	v4 =	vadd.s32 v1, v4;
	_ =	sdelay $0x1  }
0x6d: {  	v3 =	vadd.s32 v1, v3;
	_ =	sdelay $0x2  }
0x6e: {  	[tilespmem:s4], [sflag:$0x1] =	stream.indirect_vreg.gather [hbm4b:s3+s2], $0x80, v4, vm0, $0xb8;
	[tilespmem:$0x10100] =	vst v63  }
0x6f: {  	_ = 	snop  }
0x70: {  	[tilespmem:s5], [sflag:$0x1] =	stream.indirect_vreg.gather [hbm4b:s3+s2], $0x80, v3, vm0, $0xb8;
	[tilespmem:$0x10100] =	vst v63  }
0x71: {  	_ =	swait.ge [sflag:s6], $0x8000  }
0x72: {  	[sflag:s6] =	ssyncset.done $0x0  }
0x73: {  	s12 =	rddreg [dreg:$0x5];
	[sflag:s6] =	ssyncadd.s32 $0xFFFF8000  }
0x74: {  	[tilespmem:s7], [sflag:$0x2] =	stream.linear.gather [hbm4b:s12+s2], $0x8000, $0x38;
	[tilespmem:$0x10100] =	vst v63  }
0x75: {  	_ =	swait.ge [sflag:s18], $0x8000  }
0x76: {  	s13 =	sand.u32 $0x7800, s2;
	s10 =	sand.u32 $0x380, s2;
	[sflag:s18] =	ssyncset.done $0x0  }
0x77: {  	s10 =	sor.u32 s10, s13;
	[sflag:s18] =	ssyncadd.s32 $0xFFFF8000  }
0x78: {  	v3 =	vld [tilespmem:s10+$0x84A0]  }
0x79: {  	v4 =	vld [tilespmem:s10+$0x490]  }
0x7a: {  	v5 =	vld [tilespmem:s10+$0x8490]  }
0x7b: {  	v6 =	vld [tilespmem:s10+$0x480]  }
0x7c: {  	v7 =	vld [tilespmem:s10+$0x8480]  }
0x7d: {  	v8 =	vld [tilespmem:s10+$0xF0]  }
0x7e: {  	v9 =	vld [tilespmem:s10+$0x80F0]  }
0x7f: {  	v10 =	vld [tilespmem:s10+$0xE0]  }
0x80: {  	v11 =	vld [tilespmem:s10+$0x80E0]  }
0x81: {  	v12 =	vld [tilespmem:s10+$0xD0]  }
0x82: {  	v13 =	vld [tilespmem:s10+$0xA0]  }
0x83: {  	v14 =	vld [tilespmem:s10+$0x80D0]  }
0x84: {  	v15 =	vld [tilespmem:s10+$0xB0]  }
0x85: {  	v16 =	vld [tilespmem:s10+$0x90]  }
0x86: {  	v17 =	vld [tilespmem:s10+$0x80B0]  }
0x87: {  	v18 =	vld [tilespmem:s10+$0x8090]  }
0x88: {  	v19 =	vld [tilespmem:s10+$0x80]  }
0x89: {  	v20 =	vld [tilespmem:s10+$0x4F0]  }
0x8a: {  	v21 =	vld [tilespmem:s10+$0x8080]  }
0x8b: {  	v22 =	vld [tilespmem:s10+$0x80A0];
	v12 =	vsub.f32 v12, v14  }
0x8c: {  	v23 =	vld [tilespmem:s10+$0x4D0];
	v10 =	vsub.f32 v10, v11  }
0x8d: {  	v24 =	vld [tilespmem:s10+$0x4C0];
	v16 =	vsub.f32 v16, v18;
	v14 =	vadd.f32 v12, v14  }
0x8e: {  	v25 =	vld [tilespmem:s10+$0xC0];
	v15 =	vsub.f32 v15, v17;
	v11 =	vadd.f32 v10, v11  }
0x8f: {  	v26 =	vld [tilespmem:s10+$0x84E0];
	v8 =	vsub.f32 v8, v9;
	v18 =	vadd.f32 v16, v18;
	[tilespmem:s10+$0xD0] =	vst v14  }
0x90: {  	v6 =	vsub.f32 v6, v7;
	v17 =	vadd.f32 v15, v17;
	[tilespmem:s10+$0xE0] =	vst v11;
	v11 =	vld [tilespmem:s10+$0x84D0]  }
0x91: {  	v4 =	vsub.f32 v4, v5;
	v9 =	vadd.f32 v8, v9;
	[tilespmem:s10+$0x90] =	vst v18;
	v18 =	vld [tilespmem:s10+$0x84F0]  }
0x92: {  	v28 =	vld [tilespmem:s10+$0x4E0];
	v13 =	vsub.f32 v13, v22;
	v7 =	vadd.f32 v6, v7;
	[tilespmem:s10+$0xB0] =	vst v17  }
0x93: {  	s14 =	simm.s32 $0x100;
	s11 =	simm.s32 $0x80;
	v5 =	vadd.f32 v4, v5;
	v14 =	vld [tilespmem:s10+$0x4A0];
	[tilespmem:s10+$0xF0] =	vst v9  }
0x94: {  	s9 =	sand.u32 $0x7800, s14;
	s11 =	sand.u32 $0x380, s11;
	v22 =	vadd.f32 v13, v22;
	v9 =	vsub.f32 v19, v21;
	[tilespmem:s10+$0x480] =	vst v7;
	v19 =	vld [tilespmem:s10+$0x80C0]  }
0x95: {  	s9 =	sor.u32 s11, s9;
	v17 =	vld [tilespmem:s10+$0x84C0];
	[tilespmem:s10+$0x490] =	vst v5;
	v5 =	vsub.f32 v23, v11  }
0x96: {  	v7 =	vld [tilespmem:s9+$0x84A0];
	[tilespmem:s10+$0xA0] =	vst v22;
	v20 =	vsub.f32 v20, v18  }
0x97: {  	v27 =	vld [tilespmem:s9+$0x8490];
	v23 =	vmul.f32 v9, v9;
	v9 =	vadd.f32 v9, v21;
	v11 =	vadd.f32 v5, v11  }
0x98: {  	v22 =	vimm.f32 $0.0e+00;
	v14 =	vsub.f32 v14, v3;
	v21 =	vld [tilespmem:s9+$0xF0];
	v18 =	vadd.f32 v20, v18  }
0x99: {  	v16 =	vmul.f32 v16, v16;
	v22 =	vadd.f32 v23, v22;
	[tilespmem:s10+$0x4D0] =	vst v11;
	v11 =	vsub.f32 v25, v19;
	v25 =	vld [tilespmem:s9+$0x490]  }
0x9a: {  	v23 =	vld [tilespmem:s9+$0x8480];
	[tilespmem:s10+$0x4F0] =	vst v18  }
0x9b: {  	v13 =	vmul.f32 v13, v13;
	v3 =	vadd.f32 v14, v3;
	v16 =	vadd.f32 v16, v22;
	v22 =	vld [tilespmem:s9+$0x480];
	[tilespmem:s10+$0x80] =	vst v9  }
0x9c: {  	v18 =	vsub.f32 v24, v17;
	v9 =	vmul.f32 v15, v15;
	v19 =	vadd.f32 v11, v19;
	v15 =	vld [tilespmem:s9+$0x80F0]  }
0x9d: {  	v13 =	vadd.f32 v13, v16;
	v16 =	vld [tilespmem:s10+$0x84B0];
	[tilespmem:s10+$0x4A0] =	vst v3  }
0x9e: {  	v24 =	vsub.f32 v28, v26;
	v17 =	vadd.f32 v18, v17;
	[tilespmem:s10+$0xC0] =	vst v19;
	v19 =	vld [tilespmem:s10+$0x4B0]  }
0x9f: {  	v11 =	vmul.f32 v11, v11;
	v9 =	vadd.f32 v9, v13;
	v3 =	vld [tilespmem:s9+$0x80E0]  }
0xa0: {  	v13 =	vadd.f32 v24, v26;
	[tilespmem:s10+$0x4C0] =	vst v17;
	v17 =	vld [tilespmem:s9+$0xB0]  }
0xa1: {  	v12 =	vmul.f32 v12, v12;
	v28 =	vld [tilespmem:s9+$0x90];
	v9 =	vadd.f32 v11, v9  }
0xa2: {  	v11 =	vld [tilespmem:s9+$0xD0];
	[tilespmem:s10+$0x4E0] =	vst v13  }
0xa3: {  	v10 =	vmul.f32 v10, v10;
	v13 =	vld [tilespmem:s9+$0x80D0];
	v9 =	vadd.f32 v12, v9  }
0xa4: {  	v12 =	vld [tilespmem:s9+$0xE0]  }
0xa5: {  	v8 =	vmul.f32 v8, v8;
	v9 =	vadd.f32 v10, v9;
	v10 =	vld [tilespmem:s9+$0x80B0]  }
0xa6: {  	v31 =	vld [tilespmem:s9+$0xA0];
	v26 =	vsub.f32 v19, v16  }
0xa7: {  	v6 =	vmul.f32 v6, v6;
	v8 =	vadd.f32 v8, v9;
	v9 =	vld [tilespmem:s9+$0x8090]  }
0xa8: {  	v30 =	vld [tilespmem:s9+$0x80A0];
	v29 =	vsub.f32 v11, v13;
	v11 =	vadd.f32 v26, v16  }
0xa9: {  	v4 =	vmul.f32 v4, v4;
	v19 =	vld [tilespmem:s9+$0x8080];
	v12 =	vsub.f32 v12, v3;
	v6 =	vadd.f32 v6, v8  }
0xaa: {  	v13 =	vadd.f32 v29, v13;
	[tilespmem:s10+$0x4B0] =	vst v11;
	v8 =	vsub.f32 v17, v10;
	v17 =	vld [tilespmem:s9+$0x80]  }
0xab: {  	v3 =	vadd.f32 v12, v3;
	v16 =	vld [tilespmem:s9+$0x84B0];
	v4 =	vadd.f32 v4, v6;
	v6 =	vmul.f32 v14, v14  }
0xac: {  	v11 =	vmul.f32 v20, v20;
	v32 =	vld [tilespmem:s9+$0x4A0];
	[tilespmem:s9+$0xD0] =	vst v13;
	v13 =	vsub.f32 v28, v9;
	v10 =	vadd.f32 v8, v10  }
0xad: {  	v20 =	vld [tilespmem:s9+$0x4B0];
	v28 =	vsub.f32 v21, v15;
	[tilespmem:s9+$0xE0] =	vst v3;
	v3 =	vmul.f32 v26, v26;
	v4 =	vadd.f32 v6, v4  }
0xae: {  	v33 =	vmul.f32 v5, v5;
	v14 =	vld [tilespmem:s9+$0x4F0];
	v6 =	vadd.f32 v13, v9;
	[tilespmem:s9+$0xB0] =	vst v10;
	v10 =	vsub.f32 v22, v23  }
0xaf: {  	v21 =	vld [tilespmem:s9+$0x84C0];
	v9 =	vmul.f32 v18, v18;
	v15 =	vadd.f32 v28, v15;
	v22 =	vadd.f32 v3, v4  }
0xb0: {  	v26 =	vld [tilespmem:s9+$0x4C0];
	v5 =	vmul.f32 v28, v28;
	v28 =	vsub.f32 v25, v27;
	v3 =	vmul.f32 v29, v29  }
0xb1: {  	v18 =	vld [tilespmem:s9+$0x4D0];
	v4 =	vmul.f32 v12, v12;
	v17 =	vsub.f32 v17, v19;
	v9 =	vadd.f32 v9, v22  }
0xb2: {  	v25 =	vld [tilespmem:s9+$0x84F0];
	[tilespmem:s9+$0x90] =	vst v6;
	v12 =	vadd.f32 v10, v23;
	v6 =	vmul.f32 v10, v10;
	v23 =	vsub.f32 v32, v7  }
0xb3: {  	[tilespmem:s9+$0xF0] =	vst v15;
	v15 =	vsub.f32 v31, v30;
	v31 =	vmul.f32 v24, v24;
	v22 =	vld [tilespmem:s9+$0x84D0];
	v63 =	vadd.f32 v33, v9  }
0xb4: {  	v24 =	vld [tilespmem:s9+$0x80C0];
	v29 =	vadd.f32 v28, v27;
	[tilespmem:s9+$0x480] =	vst v12;
	v12 =	vsub.f32 v20, v16;
	v10 =	vmul.f32 v23, v23  }
0xb5: {  	s11 =	simm.s32 $0x200;
	s10 =	simm.s32 $0x100;
	v27 =	vld [tilespmem:s9+$0xC0];
	v9 =	vmul.f32 v28, v28;
	v28 =	vadd.f32 v15, v30;
	v20 =	vadd.f32 v31, v63  }
.LBB2_2:
0xb6: {  	s13 =	smov.u32 s11  }
0xb7: {  	s12 =	sand.u32 $0x7800, s11;
	s14 =	sand.u32 $0x380, s10;
	v30 =	vmul.f32 v17, v17;
	v31 =	vmul.f32 v12, v12;
	v26 =	vsub.f32 v26, v21;
	v32 =	vld [tilespmem:s9+$0x84E0];
	s13 =	sadd.s32 $0x100, s11  }
0xb8: {  	p0 =	sne.s32 s11, $0x7F00;
	s12 =	sor.u32 s14, s12;
	v18 =	vsub.f32 v18, v22;
	v11 =	vadd.f32 v11, v20;
	[tilespmem:s9+$0x490] =	vst v29;
	v29 =	vld [tilespmem:s9+$0x4E0]  }
0xb9: {  	v13 =	vmul.f32 v13, v13;
	v14 =	vsub.f32 v14, v25;
	v20 =	vld [tilespmem:s12+$0x84A0];
	[tilespmem:s9+$0xA0] =	vst v28;
	v28 =	vmul.f32 v26, v26  }
0xba: {  	v11 =	vadd.f32 v30, v11;
	v22 =	vadd.f32 v18, v22;
	v30 =	vmul.f32 v18, v18;
	v33 =	vld [tilespmem:s12+$0x490]  }
0xbb: {  	v15 =	vmul.f32 v15, v15;
	v18 =	vsub.f32 v27, v24;
	v25 =	vadd.f32 v14, v25;
	v34 =	vld [tilespmem:s12+$0x8490]  }
0xbc: {  	v17 =	vadd.f32 v17, v19;
	v11 =	vadd.f32 v13, v11;
	v27 =	vld [tilespmem:s12+$0x480];
	[tilespmem:s9+$0x4D0] =	vst v22  }
0xbd: {  	v8 =	vmul.f32 v8, v8;
	v13 =	vadd.f32 v18, v24;
	v18 =	vmul.f32 v18, v18;
	v22 =	vld [tilespmem:s12+$0x8480];
	[tilespmem:s9+$0x4F0] =	vst v25  }
0xbe: {  	v15 =	vadd.f32 v15, v11;
	v24 =	vld [tilespmem:s12+$0xF0];
	[tilespmem:s9+$0x80] =	vst v17;
	v17 =	vadd.f32 v23, v7;
	v7 =	vmov v20  }
0xbf: {  	v11 =	vmul.f32 v14, v14;
	v23 =	vsub.f32 v29, v32;
	v20 =	vld [tilespmem:s12+$0x80F0];
	[tilespmem:s9+$0xC0] =	vst v13;
	v13 =	vadd.f32 v26, v21  }
0xc0: {  	v8 =	vadd.f32 v8, v15;
	v21 =	vld [tilespmem:s12+$0xE0];
	[tilespmem:s9+$0x4A0] =	vst v17  }
0xc1: {  	v15 =	vld [tilespmem:s12+$0x80E0];
	[tilespmem:s9+$0x4C0] =	vst v13;
	v13 =	vadd.f32 v23, v32  }
0xc2: {  	v8 =	vadd.f32 v18, v8;
	v14 =	vld [tilespmem:s12+$0xD0]  }
0xc3: {  	v17 =	vld [tilespmem:s12+$0xA0];
	[tilespmem:s9+$0x4E0] =	vst v13  }
0xc4: {  	v3 =	vadd.f32 v3, v8;
	v13 =	vld [tilespmem:s12+$0x80D0]  }
0xc5: {  	v8 =	vld [tilespmem:s12+$0xB0]  }
0xc6: {  	v3 =	vadd.f32 v4, v3;
	v18 =	vld [tilespmem:s12+$0x90]  }
0xc7: {  	v25 =	vld [tilespmem:s12+$0x80B0]  }
0xc8: {  	v3 =	vadd.f32 v5, v3;
	v26 =	vld [tilespmem:s12+$0x8090]  }
0xc9: {  	v29 =	vld [tilespmem:s12+$0x80];
	v4 =	vsub.f32 v14, v13  }
0xca: {  	v5 =	vadd.f32 v6, v3;
	v6 =	vadd.f32 v12, v16;
	v14 =	vld [tilespmem:s12+$0x4F0]  }
0xcb: {  	v16 =	vsub.f32 v21, v15;
	v19 =	vld [tilespmem:s12+$0x8080];
	v12 =	vadd.f32 v4, v13;
	v3 =	vmul.f32 v4, v4  }
0xcc: {  	v5 =	vadd.f32 v9, v5;
	v32 =	vld [tilespmem:s12+$0x80A0];
	v8 =	vsub.f32 v8, v25;
	[tilespmem:s9+$0x4B0] =	vst v6;
	s9 =	smov.u32 s12  }
0xcd: {  	v4 =	vmul.f32 v16, v16;
	v6 =	vsub.f32 v24, v20;
	v13 =	vsub.f32 v18, v26;
	[tilespmem:s9+$0xD0] =	vst v12;
	v18 =	vld [tilespmem:s9+$0x4D0]  }
0xce: {  	v9 =	vadd.f32 v16, v15;
	v10 =	vadd.f32 v10, v5;
	v12 =	vld [tilespmem:s9+$0x4A0]  }
0xcf: {  	v24 =	vsub.f32 v27, v22;
	v15 =	vadd.f32 v8, v25;
	v5 =	vmul.f32 v6, v6;
	v16 =	vld [tilespmem:s9+$0x84B0]  }
0xd0: {  	v25 =	vadd.f32 v13, v26;
	[tilespmem:s9+$0xE0] =	vst v9;
	v27 =	vld [tilespmem:s9+$0x4B0];
	v9 =	vadd.f32 v31, v10  }
0xd1: {  	v10 =	vadd.f32 v6, v20;
	v6 =	vmul.f32 v24, v24;
	v20 =	vsub.f32 v33, v34;
	[tilespmem:s9+$0xB0] =	vst v15;
	v21 =	vld [tilespmem:s9+$0x84C0]  }
.Ltmp0:
0xd2: {  	v24 =	vadd.f32 v24, v22;
	v31 =	vmul.f32 v23, v23;
	[tilespmem:s9+$0x90] =	vst v25;
	v26 =	vld [tilespmem:s9+$0x4C0];
	v28 =	vadd.f32 v28, v9;
	(pc) =	sbr.rel @p0 .LBB2_2-.Ltmp0, $4  }
0xd3: {  	v15 =	vsub.f32 v17, v32;
	v9 =	vmul.f32 v20, v20;
	[tilespmem:s9+$0xF0] =	vst v10;
	v23 =	vsub.f32 v12, v7;
	v22 =	vld [tilespmem:s9+$0x84D0]  }
0xd4: {  	v17 =	vsub.f32 v29, v19;
	[tilespmem:s9+$0x480] =	vst v24;
	v25 =	vld [tilespmem:s9+$0x84F0];
	v30 =	vadd.f32 v30, v28  }
0xd5: {  	v29 =	vadd.f32 v20, v34;
	v24 =	vld [tilespmem:s9+$0x80C0];
	v10 =	vmul.f32 v23, v23;
	v12 =	vsub.f32 v27, v16  }
0xd6: {  	s10 =	sadd.s32 $0x80, s10;
	s11 =	smov.u32 s13;
	v28 =	vadd.f32 v15, v32;
	v27 =	vld [tilespmem:s9+$0xC0];
	v20 =	vadd.f32 v31, v30  }
0xd7: {  	v30 =	vld [tilespmem:s9+$0x84E0]  }
0xd8: {  	v31 =	vld [tilespmem:s9+$0x4E0];
	[tilespmem:s9+$0x490] =	vst v29;
	v23 =	vadd.f32 v23, v7;
	v18 =	vsub.f32 v18, v22  }
0xd9: {  	v16 =	vadd.f32 v12, v16;
	[tilespmem:s9+$0xA0] =	vst v28;
	v14 =	vsub.f32 v14, v25  }
0xda: {  	[tilespmem:s9+$0x4A0] =	vst v23;
	v29 =	vadd.f32 v18, v22  }
0xdb: {  	[tilespmem:s9+$0x4B0] =	vst v16;
	v22 =	vsub.f32 v27, v24;
	v25 =	vadd.f32 v14, v25  }
0xdc: {  	v27 =	vadd.f32 v17, v19;
	v19 =	vsub.f32 v26, v21;
	[tilespmem:s9+$0x4D0] =	vst v29  }
0xdd: {  	v7 =	vsub.f32 v31, v30;
	v24 =	vadd.f32 v22, v24;
	[tilespmem:s9+$0x4F0] =	vst v25  }
0xde: {  	[tilespmem:s9+$0x80] =	vst v27;
	v21 =	vadd.f32 v19, v21  }
0xdf: {  	v23 =	vadd.f32 v7, v30;
	[tilespmem:s9+$0xC0] =	vst v24  }
0xe0: {  	[tilespmem:s9+$0x4C0] =	vst v21  }
0xe1: {  	s14 =	simm.s32 $0x0;
	s10 =	rddreg [dreg:$0x6];
	[tilespmem:s9+$0x4E0] =	vst v23  }
0xe2: {  	[hbm4b:s10+s14] =	stream.linear.scatter [tilespmem:s19], [sflag:$0x2], $0x8000, $0x38;
	[tilespmem:$0x10100] =	vst v63  }
0xe3: {  	_ =	swait.ge [sflag:s18], $0x8000  }
0xe4: {  	[sflag:s18] =	ssyncset.done $0x0  }
0xe5: {  	s11 =	rddreg [dreg:$0x7];
	[sflag:s18] =	ssyncadd.s32 $0xFFFF8000  }
0xe6: {  	[tilespmem:s14], [sflag:$0x2] =	stream.linear.gather [hbm4b:s11+s14], $0x80, $0x38;
	[tilespmem:$0x10100] =	vst v63  }
0xe7: {  	_ =	swait.ge [sflag:s18], $0x80  }
0xe8: {  	[sflag:s18] =	ssyncset.done $0x0  }
0xe9: {  	[sflag:s18] =	ssyncadd.s32 $0xFFFFFF80  }
0xea: {  	v16 =	vld [tilespmem:$0x0];
	_ =	sdelay $0x4  }
0xeb: {  	v21 =	vshll.u32 v16, $0x1  }
0xec: {  	v16 =	vand.u32 $0x7, v16;
	v21 =	vand.u32 $0xFFFFFFF0, v21  }
0xed: {  	v16 =	vor.u32 v16, v21  }
0xee: {  	v21 =	vperm.xlane v16, v0;
	_ =	sdelay $0x1  }
0xef: {  	v16 =	vperm.xlane v16, v2;
	v21 =	vadd.s32 v1, v21;
	_ =	sdelay $0x1  }
0xf0: {  	v16 =	vadd.s32 v1, v16;
	_ =	sdelay $0x2  }
0xf1: {  	[tilespmem:s19], [sflag:$0x1] =	stream.indirect_vreg.gather [hbm4b:s3+s14], $0x80, v21, vm0, $0xb8;
	[tilespmem:$0x10100] =	vst v63  }
0xf2: {  	_ = 	snop  }
0xf3: {  	[tilespmem:s20], [sflag:$0x1] =	stream.indirect_vreg.gather [hbm4b:s3+s14], $0x80, v16, vm0, $0xb8;
	[tilespmem:$0x10100] =	vst v63  }
0xf4: {  	v16 =	vld [tilespmem:$0x10];
	_ =	sdelay $0x4  }
0xf5: {  	v21 =	vshll.u32 v16, $0x1  }
0xf6: {  	v16 =	vand.u32 $0x7, v16;
	v21 =	vand.u32 $0xFFFFFFF0, v21  }
0xf7: {  	v16 =	vor.u32 v16, v21  }
0xf8: {  	v21 =	vperm.xlane v16, v0;
	_ =	sdelay $0x1  }
0xf9: {  	v16 =	vperm.xlane v16, v2;
	v21 =	vadd.s32 v1, v21;
	_ =	sdelay $0x1  }
0xfa: {  	v16 =	vadd.s32 v1, v16;
	_ =	sdelay $0x2  }
0xfb: {  	[tilespmem:s21], [sflag:$0x1] =	stream.indirect_vreg.gather [hbm4b:s3+s14], $0x80, v21, vm0, $0xb8;
	[tilespmem:$0x10100] =	vst v63  }
0xfc: {  	_ = 	snop  }
0xfd: {  	[tilespmem:s22], [sflag:$0x1] =	stream.indirect_vreg.gather [hbm4b:s3+s14], $0x80, v16, vm0, $0xb8;
	[tilespmem:$0x10100] =	vst v63  }
0xfe: {  	v16 =	vld [tilespmem:$0x20];
	_ =	sdelay $0x4  }
0xff: {  	v21 =	vshll.u32 v16, $0x1  }
0x100: {  	v16 =	vand.u32 $0x7, v16;
	v21 =	vand.u32 $0xFFFFFFF0, v21  }
0x101: {  	v16 =	vor.u32 v16, v21  }
0x102: {  	v21 =	vperm.xlane v16, v0;
	_ =	sdelay $0x1  }
0x103: {  	v16 =	vperm.xlane v16, v2;
	v21 =	vadd.s32 v1, v21;
	_ =	sdelay $0x1  }
0x104: {  	v16 =	vadd.s32 v1, v16;
	_ =	sdelay $0x2  }
0x105: {  	[tilespmem:s23], [sflag:$0x1] =	stream.indirect_vreg.gather [hbm4b:s3+s14], $0x80, v21, vm0, $0xb8;
	[tilespmem:$0x10100] =	vst v63  }
0x106: {  	_ = 	snop  }
0x107: {  	[tilespmem:s24], [sflag:$0x1] =	stream.indirect_vreg.gather [hbm4b:s3+s14], $0x80, v16, vm0, $0xb8;
	[tilespmem:$0x10100] =	vst v63  }
0x108: {  	v16 =	vld [tilespmem:$0x30];
	_ =	sdelay $0x4  }
0x109: {  	v21 =	vshll.u32 v16, $0x1  }
0x10a: {  	v16 =	vand.u32 $0x7, v16;
	v21 =	vand.u32 $0xFFFFFFF0, v21  }
0x10b: {  	v16 =	vor.u32 v16, v21  }
0x10c: {  	v21 =	vperm.xlane v16, v0;
	_ =	sdelay $0x1  }
0x10d: {  	v16 =	vperm.xlane v16, v2;
	v21 =	vadd.s32 v1, v21;
	_ =	sdelay $0x1  }
0x10e: {  	v16 =	vadd.s32 v1, v16;
	_ =	sdelay $0x2  }
0x10f: {  	[tilespmem:s25], [sflag:$0x1] =	stream.indirect_vreg.gather [hbm4b:s3+s14], $0x80, v21, vm0, $0xb8;
	[tilespmem:$0x10100] =	vst v63  }
0x110: {  	_ = 	snop  }
0x111: {  	[tilespmem:s26], [sflag:$0x1] =	stream.indirect_vreg.gather [hbm4b:s3+s14], $0x80, v16, vm0, $0xb8;
	[tilespmem:$0x10100] =	vst v63  }
0x112: {  	v16 =	vld [tilespmem:$0x40];
	_ =	sdelay $0x4  }
0x113: {  	v21 =	vshll.u32 v16, $0x1  }
0x114: {  	v16 =	vand.u32 $0x7, v16;
	v21 =	vand.u32 $0xFFFFFFF0, v21  }
0x115: {  	v16 =	vor.u32 v16, v21  }
0x116: {  	v21 =	vperm.xlane v16, v0;
	_ =	sdelay $0x1  }
0x117: {  	v16 =	vperm.xlane v16, v2;
	v21 =	vadd.s32 v1, v21;
	_ =	sdelay $0x1  }
0x118: {  	v16 =	vadd.s32 v1, v16;
	_ =	sdelay $0x2  }
0x119: {  	[tilespmem:s28], [sflag:$0x1] =	stream.indirect_vreg.gather [hbm4b:s3+s14], $0x80, v21, vm0, $0xb8;
	[tilespmem:$0x10100] =	vst v63  }
0x11a: {  	_ = 	snop  }
0x11b: {  	[tilespmem:s29], [sflag:$0x1] =	stream.indirect_vreg.gather [hbm4b:s3+s14], $0x80, v16, vm0, $0xb8;
	[tilespmem:$0x10100] =	vst v63  }
0x11c: {  	v16 =	vld [tilespmem:$0x50];
	_ =	sdelay $0x4  }
0x11d: {  	v21 =	vshll.u32 v16, $0x1  }
0x11e: {  	v16 =	vand.u32 $0x7, v16;
	v21 =	vand.u32 $0xFFFFFFF0, v21  }
0x11f: {  	v16 =	vor.u32 v16, v21  }
0x120: {  	v21 =	vperm.xlane v16, v0;
	_ =	sdelay $0x1  }
0x121: {  	v16 =	vperm.xlane v16, v2;
	v21 =	vadd.s32 v1, v21;
	_ =	sdelay $0x1  }
0x122: {  	v16 =	vadd.s32 v1, v16;
	_ =	sdelay $0x2  }
0x123: {  	[tilespmem:s30], [sflag:$0x1] =	stream.indirect_vreg.gather [hbm4b:s3+s14], $0x80, v21, vm0, $0xb8;
	[tilespmem:$0x10100] =	vst v63  }
0x124: {  	_ = 	snop  }
0x125: {  	[tilespmem:s31], [sflag:$0x1] =	stream.indirect_vreg.gather [hbm4b:s3+s14], $0x80, v16, vm0, $0xb8;
	[tilespmem:$0x10100] =	vst v63  }
0x126: {  	v16 =	vld [tilespmem:$0x60];
	_ =	sdelay $0x4  }
0x127: {  	v21 =	vshll.u32 v16, $0x1  }
0x128: {  	v16 =	vand.u32 $0x7, v16;
	v21 =	vand.u32 $0xFFFFFFF0, v21  }
0x129: {  	v16 =	vor.u32 v16, v21  }
0x12a: {  	v21 =	vperm.xlane v16, v0;
	_ =	sdelay $0x1  }
0x12b: {  	v16 =	vperm.xlane v16, v2;
	v21 =	vadd.s32 v1, v21;
	_ =	sdelay $0x1  }
0x12c: {  	v16 =	vadd.s32 v1, v16;
	_ =	sdelay $0x2  }
0x12d: {  	[tilespmem:s0], [sflag:$0x1] =	stream.indirect_vreg.gather [hbm4b:s3+s14], $0x80, v21, vm0, $0xb8;
	[tilespmem:$0x10100] =	vst v63  }
0x12e: {  	_ = 	snop  }
0x12f: {  	[tilespmem:s1], [sflag:$0x1] =	stream.indirect_vreg.gather [hbm4b:s3+s14], $0x80, v16, vm0, $0xb8;
	[tilespmem:$0x10100] =	vst v63  }
0x130: {  	v16 =	vld [tilespmem:$0x70];
	_ =	sdelay $0x4  }
0x131: {  	v21 =	vshll.u32 v16, $0x1  }
0x132: {  	v16 =	vand.u32 $0x7, v16;
	v21 =	vand.u32 $0xFFFFFFF0, v21  }
0x133: {  	v16 =	vor.u32 v16, v21  }
0x134: {  	v21 =	vperm.xlane v16, v0;
	_ =	sdelay $0x1  }
0x135: {  	v16 =	vperm.xlane v16, v2;
	v21 =	vadd.s32 v1, v21;
	_ =	sdelay $0x1  }
0x136: {  	v16 =	vadd.s32 v1, v16;
	_ =	sdelay $0x2  }
0x137: {  	v11 =	vadd.f32 v11, v20;
	v17 =	vmul.f32 v17, v17;
	[tilespmem:s4], [sflag:$0x1] =	stream.indirect_vreg.gather [hbm4b:s3+s14], $0x80, v21, vm0, $0xb8;
	[tilespmem:$0x10100] =	vst v63  }
0x138: {  	_ = 	snop  }
0x139: {  	v13 =	vmul.f32 v13, v13;
	v11 =	vadd.f32 v17, v11;
	[tilespmem:s5], [sflag:$0x1] =	stream.indirect_vreg.gather [hbm4b:s3+s14], $0x80, v16, vm0, $0xb8;
	[tilespmem:$0x10100] =	vst v63  }
0x13a: {  	_ =	swait.ge [sflag:s6], $0x8000  }
0x13b: {  	v15 =	vmul.f32 v15, v15;
	v11 =	vadd.f32 v13, v11;
	[sflag:s6] =	ssyncset.done $0x0  }
0x13c: {  	s12 =	rddreg [dreg:$0x8];
	[sflag:s6] =	ssyncadd.s32 $0xFFFF8000  }
0x13d: {  	v8 =	vmul.f32 v8, v8;
	v11 =	vadd.f32 v15, v11;
	[tilespmem:s7], [sflag:$0x2] =	stream.linear.gather [hbm4b:s12+s14], $0x8000, $0x38;
	[tilespmem:$0x10100] =	vst v63  }
0x13e: {  	_ =	swait.ge [sflag:s18], $0x8000  }
0x13f: {  	s13 =	sand.u32 $0x7800, s14;
	v13 =	vmul.f32 v22, v22;
	s9 =	sand.u32 $0x380, s14;
	v8 =	vadd.f32 v8, v11;
	[sflag:s18] =	ssyncset.done $0x0  }
0x140: {  	s10 =	sor.u32 s9, s13;
	[sflag:s18] =	ssyncadd.s32 $0xFFFF8000  }
0x141: {  	v8 =	vadd.f32 v13, v8;
	v11 =	vld [tilespmem:s10+$0x84A0]  }
0x142: {  	v15 =	vld [tilespmem:s10+$0x490]  }
0x143: {  	v3 =	vadd.f32 v3, v8;
	v13 =	vld [tilespmem:s10+$0x8490]  }
0x144: {  	v16 =	vld [tilespmem:s10+$0x480]  }
0x145: {  	v3 =	vadd.f32 v4, v3;
	v8 =	vld [tilespmem:s10+$0x8480]  }
0x146: {  	v17 =	vld [tilespmem:s10+$0xF0]  }
0x147: {  	v3 =	vadd.f32 v5, v3;
	v4 =	vld [tilespmem:s10+$0x80F0]  }
0x148: {  	v20 =	vld [tilespmem:s10+$0xE0]  }
0x149: {  	v3 =	vadd.f32 v6, v3;
	v5 =	vld [tilespmem:s10+$0x80E0]  }
0x14a: {  	v21 =	vld [tilespmem:s10+$0xD0]  }
0x14b: {  	v3 =	vadd.f32 v9, v3;
	v6 =	vld [tilespmem:s10+$0xA0]  }
0x14c: {  	v22 =	vld [tilespmem:s10+$0x80D0]  }
0x14d: {  	v12 =	vmul.f32 v12, v12;
	v3 =	vadd.f32 v10, v3;
	v9 =	vld [tilespmem:s10+$0xB0]  }
0x14e: {  	v23 =	vld [tilespmem:s10+$0x90]  }
0x14f: {  	v19 =	vmul.f32 v19, v19;
	v3 =	vadd.f32 v12, v3;
	v10 =	vld [tilespmem:s10+$0x80B0]  }
0x150: {  	v24 =	vld [tilespmem:s10+$0x8090]  }
0x151: {  	v18 =	vmul.f32 v18, v18;
	v3 =	vadd.f32 v19, v3;
	v12 =	vld [tilespmem:s10+$0x80]  }
0x152: {  	v25 =	vld [tilespmem:s10+$0x4F0];
	v21 =	vsub.f32 v21, v22  }
0x153: {  	v3 =	vadd.f32 v18, v3;
	v19 =	vld [tilespmem:s10+$0x8080];
	v20 =	vsub.f32 v20, v5  }
0x154: {  	v26 =	vld [tilespmem:s10+$0x80A0];
	v9 =	vsub.f32 v9, v10;
	v22 =	vadd.f32 v21, v22  }
0x155: {  	v27 =	vld [tilespmem:s10+$0x4D0];
	v23 =	vsub.f32 v23, v24;
	v5 =	vadd.f32 v20, v5  }
0x156: {  	v18 =	vld [tilespmem:s10+$0x84F0];
	v17 =	vsub.f32 v17, v4;
	v10 =	vadd.f32 v9, v10;
	[tilespmem:s10+$0xD0] =	vst v22  }
0x157: {  	v16 =	vsub.f32 v16, v8;
	v24 =	vadd.f32 v23, v24;
	v22 =	vld [tilespmem:s10+$0x4A0];
	[tilespmem:s10+$0xE0] =	vst v5  }
0x158: {  	v4 =	vadd.f32 v17, v4;
	v5 =	vld [tilespmem:s10+$0x84D0];
	[tilespmem:s10+$0xB0] =	vst v10;
	v10 =	vsub.f32 v15, v13  }
0x159: {  	v7 =	vmul.f32 v7, v7;
	v8 =	vadd.f32 v16, v8;
	v15 =	vld [tilespmem:s10+$0x84C0];
	[tilespmem:s10+$0x90] =	vst v24  }
0x15a: {  	s11 =	simm.s32 $0x80;
	s14 =	simm.s32 $0x100;
	v6 =	vsub.f32 v6, v26;
	v24 =	vld [tilespmem:s10+$0x4C0];
	[tilespmem:s10+$0xF0] =	vst v4;
	v4 =	vadd.f32 v10, v13  }
0x15b: {  	s11 =	sand.u32 $0x380, s11;
	v3 =	vadd.f32 v7, v3;
	s9 =	sand.u32 $0x7800, s14;
	[tilespmem:s10+$0x480] =	vst v8;
	v8 =	vld [tilespmem:s10+$0x80C0]  }
0x15c: {  	s9 =	sor.u32 s11, s9;
	v12 =	vsub.f32 v12, v19;
	v13 =	vmul.f32 v14, v14;
	v14 =	vadd.f32 v6, v26;
	v26 =	vld [tilespmem:s10+$0xC0];
	[tilespmem:s10+$0x490] =	vst v4  }
0x15d: {  	v7 =	vld [tilespmem:s9+$0x84A0]  }
0x15e: {  	v3 =	vadd.f32 v13, v3;
	v13 =	vmul.f32 v12, v12;
	v4 =	vsub.f32 v27, v5;
	v27 =	vld [tilespmem:s10+$0x84E0]  }
0x15f: {  	v25 =	vsub.f32 v25, v18;
	v12 =	vadd.f32 v12, v19;
	[tilespmem:s10+$0xA0] =	vst v14;
	v14 =	vld [tilespmem:s10+$0x4E0]  }
0x160: {  	v23 =	vmul.f32 v23, v23;
	v28 =	vld [tilespmem:s9+$0x8490];
	v3 =	vadd.f32 v13, v3;
	v5 =	vadd.f32 v4, v5  }
0x161: {  	v13 =	vadd.f32 v25, v18;
	v18 =	vsub.f32 v22, v11;
	v22 =	vld [tilespmem:s9+$0x490]  }
0x162: {  	v6 =	vmul.f32 v6, v6;
	v3 =	vadd.f32 v23, v3;
	v23 =	vsub.f32 v24, v15;
	v24 =	vld [tilespmem:s9+$0xF0];
	[tilespmem:s10+$0x4D0] =	vst v5  }
0x163: {  	v5 =	vsub.f32 v26, v8;
	v26 =	vld [tilespmem:s9+$0x8480]  }
0x164: {  	[tilespmem:s10+$0x80] =	vst v12;
	v3 =	vadd.f32 v6, v3;
	v6 =	vadd.f32 v18, v11;
	v12 =	vld [tilespmem:s9+$0x480]  }
0x165: {  	v9 =	vmul.f32 v9, v9;
	[tilespmem:s10+$0x4F0] =	vst v13;
	v13 =	vadd.f32 v23, v15;
	v15 =	vld [tilespmem:s10+$0x4B0];
	v8 =	vadd.f32 v5, v8  }
0x166: {  	v29 =	vsub.f32 v14, v27;
	v11 =	vld [tilespmem:s9+$0x80F0];
	[tilespmem:s10+$0x4A0] =	vst v6  }
0x167: {  	v5 =	vmul.f32 v5, v5;
	v3 =	vadd.f32 v9, v3;
	[tilespmem:s10+$0xC0] =	vst v8;
	v8 =	vld [tilespmem:s10+$0x84B0]  }
0x168: {  	v9 =	vadd.f32 v29, v27;
	v6 =	vld [tilespmem:s9+$0x80E0]  }
0x169: {  	v3 =	vadd.f32 v5, v3;
	v5 =	vld [tilespmem:s9+$0xD0]  }
0x16a: {  	v14 =	vmul.f32 v21, v21;
	[tilespmem:s10+$0x4E0] =	vst v9;
	v9 =	vmul.f32 v20, v20;
	v20 =	vld [tilespmem:s9+$0xB0]  }
0x16b: {  	v21 =	vld [tilespmem:s9+$0x90]  }
0x16c: {  	[tilespmem:s10+$0x4C0] =	vst v13;
	v3 =	vadd.f32 v14, v3;
	v14 =	vld [tilespmem:s9+$0xE0]  }
0x16d: {  	v13 =	vld [tilespmem:s9+$0x80D0]  }
0x16e: {  	v17 =	vmul.f32 v17, v17;
	v3 =	vadd.f32 v9, v3;
	v9 =	vld [tilespmem:s9+$0x80B0]  }
0x16f: {  	v31 =	vld [tilespmem:s9+$0xA0]  }
0x170: {  	v16 =	vmul.f32 v16, v16;
	v19 =	vld [tilespmem:s9+$0x8080];
	v15 =	vsub.f32 v15, v8;
	v3 =	vadd.f32 v17, v3  }
0x171: {  	v30 =	vld [tilespmem:s9+$0x80A0];
	v12 =	vsub.f32 v12, v26;
	v27 =	vsub.f32 v14, v6  }
0x172: {  	v10 =	vmul.f32 v10, v10;
	v17 =	vld [tilespmem:s9+$0x8090];
	v3 =	vadd.f32 v16, v3;
	v16 =	vadd.f32 v15, v8  }
0x173: {  	v5 =	vsub.f32 v5, v13;
	v14 =	vld [tilespmem:s9+$0x4F0];
	v8 =	vsub.f32 v20, v9  }
0x174: {  	v20 =	vld [tilespmem:s9+$0x80];
	v6 =	vadd.f32 v27, v6;
	[tilespmem:s10+$0x4B0] =	vst v16;
	v3 =	vadd.f32 v10, v3;
	v10 =	vmul.f32 v18, v18  }
0x175: {  	v33 =	vmul.f32 v4, v4;
	v24 =	vsub.f32 v24, v11;
	v13 =	vadd.f32 v5, v13;
	v16 =	vld [tilespmem:s9+$0x84B0]  }
0x176: {  	v9 =	vadd.f32 v8, v9;
	[tilespmem:s9+$0xE0] =	vst v6;
	v6 =	vmul.f32 v15, v15;
	v32 =	vld [tilespmem:s9+$0x4A0];
	v3 =	vadd.f32 v10, v3  }
0x177: {  	v4 =	vmul.f32 v27, v27;
	[tilespmem:s9+$0xD0] =	vst v13;
	v13 =	vsub.f32 v21, v17;
	v15 =	vadd.f32 v24, v11;
	v21 =	vld [tilespmem:s9+$0x84C0]  }
0x178: {  	v27 =	vsub.f32 v22, v28;
	v34 =	vld [tilespmem:s9+$0x4B0];
	[tilespmem:s9+$0xB0] =	vst v9;
	v9 =	vmul.f32 v23, v23;
	v6 =	vadd.f32 v6, v3  }
0x179: {  	v11 =	vmul.f32 v25, v25;
	v18 =	vld [tilespmem:s9+$0x4D0];
	v10 =	vadd.f32 v13, v17;
	[tilespmem:s9+$0xF0] =	vst v15;
	v15 =	vsub.f32 v31, v30  }
0x17a: {  	v22 =	vld [tilespmem:s9+$0x84D0];
	v31 =	vmul.f32 v29, v29;
	v29 =	vadd.f32 v27, v28;
	v9 =	vadd.f32 v9, v6  }
0x17b: {  	v3 =	vmul.f32 v5, v5;
	v17 =	vsub.f32 v20, v19;
	[tilespmem:s9+$0x90] =	vst v10;
	v10 =	vadd.f32 v12, v26;
	v26 =	vld [tilespmem:s9+$0x4C0]  }
0x17c: {  	v25 =	vld [tilespmem:s9+$0x84F0];
	v5 =	vmul.f32 v24, v24;
	v23 =	vsub.f32 v32, v7;
	v20 =	vadd.f32 v33, v9  }
0x17d: {  	v24 =	vld [tilespmem:s9+$0x80C0];
	v28 =	vadd.f32 v15, v30;
	v6 =	vmul.f32 v12, v12;
	v12 =	vsub.f32 v34, v16  }
0x17e: {  	s13 =	simm.s32 $0x200;
	s10 =	simm.s32 $0x100;
	[tilespmem:s9+$0x480] =	vst v10;
	v9 =	vmul.f32 v27, v27;
	v10 =	vmul.f32 v23, v23;
	v27 =	vld [tilespmem:s9+$0xC0];
	v20 =	vadd.f32 v31, v20  }
.LBB2_4:
0x17f: {  	s11 =	smov.u32 s13  }
0x180: {  	s12 =	sand.u32 $0x7800, s13;
	s14 =	sand.u32 $0x380, s10;
	v30 =	vmul.f32 v17, v17;
	v31 =	vmul.f32 v12, v12;
	v26 =	vsub.f32 v26, v21;
	v32 =	vld [tilespmem:s9+$0x84E0];
	s11 =	sadd.s32 $0x100, s13  }
0x181: {  	p0 =	sne.s32 s13, $0x7F00;
	s12 =	sor.u32 s14, s12;
	v18 =	vsub.f32 v18, v22;
	v11 =	vadd.f32 v11, v20;
	[tilespmem:s9+$0x490] =	vst v29;
	v29 =	vld [tilespmem:s9+$0x4E0]  }
0x182: {  	v13 =	vmul.f32 v13, v13;
	v14 =	vsub.f32 v14, v25;
	v20 =	vld [tilespmem:s12+$0x84A0];
	[tilespmem:s9+$0xA0] =	vst v28;
	v28 =	vmul.f32 v26, v26  }
0x183: {  	v11 =	vadd.f32 v30, v11;
	v22 =	vadd.f32 v18, v22;
	v30 =	vmul.f32 v18, v18;
	v33 =	vld [tilespmem:s12+$0x490]  }
0x184: {  	v15 =	vmul.f32 v15, v15;
	v18 =	vsub.f32 v27, v24;
	v25 =	vadd.f32 v14, v25;
	v34 =	vld [tilespmem:s12+$0x8490]  }
0x185: {  	v17 =	vadd.f32 v17, v19;
	v11 =	vadd.f32 v13, v11;
	v27 =	vld [tilespmem:s12+$0x480];
	[tilespmem:s9+$0x4D0] =	vst v22  }
0x186: {  	v8 =	vmul.f32 v8, v8;
	v13 =	vadd.f32 v18, v24;
	v18 =	vmul.f32 v18, v18;
	v22 =	vld [tilespmem:s12+$0x8480];
	[tilespmem:s9+$0x4F0] =	vst v25  }
0x187: {  	v15 =	vadd.f32 v15, v11;
	v24 =	vld [tilespmem:s12+$0xF0];
	[tilespmem:s9+$0x80] =	vst v17;
	v17 =	vadd.f32 v23, v7;
	v7 =	vmov v20  }
0x188: {  	v11 =	vmul.f32 v14, v14;
	v23 =	vsub.f32 v29, v32;
	v20 =	vld [tilespmem:s12+$0x80F0];
	[tilespmem:s9+$0xC0] =	vst v13;
	v13 =	vadd.f32 v26, v21  }
0x189: {  	v8 =	vadd.f32 v8, v15;
	v21 =	vld [tilespmem:s12+$0xE0];
	[tilespmem:s9+$0x4A0] =	vst v17  }
0x18a: {  	v15 =	vld [tilespmem:s12+$0x80E0];
	[tilespmem:s9+$0x4C0] =	vst v13;
	v13 =	vadd.f32 v23, v32  }
0x18b: {  	v8 =	vadd.f32 v18, v8;
	v14 =	vld [tilespmem:s12+$0xD0]  }
0x18c: {  	v17 =	vld [tilespmem:s12+$0xA0];
	[tilespmem:s9+$0x4E0] =	vst v13  }
0x18d: {  	v3 =	vadd.f32 v3, v8;
	v13 =	vld [tilespmem:s12+$0x80D0]  }
0x18e: {  	v8 =	vld [tilespmem:s12+$0xB0]  }
0x18f: {  	v3 =	vadd.f32 v4, v3;
	v18 =	vld [tilespmem:s12+$0x90]  }
0x190: {  	v25 =	vld [tilespmem:s12+$0x80B0]  }
0x191: {  	v3 =	vadd.f32 v5, v3;
	v26 =	vld [tilespmem:s12+$0x8090]  }
0x192: {  	v29 =	vld [tilespmem:s12+$0x80];
	v4 =	vsub.f32 v14, v13  }
0x193: {  	v5 =	vadd.f32 v6, v3;
	v6 =	vadd.f32 v12, v16;
	v14 =	vld [tilespmem:s12+$0x4F0]  }
0x194: {  	v16 =	vsub.f32 v21, v15;
	v19 =	vld [tilespmem:s12+$0x8080];
	v12 =	vadd.f32 v4, v13;
	v3 =	vmul.f32 v4, v4  }
0x195: {  	v5 =	vadd.f32 v9, v5;
	v32 =	vld [tilespmem:s12+$0x80A0];
	v8 =	vsub.f32 v8, v25;
	[tilespmem:s9+$0x4B0] =	vst v6;
	s9 =	smov.u32 s12  }
0x196: {  	v4 =	vmul.f32 v16, v16;
	v6 =	vsub.f32 v24, v20;
	v13 =	vsub.f32 v18, v26;
	[tilespmem:s9+$0xD0] =	vst v12;
	v18 =	vld [tilespmem:s9+$0x4D0]  }
0x197: {  	v9 =	vadd.f32 v16, v15;
	v10 =	vadd.f32 v10, v5;
	v12 =	vld [tilespmem:s9+$0x4A0]  }
0x198: {  	v24 =	vsub.f32 v27, v22;
	v15 =	vadd.f32 v8, v25;
	v5 =	vmul.f32 v6, v6;
	v16 =	vld [tilespmem:s9+$0x84B0]  }
0x199: {  	v25 =	vadd.f32 v13, v26;
	[tilespmem:s9+$0xE0] =	vst v9;
	v27 =	vld [tilespmem:s9+$0x4B0];
	v9 =	vadd.f32 v31, v10  }
0x19a: {  	v10 =	vadd.f32 v6, v20;
	v6 =	vmul.f32 v24, v24;
	v20 =	vsub.f32 v33, v34;
	[tilespmem:s9+$0xB0] =	vst v15;
	v21 =	vld [tilespmem:s9+$0x84C0]  }
.Ltmp1:
0x19b: {  	v24 =	vadd.f32 v24, v22;
	v31 =	vmul.f32 v23, v23;
	[tilespmem:s9+$0x90] =	vst v25;
	v26 =	vld [tilespmem:s9+$0x4C0];
	v28 =	vadd.f32 v28, v9;
	(pc) =	sbr.rel @p0 .LBB2_4-.Ltmp1, $4  }
0x19c: {  	v15 =	vsub.f32 v17, v32;
	v9 =	vmul.f32 v20, v20;
	[tilespmem:s9+$0xF0] =	vst v10;
	v23 =	vsub.f32 v12, v7;
	v22 =	vld [tilespmem:s9+$0x84D0]  }
0x19d: {  	v17 =	vsub.f32 v29, v19;
	[tilespmem:s9+$0x480] =	vst v24;
	v25 =	vld [tilespmem:s9+$0x84F0];
	v30 =	vadd.f32 v30, v28  }
0x19e: {  	v29 =	vadd.f32 v20, v34;
	v24 =	vld [tilespmem:s9+$0x80C0];
	v10 =	vmul.f32 v23, v23;
	v12 =	vsub.f32 v27, v16  }
0x19f: {  	s10 =	sadd.s32 $0x80, s10;
	s13 =	smov.u32 s11;
	v28 =	vadd.f32 v15, v32;
	v27 =	vld [tilespmem:s9+$0xC0];
	v20 =	vadd.f32 v31, v30  }
0x1a0: {  	v30 =	vld [tilespmem:s9+$0x84E0]  }
0x1a1: {  	v31 =	vld [tilespmem:s9+$0x4E0];
	[tilespmem:s9+$0x490] =	vst v29;
	v23 =	vadd.f32 v23, v7;
	v18 =	vsub.f32 v18, v22  }
0x1a2: {  	v16 =	vadd.f32 v12, v16;
	[tilespmem:s9+$0xA0] =	vst v28;
	v14 =	vsub.f32 v14, v25  }
0x1a3: {  	[tilespmem:s9+$0x4A0] =	vst v23;
	v29 =	vadd.f32 v18, v22  }
0x1a4: {  	[tilespmem:s9+$0x4B0] =	vst v16;
	v22 =	vsub.f32 v27, v24;
	v25 =	vadd.f32 v14, v25  }
0x1a5: {  	v27 =	vadd.f32 v17, v19;
	v19 =	vsub.f32 v26, v21;
	[tilespmem:s9+$0x4D0] =	vst v29  }
0x1a6: {  	v7 =	vsub.f32 v31, v30;
	v24 =	vadd.f32 v22, v24;
	[tilespmem:s9+$0x4F0] =	vst v25  }
0x1a7: {  	[tilespmem:s9+$0x80] =	vst v27;
	v21 =	vadd.f32 v19, v21  }
0x1a8: {  	v23 =	vadd.f32 v7, v30;
	[tilespmem:s9+$0xC0] =	vst v24  }
0x1a9: {  	[tilespmem:s9+$0x4C0] =	vst v21  }
0x1aa: {  	s14 =	simm.s32 $0x0;
	s10 =	rddreg [dreg:$0x9];
	[tilespmem:s9+$0x4E0] =	vst v23  }
0x1ab: {  	[hbm4b:s10+s14] =	stream.linear.scatter [tilespmem:s19], [sflag:$0x2], $0x8000, $0x38;
	[tilespmem:$0x10100] =	vst v63  }
0x1ac: {  	_ =	swait.ge [sflag:s18], $0x8000  }
0x1ad: {  	[sflag:s18] =	ssyncset.done $0x0  }
0x1ae: {  	s11 =	rddreg [dreg:$0xa];
	[sflag:s18] =	ssyncadd.s32 $0xFFFF8000  }
0x1af: {  	[tilespmem:s14], [sflag:$0x2] =	stream.linear.gather [hbm4b:s11+s14], $0x80, $0x38;
	[tilespmem:$0x10100] =	vst v63  }
0x1b0: {  	_ =	swait.ge [sflag:s18], $0x80  }
0x1b1: {  	[sflag:s18] =	ssyncset.done $0x0  }
0x1b2: {  	[sflag:s18] =	ssyncadd.s32 $0xFFFFFF80  }
0x1b3: {  	v16 =	vld [tilespmem:$0x0];
	_ =	sdelay $0x4  }
0x1b4: {  	v21 =	vshll.u32 v16, $0x1  }
0x1b5: {  	v16 =	vand.u32 $0x7, v16;
	v21 =	vand.u32 $0xFFFFFFF0, v21  }
0x1b6: {  	v16 =	vor.u32 v16, v21  }
0x1b7: {  	v21 =	vperm.xlane v16, v0;
	_ =	sdelay $0x1  }
0x1b8: {  	v16 =	vperm.xlane v16, v2;
	v21 =	vadd.s32 v1, v21;
	_ =	sdelay $0x1  }
0x1b9: {  	v16 =	vadd.s32 v1, v16;
	_ =	sdelay $0x2  }
0x1ba: {  	[tilespmem:s19], [sflag:$0x1] =	stream.indirect_vreg.gather [hbm4b:s3+s14], $0x80, v21, vm0, $0xb8;
	[tilespmem:$0x10100] =	vst v63  }
0x1bb: {  	_ = 	snop  }
0x1bc: {  	[tilespmem:s20], [sflag:$0x1] =	stream.indirect_vreg.gather [hbm4b:s3+s14], $0x80, v16, vm0, $0xb8;
	[tilespmem:$0x10100] =	vst v63  }
0x1bd: {  	v16 =	vld [tilespmem:$0x10];
	_ =	sdelay $0x4  }
0x1be: {  	v21 =	vshll.u32 v16, $0x1  }
0x1bf: {  	v16 =	vand.u32 $0x7, v16;
	v21 =	vand.u32 $0xFFFFFFF0, v21  }
0x1c0: {  	v16 =	vor.u32 v16, v21  }
0x1c1: {  	v21 =	vperm.xlane v16, v0;
	_ =	sdelay $0x1  }
0x1c2: {  	v16 =	vperm.xlane v16, v2;
	v21 =	vadd.s32 v1, v21;
	_ =	sdelay $0x1  }
0x1c3: {  	v16 =	vadd.s32 v1, v16;
	_ =	sdelay $0x2  }
0x1c4: {  	[tilespmem:s21], [sflag:$0x1] =	stream.indirect_vreg.gather [hbm4b:s3+s14], $0x80, v21, vm0, $0xb8;
	[tilespmem:$0x10100] =	vst v63  }
0x1c5: {  	_ = 	snop  }
0x1c6: {  	[tilespmem:s22], [sflag:$0x1] =	stream.indirect_vreg.gather [hbm4b:s3+s14], $0x80, v16, vm0, $0xb8;
	[tilespmem:$0x10100] =	vst v63  }
0x1c7: {  	v16 =	vld [tilespmem:$0x20];
	_ =	sdelay $0x4  }
0x1c8: {  	v21 =	vshll.u32 v16, $0x1  }
0x1c9: {  	v16 =	vand.u32 $0x7, v16;
	v21 =	vand.u32 $0xFFFFFFF0, v21  }
0x1ca: {  	v16 =	vor.u32 v16, v21  }
0x1cb: {  	v21 =	vperm.xlane v16, v0;
	_ =	sdelay $0x1  }
0x1cc: {  	v16 =	vperm.xlane v16, v2;
	v21 =	vadd.s32 v1, v21;
	_ =	sdelay $0x1  }
0x1cd: {  	v16 =	vadd.s32 v1, v16;
	_ =	sdelay $0x2  }
0x1ce: {  	[tilespmem:s23], [sflag:$0x1] =	stream.indirect_vreg.gather [hbm4b:s3+s14], $0x80, v21, vm0, $0xb8;
	[tilespmem:$0x10100] =	vst v63  }
0x1cf: {  	_ = 	snop  }
0x1d0: {  	[tilespmem:s24], [sflag:$0x1] =	stream.indirect_vreg.gather [hbm4b:s3+s14], $0x80, v16, vm0, $0xb8;
	[tilespmem:$0x10100] =	vst v63  }
0x1d1: {  	v16 =	vld [tilespmem:$0x30];
	_ =	sdelay $0x4  }
0x1d2: {  	v21 =	vshll.u32 v16, $0x1  }
0x1d3: {  	v16 =	vand.u32 $0x7, v16;
	v21 =	vand.u32 $0xFFFFFFF0, v21  }
0x1d4: {  	v16 =	vor.u32 v16, v21  }
0x1d5: {  	v21 =	vperm.xlane v16, v0;
	_ =	sdelay $0x1  }
0x1d6: {  	v16 =	vperm.xlane v16, v2;
	v21 =	vadd.s32 v1, v21;
	_ =	sdelay $0x1  }
0x1d7: {  	v16 =	vadd.s32 v1, v16;
	_ =	sdelay $0x2  }
0x1d8: {  	[tilespmem:s25], [sflag:$0x1] =	stream.indirect_vreg.gather [hbm4b:s3+s14], $0x80, v21, vm0, $0xb8;
	[tilespmem:$0x10100] =	vst v63  }
0x1d9: {  	_ = 	snop  }
0x1da: {  	[tilespmem:s26], [sflag:$0x1] =	stream.indirect_vreg.gather [hbm4b:s3+s14], $0x80, v16, vm0, $0xb8;
	[tilespmem:$0x10100] =	vst v63  }
0x1db: {  	v16 =	vld [tilespmem:$0x40];
	_ =	sdelay $0x4  }
0x1dc: {  	v21 =	vshll.u32 v16, $0x1  }
0x1dd: {  	v16 =	vand.u32 $0x7, v16;
	v21 =	vand.u32 $0xFFFFFFF0, v21  }
0x1de: {  	v16 =	vor.u32 v16, v21  }
0x1df: {  	v21 =	vperm.xlane v16, v0;
	_ =	sdelay $0x1  }
0x1e0: {  	v16 =	vperm.xlane v16, v2;
	v21 =	vadd.s32 v1, v21;
	_ =	sdelay $0x1  }
0x1e1: {  	v16 =	vadd.s32 v1, v16;
	_ =	sdelay $0x2  }
0x1e2: {  	[tilespmem:s28], [sflag:$0x1] =	stream.indirect_vreg.gather [hbm4b:s3+s14], $0x80, v21, vm0, $0xb8;
	[tilespmem:$0x10100] =	vst v63  }
0x1e3: {  	_ = 	snop  }
0x1e4: {  	[tilespmem:s29], [sflag:$0x1] =	stream.indirect_vreg.gather [hbm4b:s3+s14], $0x80, v16, vm0, $0xb8;
	[tilespmem:$0x10100] =	vst v63  }
0x1e5: {  	v16 =	vld [tilespmem:$0x50];
	_ =	sdelay $0x4  }
0x1e6: {  	v21 =	vshll.u32 v16, $0x1  }
0x1e7: {  	v16 =	vand.u32 $0x7, v16;
	v21 =	vand.u32 $0xFFFFFFF0, v21  }
0x1e8: {  	v16 =	vor.u32 v16, v21  }
0x1e9: {  	v21 =	vperm.xlane v16, v0;
	_ =	sdelay $0x1  }
0x1ea: {  	v16 =	vperm.xlane v16, v2;
	v21 =	vadd.s32 v1, v21;
	_ =	sdelay $0x1  }
0x1eb: {  	v16 =	vadd.s32 v1, v16;
	_ =	sdelay $0x2  }
0x1ec: {  	[tilespmem:s30], [sflag:$0x1] =	stream.indirect_vreg.gather [hbm4b:s3+s14], $0x80, v21, vm0, $0xb8;
	[tilespmem:$0x10100] =	vst v63  }
0x1ed: {  	_ = 	snop  }
0x1ee: {  	[tilespmem:s31], [sflag:$0x1] =	stream.indirect_vreg.gather [hbm4b:s3+s14], $0x80, v16, vm0, $0xb8;
	[tilespmem:$0x10100] =	vst v63  }
0x1ef: {  	v16 =	vld [tilespmem:$0x60];
	_ =	sdelay $0x4  }
0x1f0: {  	v21 =	vshll.u32 v16, $0x1  }
0x1f1: {  	v16 =	vand.u32 $0x7, v16;
	v21 =	vand.u32 $0xFFFFFFF0, v21  }
0x1f2: {  	v16 =	vor.u32 v16, v21  }
0x1f3: {  	v21 =	vperm.xlane v16, v0;
	_ =	sdelay $0x1  }
0x1f4: {  	v16 =	vperm.xlane v16, v2;
	v21 =	vadd.s32 v1, v21;
	_ =	sdelay $0x1  }
0x1f5: {  	v16 =	vadd.s32 v1, v16;
	_ =	sdelay $0x2  }
0x1f6: {  	[tilespmem:s0], [sflag:$0x1] =	stream.indirect_vreg.gather [hbm4b:s3+s14], $0x80, v21, vm0, $0xb8;
	[tilespmem:$0x10100] =	vst v63  }
0x1f7: {  	_ = 	snop  }
0x1f8: {  	[tilespmem:s1], [sflag:$0x1] =	stream.indirect_vreg.gather [hbm4b:s3+s14], $0x80, v16, vm0, $0xb8;
	[tilespmem:$0x10100] =	vst v63  }
0x1f9: {  	v16 =	vld [tilespmem:$0x70];
	_ =	sdelay $0x4  }
0x1fa: {  	v21 =	vshll.u32 v16, $0x1  }
0x1fb: {  	v16 =	vand.u32 $0x7, v16;
	v21 =	vand.u32 $0xFFFFFFF0, v21  }
0x1fc: {  	v16 =	vor.u32 v16, v21  }
0x1fd: {  	v21 =	vperm.xlane v16, v0;
	_ =	sdelay $0x1  }
0x1fe: {  	v16 =	vperm.xlane v16, v2;
	v21 =	vadd.s32 v1, v21;
	_ =	sdelay $0x1  }
0x1ff: {  	v16 =	vadd.s32 v1, v16;
	_ =	sdelay $0x2  }
0x200: {  	v11 =	vadd.f32 v11, v20;
	v17 =	vmul.f32 v17, v17;
	[tilespmem:s4], [sflag:$0x1] =	stream.indirect_vreg.gather [hbm4b:s3+s14], $0x80, v21, vm0, $0xb8;
	[tilespmem:$0x10100] =	vst v63  }
0x201: {  	_ = 	snop  }
0x202: {  	v13 =	vmul.f32 v13, v13;
	v11 =	vadd.f32 v17, v11;
	[tilespmem:s5], [sflag:$0x1] =	stream.indirect_vreg.gather [hbm4b:s3+s14], $0x80, v16, vm0, $0xb8;
	[tilespmem:$0x10100] =	vst v63  }
0x203: {  	_ =	swait.ge [sflag:s6], $0x8000  }
0x204: {  	v15 =	vmul.f32 v15, v15;
	v11 =	vadd.f32 v13, v11;
	[sflag:s6] =	ssyncset.done $0x0  }
0x205: {  	s12 =	rddreg [dreg:$0xb];
	[sflag:s6] =	ssyncadd.s32 $0xFFFF8000  }
0x206: {  	v8 =	vmul.f32 v8, v8;
	v11 =	vadd.f32 v15, v11;
	[tilespmem:s7], [sflag:$0x2] =	stream.linear.gather [hbm4b:s12+s14], $0x8000, $0x38;
	[tilespmem:$0x10100] =	vst v63  }
0x207: {  	_ =	swait.ge [sflag:s18], $0x8000  }
0x208: {  	s13 =	sand.u32 $0x7800, s14;
	v13 =	vmul.f32 v22, v22;
	s9 =	sand.u32 $0x380, s14;
	v8 =	vadd.f32 v8, v11;
	[sflag:s18] =	ssyncset.done $0x0  }
0x209: {  	s10 =	sor.u32 s9, s13;
	[sflag:s18] =	ssyncadd.s32 $0xFFFF8000  }
0x20a: {  	v8 =	vadd.f32 v13, v8;
	v11 =	vld [tilespmem:s10+$0x84A0]  }
0x20b: {  	v15 =	vld [tilespmem:s10+$0x490]  }
0x20c: {  	v3 =	vadd.f32 v3, v8;
	v13 =	vld [tilespmem:s10+$0x8490]  }
0x20d: {  	v16 =	vld [tilespmem:s10+$0x480]  }
0x20e: {  	v3 =	vadd.f32 v4, v3;
	v8 =	vld [tilespmem:s10+$0x8480]  }
0x20f: {  	v17 =	vld [tilespmem:s10+$0xF0]  }
0x210: {  	v3 =	vadd.f32 v5, v3;
	v4 =	vld [tilespmem:s10+$0x80F0]  }
0x211: {  	v20 =	vld [tilespmem:s10+$0xE0]  }
0x212: {  	v3 =	vadd.f32 v6, v3;
	v5 =	vld [tilespmem:s10+$0x80E0]  }
0x213: {  	v21 =	vld [tilespmem:s10+$0xD0]  }
0x214: {  	v3 =	vadd.f32 v9, v3;
	v6 =	vld [tilespmem:s10+$0xA0]  }
0x215: {  	v22 =	vld [tilespmem:s10+$0x80D0]  }
0x216: {  	v12 =	vmul.f32 v12, v12;
	v3 =	vadd.f32 v10, v3;
	v9 =	vld [tilespmem:s10+$0xB0]  }
0x217: {  	v23 =	vld [tilespmem:s10+$0x90]  }
0x218: {  	v19 =	vmul.f32 v19, v19;
	v3 =	vadd.f32 v12, v3;
	v10 =	vld [tilespmem:s10+$0x80B0]  }
0x219: {  	v24 =	vld [tilespmem:s10+$0x8090]  }
0x21a: {  	v18 =	vmul.f32 v18, v18;
	v3 =	vadd.f32 v19, v3;
	v12 =	vld [tilespmem:s10+$0x80]  }
0x21b: {  	v25 =	vld [tilespmem:s10+$0x4F0];
	v21 =	vsub.f32 v21, v22  }
0x21c: {  	v3 =	vadd.f32 v18, v3;
	v19 =	vld [tilespmem:s10+$0x8080];
	v20 =	vsub.f32 v20, v5  }
0x21d: {  	v26 =	vld [tilespmem:s10+$0x80A0];
	v9 =	vsub.f32 v9, v10;
	v22 =	vadd.f32 v21, v22  }
0x21e: {  	v27 =	vld [tilespmem:s10+$0x4D0];
	v23 =	vsub.f32 v23, v24;
	v5 =	vadd.f32 v20, v5  }
0x21f: {  	v18 =	vld [tilespmem:s10+$0x84F0];
	v17 =	vsub.f32 v17, v4;
	v10 =	vadd.f32 v9, v10;
	[tilespmem:s10+$0xD0] =	vst v22  }
0x220: {  	v16 =	vsub.f32 v16, v8;
	v24 =	vadd.f32 v23, v24;
	v22 =	vld [tilespmem:s10+$0x4A0];
	[tilespmem:s10+$0xE0] =	vst v5  }
0x221: {  	v4 =	vadd.f32 v17, v4;
	v5 =	vld [tilespmem:s10+$0x84D0];
	[tilespmem:s10+$0xB0] =	vst v10;
	v10 =	vsub.f32 v15, v13  }
0x222: {  	v7 =	vmul.f32 v7, v7;
	v8 =	vadd.f32 v16, v8;
	v15 =	vld [tilespmem:s10+$0x84C0];
	[tilespmem:s10+$0x90] =	vst v24  }
0x223: {  	s11 =	simm.s32 $0x80;
	s14 =	simm.s32 $0x100;
	v6 =	vsub.f32 v6, v26;
	v24 =	vld [tilespmem:s10+$0x4C0];
	[tilespmem:s10+$0xF0] =	vst v4;
	v4 =	vadd.f32 v10, v13  }
0x224: {  	s11 =	sand.u32 $0x380, s11;
	v3 =	vadd.f32 v7, v3;
	s9 =	sand.u32 $0x7800, s14;
	[tilespmem:s10+$0x480] =	vst v8;
	v8 =	vld [tilespmem:s10+$0x80C0]  }
0x225: {  	s9 =	sor.u32 s11, s9;
	v12 =	vsub.f32 v12, v19;
	v13 =	vmul.f32 v14, v14;
	v14 =	vadd.f32 v6, v26;
	v26 =	vld [tilespmem:s10+$0xC0];
	[tilespmem:s10+$0x490] =	vst v4  }
0x226: {  	v7 =	vld [tilespmem:s9+$0x84A0]  }
0x227: {  	v3 =	vadd.f32 v13, v3;
	v13 =	vmul.f32 v12, v12;
	v4 =	vsub.f32 v27, v5;
	v27 =	vld [tilespmem:s10+$0x84E0]  }
0x228: {  	v25 =	vsub.f32 v25, v18;
	v12 =	vadd.f32 v12, v19;
	[tilespmem:s10+$0xA0] =	vst v14;
	v14 =	vld [tilespmem:s10+$0x4E0]  }
0x229: {  	v23 =	vmul.f32 v23, v23;
	v28 =	vld [tilespmem:s9+$0x8490];
	v3 =	vadd.f32 v13, v3;
	v5 =	vadd.f32 v4, v5  }
0x22a: {  	v13 =	vadd.f32 v25, v18;
	v18 =	vsub.f32 v22, v11;
	v22 =	vld [tilespmem:s9+$0x490]  }
0x22b: {  	v6 =	vmul.f32 v6, v6;
	v3 =	vadd.f32 v23, v3;
	v23 =	vsub.f32 v24, v15;
	v24 =	vld [tilespmem:s9+$0xF0];
	[tilespmem:s10+$0x4D0] =	vst v5  }
0x22c: {  	v5 =	vsub.f32 v26, v8;
	v26 =	vld [tilespmem:s9+$0x8480]  }
0x22d: {  	[tilespmem:s10+$0x80] =	vst v12;
	v3 =	vadd.f32 v6, v3;
	v6 =	vadd.f32 v18, v11;
	v12 =	vld [tilespmem:s9+$0x480]  }
0x22e: {  	v9 =	vmul.f32 v9, v9;
	[tilespmem:s10+$0x4F0] =	vst v13;
	v13 =	vadd.f32 v23, v15;
	v15 =	vld [tilespmem:s10+$0x4B0];
	v8 =	vadd.f32 v5, v8  }
0x22f: {  	v29 =	vsub.f32 v14, v27;
	v11 =	vld [tilespmem:s9+$0x80F0];
	[tilespmem:s10+$0x4A0] =	vst v6  }
0x230: {  	v5 =	vmul.f32 v5, v5;
	v3 =	vadd.f32 v9, v3;
	[tilespmem:s10+$0xC0] =	vst v8;
	v8 =	vld [tilespmem:s10+$0x84B0]  }
0x231: {  	v9 =	vadd.f32 v29, v27;
	v6 =	vld [tilespmem:s9+$0x80E0]  }
0x232: {  	v3 =	vadd.f32 v5, v3;
	v5 =	vld [tilespmem:s9+$0xD0]  }
0x233: {  	v14 =	vmul.f32 v21, v21;
	[tilespmem:s10+$0x4E0] =	vst v9;
	v9 =	vmul.f32 v20, v20;
	v20 =	vld [tilespmem:s9+$0xB0]  }
0x234: {  	v21 =	vld [tilespmem:s9+$0x90]  }
0x235: {  	[tilespmem:s10+$0x4C0] =	vst v13;
	v3 =	vadd.f32 v14, v3;
	v14 =	vld [tilespmem:s9+$0xE0]  }
0x236: {  	v13 =	vld [tilespmem:s9+$0x80D0]  }
0x237: {  	v17 =	vmul.f32 v17, v17;
	v3 =	vadd.f32 v9, v3;
	v9 =	vld [tilespmem:s9+$0x80B0]  }
0x238: {  	v31 =	vld [tilespmem:s9+$0xA0]  }
0x239: {  	v16 =	vmul.f32 v16, v16;
	v19 =	vld [tilespmem:s9+$0x8080];
	v15 =	vsub.f32 v15, v8;
	v3 =	vadd.f32 v17, v3  }
0x23a: {  	v30 =	vld [tilespmem:s9+$0x80A0];
	v12 =	vsub.f32 v12, v26;
	v27 =	vsub.f32 v14, v6  }
0x23b: {  	v10 =	vmul.f32 v10, v10;
	v17 =	vld [tilespmem:s9+$0x8090];
	v3 =	vadd.f32 v16, v3;
	v16 =	vadd.f32 v15, v8  }
0x23c: {  	v5 =	vsub.f32 v5, v13;
	v14 =	vld [tilespmem:s9+$0x4F0];
	v8 =	vsub.f32 v20, v9  }
0x23d: {  	v20 =	vld [tilespmem:s9+$0x80];
	v6 =	vadd.f32 v27, v6;
	[tilespmem:s10+$0x4B0] =	vst v16;
	v3 =	vadd.f32 v10, v3;
	v10 =	vmul.f32 v18, v18  }
0x23e: {  	v33 =	vmul.f32 v4, v4;
	v24 =	vsub.f32 v24, v11;
	v13 =	vadd.f32 v5, v13;
	v16 =	vld [tilespmem:s9+$0x84B0]  }
0x23f: {  	v9 =	vadd.f32 v8, v9;
	[tilespmem:s9+$0xE0] =	vst v6;
	v6 =	vmul.f32 v15, v15;
	v32 =	vld [tilespmem:s9+$0x4A0];
	v3 =	vadd.f32 v10, v3  }
0x240: {  	v4 =	vmul.f32 v27, v27;
	[tilespmem:s9+$0xD0] =	vst v13;
	v13 =	vsub.f32 v21, v17;
	v15 =	vadd.f32 v24, v11;
	v21 =	vld [tilespmem:s9+$0x84C0]  }
0x241: {  	v27 =	vsub.f32 v22, v28;
	v34 =	vld [tilespmem:s9+$0x4B0];
	[tilespmem:s9+$0xB0] =	vst v9;
	v9 =	vmul.f32 v23, v23;
	v6 =	vadd.f32 v6, v3  }
0x242: {  	v11 =	vmul.f32 v25, v25;
	v18 =	vld [tilespmem:s9+$0x4D0];
	v10 =	vadd.f32 v13, v17;
	[tilespmem:s9+$0xF0] =	vst v15;
	v15 =	vsub.f32 v31, v30  }
0x243: {  	v22 =	vld [tilespmem:s9+$0x84D0];
	v31 =	vmul.f32 v29, v29;
	v29 =	vadd.f32 v27, v28;
	v9 =	vadd.f32 v9, v6  }
0x244: {  	v3 =	vmul.f32 v5, v5;
	v17 =	vsub.f32 v20, v19;
	[tilespmem:s9+$0x90] =	vst v10;
	v10 =	vadd.f32 v12, v26;
	v26 =	vld [tilespmem:s9+$0x4C0]  }
0x245: {  	v25 =	vld [tilespmem:s9+$0x84F0];
	v5 =	vmul.f32 v24, v24;
	v23 =	vsub.f32 v32, v7;
	v20 =	vadd.f32 v33, v9  }
0x246: {  	v24 =	vld [tilespmem:s9+$0x80C0];
	v28 =	vadd.f32 v15, v30;
	v6 =	vmul.f32 v12, v12;
	v12 =	vsub.f32 v34, v16  }
0x247: {  	s13 =	simm.s32 $0x200;
	s10 =	simm.s32 $0x100;
	[tilespmem:s9+$0x480] =	vst v10;
	v9 =	vmul.f32 v27, v27;
	v10 =	vmul.f32 v23, v23;
	v27 =	vld [tilespmem:s9+$0xC0];
	v20 =	vadd.f32 v31, v20  }
.LBB2_6:
0x248: {  	s11 =	smov.u32 s13  }
0x249: {  	s12 =	sand.u32 $0x7800, s13;
	s14 =	sand.u32 $0x380, s10;
	v30 =	vmul.f32 v17, v17;
	v31 =	vmul.f32 v12, v12;
	v26 =	vsub.f32 v26, v21;
	v32 =	vld [tilespmem:s9+$0x84E0];
	s11 =	sadd.s32 $0x100, s13  }
0x24a: {  	p0 =	sne.s32 s13, $0x7F00;
	s12 =	sor.u32 s14, s12;
	v18 =	vsub.f32 v18, v22;
	v11 =	vadd.f32 v11, v20;
	[tilespmem:s9+$0x490] =	vst v29;
	v29 =	vld [tilespmem:s9+$0x4E0]  }
0x24b: {  	v13 =	vmul.f32 v13, v13;
	v14 =	vsub.f32 v14, v25;
	v20 =	vld [tilespmem:s12+$0x84A0];
	[tilespmem:s9+$0xA0] =	vst v28;
	v28 =	vmul.f32 v26, v26  }
0x24c: {  	v11 =	vadd.f32 v30, v11;
	v22 =	vadd.f32 v18, v22;
	v30 =	vmul.f32 v18, v18;
	v33 =	vld [tilespmem:s12+$0x490]  }
0x24d: {  	v15 =	vmul.f32 v15, v15;
	v18 =	vsub.f32 v27, v24;
	v25 =	vadd.f32 v14, v25;
	v34 =	vld [tilespmem:s12+$0x8490]  }
0x24e: {  	v17 =	vadd.f32 v17, v19;
	v11 =	vadd.f32 v13, v11;
	v27 =	vld [tilespmem:s12+$0x480];
	[tilespmem:s9+$0x4D0] =	vst v22  }
0x24f: {  	v8 =	vmul.f32 v8, v8;
	v13 =	vadd.f32 v18, v24;
	v18 =	vmul.f32 v18, v18;
	v22 =	vld [tilespmem:s12+$0x8480];
	[tilespmem:s9+$0x4F0] =	vst v25  }
0x250: {  	v15 =	vadd.f32 v15, v11;
	v24 =	vld [tilespmem:s12+$0xF0];
	[tilespmem:s9+$0x80] =	vst v17;
	v17 =	vadd.f32 v23, v7;
	v7 =	vmov v20  }
0x251: {  	v11 =	vmul.f32 v14, v14;
	v23 =	vsub.f32 v29, v32;
	v20 =	vld [tilespmem:s12+$0x80F0];
	[tilespmem:s9+$0xC0] =	vst v13;
	v13 =	vadd.f32 v26, v21  }
0x252: {  	v8 =	vadd.f32 v8, v15;
	v21 =	vld [tilespmem:s12+$0xE0];
	[tilespmem:s9+$0x4A0] =	vst v17  }
0x253: {  	v15 =	vld [tilespmem:s12+$0x80E0];
	[tilespmem:s9+$0x4C0] =	vst v13;
	v13 =	vadd.f32 v23, v32  }
0x254: {  	v8 =	vadd.f32 v18, v8;
	v14 =	vld [tilespmem:s12+$0xD0]  }
0x255: {  	v17 =	vld [tilespmem:s12+$0xA0];
	[tilespmem:s9+$0x4E0] =	vst v13  }
0x256: {  	v3 =	vadd.f32 v3, v8;
	v13 =	vld [tilespmem:s12+$0x80D0]  }
0x257: {  	v8 =	vld [tilespmem:s12+$0xB0]  }
0x258: {  	v3 =	vadd.f32 v4, v3;
	v18 =	vld [tilespmem:s12+$0x90]  }
0x259: {  	v25 =	vld [tilespmem:s12+$0x80B0]  }
0x25a: {  	v3 =	vadd.f32 v5, v3;
	v26 =	vld [tilespmem:s12+$0x8090]  }
0x25b: {  	v29 =	vld [tilespmem:s12+$0x80];
	v4 =	vsub.f32 v14, v13  }
0x25c: {  	v5 =	vadd.f32 v6, v3;
	v6 =	vadd.f32 v12, v16;
	v14 =	vld [tilespmem:s12+$0x4F0]  }
0x25d: {  	v16 =	vsub.f32 v21, v15;
	v19 =	vld [tilespmem:s12+$0x8080];
	v12 =	vadd.f32 v4, v13;
	v3 =	vmul.f32 v4, v4  }
0x25e: {  	v5 =	vadd.f32 v9, v5;
	v32 =	vld [tilespmem:s12+$0x80A0];
	v8 =	vsub.f32 v8, v25;
	[tilespmem:s9+$0x4B0] =	vst v6;
	s9 =	smov.u32 s12  }
0x25f: {  	v4 =	vmul.f32 v16, v16;
	v6 =	vsub.f32 v24, v20;
	v13 =	vsub.f32 v18, v26;
	[tilespmem:s9+$0xD0] =	vst v12;
	v18 =	vld [tilespmem:s9+$0x4D0]  }
0x260: {  	v9 =	vadd.f32 v16, v15;
	v10 =	vadd.f32 v10, v5;
	v12 =	vld [tilespmem:s9+$0x4A0]  }
0x261: {  	v24 =	vsub.f32 v27, v22;
	v15 =	vadd.f32 v8, v25;
	v5 =	vmul.f32 v6, v6;
	v16 =	vld [tilespmem:s9+$0x84B0]  }
0x262: {  	v25 =	vadd.f32 v13, v26;
	[tilespmem:s9+$0xE0] =	vst v9;
	v27 =	vld [tilespmem:s9+$0x4B0];
	v9 =	vadd.f32 v31, v10  }
0x263: {  	v10 =	vadd.f32 v6, v20;
	v6 =	vmul.f32 v24, v24;
	v20 =	vsub.f32 v33, v34;
	[tilespmem:s9+$0xB0] =	vst v15;
	v21 =	vld [tilespmem:s9+$0x84C0]  }
.Ltmp2:
0x264: {  	v24 =	vadd.f32 v24, v22;
	v31 =	vmul.f32 v23, v23;
	[tilespmem:s9+$0x90] =	vst v25;
	v26 =	vld [tilespmem:s9+$0x4C0];
	v28 =	vadd.f32 v28, v9;
	(pc) =	sbr.rel @p0 .LBB2_6-.Ltmp2, $4  }
0x265: {  	v15 =	vsub.f32 v17, v32;
	v9 =	vmul.f32 v20, v20;
	[tilespmem:s9+$0xF0] =	vst v10;
	v23 =	vsub.f32 v12, v7;
	v22 =	vld [tilespmem:s9+$0x84D0]  }
0x266: {  	v17 =	vsub.f32 v29, v19;
	[tilespmem:s9+$0x480] =	vst v24;
	v25 =	vld [tilespmem:s9+$0x84F0];
	v30 =	vadd.f32 v30, v28  }
0x267: {  	v29 =	vadd.f32 v20, v34;
	v24 =	vld [tilespmem:s9+$0x80C0];
	v10 =	vmul.f32 v23, v23;
	v12 =	vsub.f32 v27, v16  }
0x268: {  	s10 =	sadd.s32 $0x80, s10;
	s13 =	smov.u32 s11;
	v28 =	vadd.f32 v15, v32;
	v27 =	vld [tilespmem:s9+$0xC0];
	v20 =	vadd.f32 v31, v30  }
0x269: {  	v30 =	vld [tilespmem:s9+$0x84E0]  }
0x26a: {  	v31 =	vld [tilespmem:s9+$0x4E0];
	[tilespmem:s9+$0x490] =	vst v29;
	v23 =	vadd.f32 v23, v7;
	v18 =	vsub.f32 v18, v22  }
0x26b: {  	v16 =	vadd.f32 v12, v16;
	[tilespmem:s9+$0xA0] =	vst v28;
	v14 =	vsub.f32 v14, v25  }
0x26c: {  	[tilespmem:s9+$0x4A0] =	vst v23;
	v29 =	vadd.f32 v18, v22  }
0x26d: {  	[tilespmem:s9+$0x4B0] =	vst v16;
	v22 =	vsub.f32 v27, v24;
	v25 =	vadd.f32 v14, v25  }
0x26e: {  	v27 =	vadd.f32 v17, v19;
	v19 =	vsub.f32 v26, v21;
	[tilespmem:s9+$0x4D0] =	vst v29  }
0x26f: {  	v7 =	vsub.f32 v31, v30;
	v24 =	vadd.f32 v22, v24;
	[tilespmem:s9+$0x4F0] =	vst v25  }
0x270: {  	[tilespmem:s9+$0x80] =	vst v27;
	v21 =	vadd.f32 v19, v21  }
0x271: {  	v23 =	vadd.f32 v7, v30;
	[tilespmem:s9+$0xC0] =	vst v24  }
0x272: {  	[tilespmem:s9+$0x4C0] =	vst v21  }
0x273: {  	s14 =	simm.s32 $0x0;
	s10 =	rddreg [dreg:$0xc];
	[tilespmem:s9+$0x4E0] =	vst v23  }
0x274: {  	[hbm4b:s10+s14] =	stream.linear.scatter [tilespmem:s19], [sflag:$0x2], $0x8000, $0x38;
	[tilespmem:$0x10100] =	vst v63  }
0x275: {  	_ =	swait.ge [sflag:s18], $0x8000  }
0x276: {  	[sflag:s18] =	ssyncset.done $0x0  }
0x277: {  	s11 =	rddreg [dreg:$0xd];
	[sflag:s18] =	ssyncadd.s32 $0xFFFF8000  }
0x278: {  	[tilespmem:s14], [sflag:$0x2] =	stream.linear.gather [hbm4b:s11+s14], $0x80, $0x38;
	[tilespmem:$0x10100] =	vst v63  }
0x279: {  	_ =	swait.ge [sflag:s18], $0x80  }
0x27a: {  	[sflag:s18] =	ssyncset.done $0x0  }
0x27b: {  	[sflag:s18] =	ssyncadd.s32 $0xFFFFFF80  }
0x27c: {  	v16 =	vld [tilespmem:$0x0];
	_ =	sdelay $0x4  }
0x27d: {  	v21 =	vshll.u32 v16, $0x1  }
0x27e: {  	v16 =	vand.u32 $0x7, v16;
	v21 =	vand.u32 $0xFFFFFFF0, v21  }
0x27f: {  	v16 =	vor.u32 v16, v21  }
0x280: {  	v21 =	vperm.xlane v16, v0;
	_ =	sdelay $0x1  }
0x281: {  	v16 =	vperm.xlane v16, v2;
	v21 =	vadd.s32 v1, v21;
	_ =	sdelay $0x1  }
0x282: {  	v16 =	vadd.s32 v1, v16;
	_ =	sdelay $0x2  }
0x283: {  	[tilespmem:s19], [sflag:$0x1] =	stream.indirect_vreg.gather [hbm4b:s3+s14], $0x80, v21, vm0, $0xb8;
	[tilespmem:$0x10100] =	vst v63  }
0x284: {  	_ = 	snop  }
0x285: {  	[tilespmem:s20], [sflag:$0x1] =	stream.indirect_vreg.gather [hbm4b:s3+s14], $0x80, v16, vm0, $0xb8;
	[tilespmem:$0x10100] =	vst v63  }
0x286: {  	v16 =	vld [tilespmem:$0x10];
	_ =	sdelay $0x4  }
0x287: {  	v21 =	vshll.u32 v16, $0x1  }
0x288: {  	v16 =	vand.u32 $0x7, v16;
	v21 =	vand.u32 $0xFFFFFFF0, v21  }
0x289: {  	v16 =	vor.u32 v16, v21  }
0x28a: {  	v21 =	vperm.xlane v16, v0;
	_ =	sdelay $0x1  }
0x28b: {  	v16 =	vperm.xlane v16, v2;
	v21 =	vadd.s32 v1, v21;
	_ =	sdelay $0x1  }
0x28c: {  	v16 =	vadd.s32 v1, v16;
	_ =	sdelay $0x2  }
0x28d: {  	[tilespmem:s21], [sflag:$0x1] =	stream.indirect_vreg.gather [hbm4b:s3+s14], $0x80, v21, vm0, $0xb8;
	[tilespmem:$0x10100] =	vst v63  }
0x28e: {  	_ = 	snop  }
0x28f: {  	[tilespmem:s22], [sflag:$0x1] =	stream.indirect_vreg.gather [hbm4b:s3+s14], $0x80, v16, vm0, $0xb8;
	[tilespmem:$0x10100] =	vst v63  }
0x290: {  	v16 =	vld [tilespmem:$0x20];
	_ =	sdelay $0x4  }
0x291: {  	v21 =	vshll.u32 v16, $0x1  }
0x292: {  	v16 =	vand.u32 $0x7, v16;
	v21 =	vand.u32 $0xFFFFFFF0, v21  }
0x293: {  	v16 =	vor.u32 v16, v21  }
0x294: {  	v21 =	vperm.xlane v16, v0;
	_ =	sdelay $0x1  }
0x295: {  	v16 =	vperm.xlane v16, v2;
	v21 =	vadd.s32 v1, v21;
	_ =	sdelay $0x1  }
0x296: {  	v16 =	vadd.s32 v1, v16;
	_ =	sdelay $0x2  }
0x297: {  	[tilespmem:s23], [sflag:$0x1] =	stream.indirect_vreg.gather [hbm4b:s3+s14], $0x80, v21, vm0, $0xb8;
	[tilespmem:$0x10100] =	vst v63  }
0x298: {  	_ = 	snop  }
0x299: {  	[tilespmem:s24], [sflag:$0x1] =	stream.indirect_vreg.gather [hbm4b:s3+s14], $0x80, v16, vm0, $0xb8;
	[tilespmem:$0x10100] =	vst v63  }
0x29a: {  	v16 =	vld [tilespmem:$0x30];
	_ =	sdelay $0x4  }
0x29b: {  	v21 =	vshll.u32 v16, $0x1  }
0x29c: {  	v16 =	vand.u32 $0x7, v16;
	v21 =	vand.u32 $0xFFFFFFF0, v21  }
0x29d: {  	v16 =	vor.u32 v16, v21  }
0x29e: {  	v21 =	vperm.xlane v16, v0;
	_ =	sdelay $0x1  }
0x29f: {  	v16 =	vperm.xlane v16, v2;
	v21 =	vadd.s32 v1, v21;
	_ =	sdelay $0x1  }
0x2a0: {  	v16 =	vadd.s32 v1, v16;
	_ =	sdelay $0x2  }
0x2a1: {  	[tilespmem:s25], [sflag:$0x1] =	stream.indirect_vreg.gather [hbm4b:s3+s14], $0x80, v21, vm0, $0xb8;
	[tilespmem:$0x10100] =	vst v63  }
0x2a2: {  	_ = 	snop  }
0x2a3: {  	[tilespmem:s26], [sflag:$0x1] =	stream.indirect_vreg.gather [hbm4b:s3+s14], $0x80, v16, vm0, $0xb8;
	[tilespmem:$0x10100] =	vst v63  }
0x2a4: {  	v16 =	vld [tilespmem:$0x40];
	_ =	sdelay $0x4  }
0x2a5: {  	v21 =	vshll.u32 v16, $0x1  }
0x2a6: {  	v16 =	vand.u32 $0x7, v16;
	v21 =	vand.u32 $0xFFFFFFF0, v21  }
0x2a7: {  	v16 =	vor.u32 v16, v21  }
0x2a8: {  	v21 =	vperm.xlane v16, v0;
	_ =	sdelay $0x1  }
0x2a9: {  	v16 =	vperm.xlane v16, v2;
	v21 =	vadd.s32 v1, v21;
	_ =	sdelay $0x1  }
0x2aa: {  	v16 =	vadd.s32 v1, v16;
	_ =	sdelay $0x2  }
0x2ab: {  	[tilespmem:s28], [sflag:$0x1] =	stream.indirect_vreg.gather [hbm4b:s3+s14], $0x80, v21, vm0, $0xb8;
	[tilespmem:$0x10100] =	vst v63  }
0x2ac: {  	_ = 	snop  }
0x2ad: {  	[tilespmem:s29], [sflag:$0x1] =	stream.indirect_vreg.gather [hbm4b:s3+s14], $0x80, v16, vm0, $0xb8;
	[tilespmem:$0x10100] =	vst v63  }
0x2ae: {  	v16 =	vld [tilespmem:$0x50];
	_ =	sdelay $0x4  }
0x2af: {  	v21 =	vshll.u32 v16, $0x1  }
0x2b0: {  	v16 =	vand.u32 $0x7, v16;
	v21 =	vand.u32 $0xFFFFFFF0, v21  }
0x2b1: {  	v16 =	vor.u32 v16, v21  }
0x2b2: {  	v21 =	vperm.xlane v16, v0;
	_ =	sdelay $0x1  }
0x2b3: {  	v16 =	vperm.xlane v16, v2;
	v21 =	vadd.s32 v1, v21;
	_ =	sdelay $0x1  }
0x2b4: {  	v16 =	vadd.s32 v1, v16;
	_ =	sdelay $0x2  }
0x2b5: {  	[tilespmem:s30], [sflag:$0x1] =	stream.indirect_vreg.gather [hbm4b:s3+s14], $0x80, v21, vm0, $0xb8;
	[tilespmem:$0x10100] =	vst v63  }
0x2b6: {  	_ = 	snop  }
0x2b7: {  	[tilespmem:s31], [sflag:$0x1] =	stream.indirect_vreg.gather [hbm4b:s3+s14], $0x80, v16, vm0, $0xb8;
	[tilespmem:$0x10100] =	vst v63  }
0x2b8: {  	v16 =	vld [tilespmem:$0x60];
	_ =	sdelay $0x4  }
0x2b9: {  	v21 =	vshll.u32 v16, $0x1  }
0x2ba: {  	v16 =	vand.u32 $0x7, v16;
	v21 =	vand.u32 $0xFFFFFFF0, v21  }
0x2bb: {  	v16 =	vor.u32 v16, v21  }
0x2bc: {  	v21 =	vperm.xlane v16, v0;
	_ =	sdelay $0x1  }
0x2bd: {  	v16 =	vperm.xlane v16, v2;
	v21 =	vadd.s32 v1, v21;
	_ =	sdelay $0x1  }
0x2be: {  	v16 =	vadd.s32 v1, v16;
	_ =	sdelay $0x2  }
0x2bf: {  	[tilespmem:s0], [sflag:$0x1] =	stream.indirect_vreg.gather [hbm4b:s3+s14], $0x80, v21, vm0, $0xb8;
	[tilespmem:$0x10100] =	vst v63  }
0x2c0: {  	_ = 	snop  }
0x2c1: {  	[tilespmem:s1], [sflag:$0x1] =	stream.indirect_vreg.gather [hbm4b:s3+s14], $0x80, v16, vm0, $0xb8;
	[tilespmem:$0x10100] =	vst v63  }
0x2c2: {  	v16 =	vld [tilespmem:$0x70];
	_ =	sdelay $0x4  }
0x2c3: {  	v21 =	vshll.u32 v16, $0x1  }
0x2c4: {  	v16 =	vand.u32 $0x7, v16;
	v21 =	vand.u32 $0xFFFFFFF0, v21  }
0x2c5: {  	v16 =	vor.u32 v16, v21  }
0x2c6: {  	v21 =	vperm.xlane v16, v0;
	_ =	sdelay $0x1  }
0x2c7: {  	v16 =	vperm.xlane v16, v2;
	v21 =	vadd.s32 v1, v21;
	_ =	sdelay $0x1  }
0x2c8: {  	v16 =	vadd.s32 v1, v16;
	_ =	sdelay $0x2  }
0x2c9: {  	v11 =	vadd.f32 v11, v20;
	v17 =	vmul.f32 v17, v17;
	[tilespmem:s4], [sflag:$0x1] =	stream.indirect_vreg.gather [hbm4b:s3+s14], $0x80, v21, vm0, $0xb8;
	[tilespmem:$0x10100] =	vst v63  }
0x2ca: {  	_ = 	snop  }
0x2cb: {  	v13 =	vmul.f32 v13, v13;
	v11 =	vadd.f32 v17, v11;
	[tilespmem:s5], [sflag:$0x1] =	stream.indirect_vreg.gather [hbm4b:s3+s14], $0x80, v16, vm0, $0xb8;
	[tilespmem:$0x10100] =	vst v63  }
0x2cc: {  	_ =	swait.ge [sflag:s6], $0x8000  }
0x2cd: {  	v15 =	vmul.f32 v15, v15;
	v11 =	vadd.f32 v13, v11;
	[sflag:s6] =	ssyncset.done $0x0  }
0x2ce: {  	s12 =	rddreg [dreg:$0xe];
	[sflag:s6] =	ssyncadd.s32 $0xFFFF8000  }
0x2cf: {  	v8 =	vmul.f32 v8, v8;
	v11 =	vadd.f32 v15, v11;
	[tilespmem:s7], [sflag:$0x2] =	stream.linear.gather [hbm4b:s12+s14], $0x8000, $0x38;
	[tilespmem:$0x10100] =	vst v63  }
0x2d0: {  	_ =	swait.ge [sflag:s18], $0x8000  }
0x2d1: {  	s13 =	sand.u32 $0x7800, s14;
	v13 =	vmul.f32 v22, v22;
	s9 =	sand.u32 $0x380, s14;
	v8 =	vadd.f32 v8, v11;
	[sflag:s18] =	ssyncset.done $0x0  }
0x2d2: {  	s10 =	sor.u32 s9, s13;
	[sflag:s18] =	ssyncadd.s32 $0xFFFF8000  }
0x2d3: {  	v8 =	vadd.f32 v13, v8;
	v11 =	vld [tilespmem:s10+$0x84A0]  }
0x2d4: {  	v15 =	vld [tilespmem:s10+$0x490]  }
0x2d5: {  	v3 =	vadd.f32 v3, v8;
	v13 =	vld [tilespmem:s10+$0x8490]  }
0x2d6: {  	v16 =	vld [tilespmem:s10+$0x480]  }
0x2d7: {  	v3 =	vadd.f32 v4, v3;
	v8 =	vld [tilespmem:s10+$0x8480]  }
0x2d8: {  	v17 =	vld [tilespmem:s10+$0xF0]  }
0x2d9: {  	v3 =	vadd.f32 v5, v3;
	v4 =	vld [tilespmem:s10+$0x80F0]  }
0x2da: {  	v20 =	vld [tilespmem:s10+$0xE0]  }
0x2db: {  	v3 =	vadd.f32 v6, v3;
	v5 =	vld [tilespmem:s10+$0x80E0]  }
0x2dc: {  	v21 =	vld [tilespmem:s10+$0xD0]  }
0x2dd: {  	v3 =	vadd.f32 v9, v3;
	v6 =	vld [tilespmem:s10+$0xA0]  }
0x2de: {  	v22 =	vld [tilespmem:s10+$0x80D0]  }
0x2df: {  	v12 =	vmul.f32 v12, v12;
	v3 =	vadd.f32 v10, v3;
	v9 =	vld [tilespmem:s10+$0xB0]  }
0x2e0: {  	v23 =	vld [tilespmem:s10+$0x90]  }
0x2e1: {  	v19 =	vmul.f32 v19, v19;
	v3 =	vadd.f32 v12, v3;
	v10 =	vld [tilespmem:s10+$0x80B0]  }
0x2e2: {  	v24 =	vld [tilespmem:s10+$0x8090]  }
0x2e3: {  	v18 =	vmul.f32 v18, v18;
	v3 =	vadd.f32 v19, v3;
	v12 =	vld [tilespmem:s10+$0x80]  }
0x2e4: {  	v25 =	vld [tilespmem:s10+$0x4F0];
	v21 =	vsub.f32 v21, v22  }
0x2e5: {  	v3 =	vadd.f32 v18, v3;
	v19 =	vld [tilespmem:s10+$0x8080];
	v20 =	vsub.f32 v20, v5  }
0x2e6: {  	v26 =	vld [tilespmem:s10+$0x80A0];
	v9 =	vsub.f32 v9, v10;
	v22 =	vadd.f32 v21, v22  }
0x2e7: {  	v27 =	vld [tilespmem:s10+$0x4D0];
	v23 =	vsub.f32 v23, v24;
	v5 =	vadd.f32 v20, v5  }
0x2e8: {  	v18 =	vld [tilespmem:s10+$0x84F0];
	v17 =	vsub.f32 v17, v4;
	v10 =	vadd.f32 v9, v10;
	[tilespmem:s10+$0xD0] =	vst v22  }
0x2e9: {  	v16 =	vsub.f32 v16, v8;
	v24 =	vadd.f32 v23, v24;
	v22 =	vld [tilespmem:s10+$0x4A0];
	[tilespmem:s10+$0xE0] =	vst v5  }
0x2ea: {  	v7 =	vmul.f32 v7, v7;
	v4 =	vadd.f32 v17, v4;
	v5 =	vld [tilespmem:s10+$0x84D0];
	[tilespmem:s10+$0xB0] =	vst v10  }
0x2eb: {  	v8 =	vadd.f32 v16, v8;
	v10 =	vsub.f32 v15, v13;
	v15 =	vld [tilespmem:s10+$0x84C0];
	[tilespmem:s10+$0x90] =	vst v24  }
0x2ec: {  	s11 =	simm.s32 $0x80;
	v3 =	vadd.f32 v7, v3;
	s14 =	simm.s32 $0x100;
	v24 =	vld [tilespmem:s10+$0x4C0];
	[tilespmem:s10+$0xF0] =	vst v4  }
0x2ed: {  	s11 =	sand.u32 $0x380, s11;
	s9 =	sand.u32 $0x7800, s14;
	v7 =	vsub.f32 v12, v19;
	[tilespmem:s10+$0x480] =	vst v8;
	v8 =	vld [tilespmem:s10+$0x80C0];
	v4 =	vadd.f32 v10, v13;
	v13 =	vmul.f32 v14, v14  }
0x2ee: {  	s9 =	sor.u32 s11, s9;
	v6 =	vsub.f32 v6, v26;
	v14 =	vld [tilespmem:s10+$0xC0]  }
0x2ef: {  	[tilespmem:s10+$0x490] =	vst v4;
	v4 =	vadd.f32 v13, v3;
	v13 =	vmul.f32 v7, v7;
	v7 =	vadd.f32 v7, v19;
	v19 =	vld [tilespmem:s9+$0xF0]  }
0x2f0: {  	v12 =	vadd.f32 v6, v26;
	v26 =	vsub.f32 v27, v5;
	v3 =	vld [tilespmem:s9+$0x84A0]  }
0x2f1: {  	v25 =	vsub.f32 v25, v18;
	v27 =	vld [tilespmem:s10+$0x84E0]  }
0x2f2: {  	v23 =	vmul.f32 v23, v23;
	[tilespmem:s10+$0xA0] =	vst v12;
	v12 =	vld [tilespmem:s10+$0x4E0];
	v4 =	vadd.f32 v13, v4;
	v5 =	vadd.f32 v26, v5  }
0x2f3: {  	v28 =	vld [tilespmem:s9+$0x8490];
	v13 =	vadd.f32 v25, v18  }
0x2f4: {  	v4 =	vadd.f32 v23, v4;
	v23 =	vld [tilespmem:s9+$0x480];
	[tilespmem:s10+$0x4D0] =	vst v5;
	v5 =	vsub.f32 v14, v8  }
0x2f5: {  	v6 =	vmul.f32 v6, v6;
	v14 =	vsub.f32 v22, v11;
	v18 =	vld [tilespmem:s9+$0x8480];
	[tilespmem:s10+$0x4F0] =	vst v13  }
0x2f6: {  	v22 =	vld [tilespmem:s9+$0x490];
	v13 =	vsub.f32 v24, v15;
	[tilespmem:s10+$0x80] =	vst v7;
	v8 =	vadd.f32 v5, v8  }
0x2f7: {  	v7 =	vmul.f32 v9, v9;
	v4 =	vadd.f32 v6, v4;
	v6 =	vadd.f32 v14, v11;
	v11 =	vld [tilespmem:s9+$0x80F0]  }
0x2f8: {  	v29 =	vsub.f32 v12, v27;
	v9 =	vadd.f32 v13, v15;
	v15 =	vld [tilespmem:s10+$0x4B0];
	[tilespmem:s10+$0xC0] =	vst v8  }
0x2f9: {  	v5 =	vmul.f32 v5, v5;
	v4 =	vadd.f32 v7, v4;
	v8 =	vld [tilespmem:s10+$0x84B0];
	[tilespmem:s10+$0x4A0] =	vst v6  }
0x2fa: {  	v7 =	vadd.f32 v29, v27;
	v6 =	vld [tilespmem:s9+$0x80E0]  }
0x2fb: {  	v4 =	vadd.f32 v5, v4;
	v5 =	vld [tilespmem:s9+$0xD0]  }
0x2fc: {  	v12 =	vmul.f32 v21, v21;
	[tilespmem:s10+$0x4E0] =	vst v7;
	v7 =	vmul.f32 v20, v20;
	v20 =	vld [tilespmem:s9+$0xB0]  }
0x2fd: {  	[tilespmem:s10+$0x4C0] =	vst v9;
	v21 =	vld [tilespmem:s9+$0x90]  }
0x2fe: {  	v9 =	vld [tilespmem:s9+$0x80D0];
	v4 =	vadd.f32 v12, v4  }
0x2ff: {  	v12 =	vld [tilespmem:s9+$0xE0]  }
0x300: {  	v17 =	vmul.f32 v17, v17;
	v4 =	vadd.f32 v7, v4;
	v7 =	vld [tilespmem:s9+$0x80B0]  }
0x301: {  	v32 =	vld [tilespmem:s9+$0xA0];
	v15 =	vsub.f32 v15, v8  }
0x302: {  	v16 =	vmul.f32 v16, v16;
	v24 =	vld [tilespmem:s9+$0x8090];
	v4 =	vadd.f32 v17, v4  }
0x303: {  	v31 =	vld [tilespmem:s9+$0x80A0];
	v27 =	vsub.f32 v5, v9;
	v8 =	vadd.f32 v15, v8  }
0x304: {  	v10 =	vmul.f32 v10, v10;
	v5 =	vld [tilespmem:s9+$0x8080];
	v30 =	vsub.f32 v12, v6;
	v4 =	vadd.f32 v16, v4  }
0x305: {  	v12 =	vld [tilespmem:s9+$0x4F0];
	v16 =	vadd.f32 v27, v9;
	v9 =	vsub.f32 v20, v7  }
0x306: {  	[tilespmem:s10+$0x4B0] =	vst v8;
	v20 =	vld [tilespmem:s9+$0x80];
	v6 =	vadd.f32 v30, v6;
	v8 =	vadd.f32 v10, v4;
	v10 =	vmul.f32 v14, v14  }
0x307: {  	v26 =	vmul.f32 v26, v26;
	v13 =	vmul.f32 v13, v13;
	v17 =	vsub.f32 v21, v24;
	v33 =	vld [tilespmem:s9+$0x4B0]  }
0x308: {  	v21 =	vsub.f32 v23, v18;
	v4 =	vld [tilespmem:s9+$0x84B0];
	[tilespmem:s9+$0xE0] =	vst v6;
	v6 =	vmul.f32 v15, v15;
	v8 =	vadd.f32 v10, v8  }
0x309: {  	v29 =	vmul.f32 v29, v29;
	[tilespmem:s9+$0xD0] =	vst v16;
	v16 =	vsub.f32 v19, v11;
	v7 =	vadd.f32 v9, v7;
	v15 =	vld [tilespmem:s9+$0x4A0]  }
0x30a: {  	v14 =	vmul.f32 v25, v25;
	v19 =	vld [tilespmem:s9+$0x4D0];
	v10 =	vadd.f32 v17, v24;
	v24 =	vadd.f32 v6, v8  }
0x30b: {  	v25 =	vsub.f32 v32, v31;
	v23 =	vadd.f32 v16, v11;
	v11 =	vld [tilespmem:s9+$0x84C0];
	[tilespmem:s9+$0xB0] =	vst v7;
	v7 =	vmul.f32 v30, v30  }
0x30c: {  	v8 =	vmul.f32 v16, v16;
	v16 =	vsub.f32 v22, v28;
	v22 =	vld [tilespmem:s9+$0x84D0];
	v13 =	vadd.f32 v13, v24  }
0x30d: {  	[tilespmem:s9+$0x90] =	vst v10;
	v6 =	vmul.f32 v27, v27;
	v27 =	vadd.f32 v21, v18;
	v20 =	vsub.f32 v20, v5;
	v24 =	vld [tilespmem:s9+$0x4C0]  }
0x30e: {  	[tilespmem:s9+$0xF0] =	vst v23;
	v10 =	vmul.f32 v21, v21;
	v23 =	vld [tilespmem:s9+$0x84F0];
	v18 =	vsub.f32 v15, v3;
	v30 =	vadd.f32 v26, v13  }
0x30f: {  	v21 =	vld [tilespmem:s9+$0x80C0];
	[tilespmem:s9+$0x480] =	vst v27;
	v15 =	vmul.f32 v16, v16;
	v27 =	vadd.f32 v16, v28;
	v16 =	vsub.f32 v33, v4  }
0x310: {  	s13 =	simm.s32 $0x200;
	s10 =	simm.s32 $0x100;
	v28 =	vld [tilespmem:s9+$0xC0];
	v13 =	vmul.f32 v18, v18;
	v26 =	vadd.f32 v25, v31;
	v29 =	vadd.f32 v29, v30  }
.LBB2_8:
0x311: {  	s11 =	smov.u32 s13  }
0x312: {  	s12 =	sand.u32 $0x7800, s13;
	s14 =	sand.u32 $0x380, s10;
	v30 =	vmul.f32 v20, v20;
	v31 =	vmul.f32 v16, v16;
	v24 =	vsub.f32 v24, v11;
	v32 =	vld [tilespmem:s9+$0x84E0];
	s11 =	sadd.s32 $0x100, s13  }
0x313: {  	p0 =	sne.s32 s13, $0x7F00;
	s12 =	sor.u32 s14, s12;
	v19 =	vsub.f32 v19, v22;
	v14 =	vadd.f32 v14, v29;
	[tilespmem:s9+$0x490] =	vst v27;
	v27 =	vld [tilespmem:s9+$0x4E0]  }
0x314: {  	v17 =	vmul.f32 v17, v17;
	v12 =	vsub.f32 v12, v23;
	v29 =	vld [tilespmem:s12+$0x84A0];
	[tilespmem:s9+$0xA0] =	vst v26;
	v26 =	vmul.f32 v24, v24  }
0x315: {  	v14 =	vadd.f32 v30, v14;
	v22 =	vadd.f32 v19, v22;
	v30 =	vmul.f32 v19, v19;
	v33 =	vld [tilespmem:s12+$0x490]  }
0x316: {  	v19 =	vmul.f32 v25, v25;
	v25 =	vsub.f32 v28, v21;
	v23 =	vadd.f32 v12, v23;
	v34 =	vld [tilespmem:s12+$0x8490]  }
0x317: {  	v5 =	vadd.f32 v20, v5;
	v14 =	vadd.f32 v17, v14;
	v28 =	vld [tilespmem:s12+$0x480];
	[tilespmem:s9+$0x4D0] =	vst v22  }
0x318: {  	v9 =	vmul.f32 v9, v9;
	v17 =	vadd.f32 v25, v21;
	v21 =	vmul.f32 v25, v25;
	v20 =	vld [tilespmem:s12+$0x8480];
	[tilespmem:s9+$0x4F0] =	vst v23  }
0x319: {  	v18 =	vadd.f32 v18, v3;
	v22 =	vld [tilespmem:s12+$0xF0];
	[tilespmem:s9+$0x80] =	vst v5;
	v5 =	vadd.f32 v19, v14;
	v3 =	vmov v29  }
0x31a: {  	v11 =	vadd.f32 v24, v11;
	v25 =	vsub.f32 v27, v32;
	v14 =	vmul.f32 v12, v12;
	v23 =	vld [tilespmem:s12+$0x80F0];
	[tilespmem:s9+$0xC0] =	vst v17  }
0x31b: {  	v17 =	vld [tilespmem:s12+$0xE0];
	v5 =	vadd.f32 v9, v5;
	[tilespmem:s9+$0x4A0] =	vst v18  }
0x31c: {  	v9 =	vadd.f32 v25, v32;
	v18 =	vld [tilespmem:s12+$0x80E0];
	[tilespmem:s9+$0x4C0] =	vst v11  }
0x31d: {  	v11 =	vld [tilespmem:s12+$0xD0];
	v5 =	vadd.f32 v21, v5  }
0x31e: {  	v21 =	vld [tilespmem:s12+$0xA0];
	[tilespmem:s9+$0x4E0] =	vst v9  }
0x31f: {  	v9 =	vld [tilespmem:s12+$0x80D0];
	v5 =	vadd.f32 v6, v5  }
0x320: {  	v19 =	vld [tilespmem:s12+$0xB0]  }
0x321: {  	v24 =	vld [tilespmem:s12+$0x90];
	v5 =	vadd.f32 v7, v5  }
0x322: {  	v27 =	vld [tilespmem:s12+$0x80B0]  }
0x323: {  	v29 =	vld [tilespmem:s12+$0x8090];
	v5 =	vadd.f32 v8, v5  }
0x324: {  	v32 =	vld [tilespmem:s12+$0x80];
	v6 =	vsub.f32 v11, v9  }
0x325: {  	v4 =	vadd.f32 v16, v4;
	v12 =	vld [tilespmem:s12+$0x4F0];
	v7 =	vadd.f32 v10, v5  }
0x326: {  	v10 =	vsub.f32 v17, v18;
	v5 =	vld [tilespmem:s12+$0x8080];
	v8 =	vadd.f32 v6, v9;
	v6 =	vmul.f32 v6, v6  }
0x327: {  	v35 =	vld [tilespmem:s12+$0x80A0];
	v9 =	vsub.f32 v19, v27;
	v11 =	vadd.f32 v15, v7;
	[tilespmem:s9+$0x4B0] =	vst v4;
	s9 =	smov.u32 s12  }
0x328: {  	v7 =	vmul.f32 v10, v10;
	v15 =	vsub.f32 v22, v23;
	v17 =	vsub.f32 v24, v29;
	[tilespmem:s9+$0xD0] =	vst v8;
	v19 =	vld [tilespmem:s9+$0x4D0]  }
0x329: {  	v10 =	vadd.f32 v10, v18;
	v16 =	vld [tilespmem:s9+$0x4A0];
	v11 =	vadd.f32 v13, v11  }
0x32a: {  	v18 =	vsub.f32 v28, v20;
	v13 =	vadd.f32 v9, v27;
	v8 =	vmul.f32 v15, v15;
	v4 =	vld [tilespmem:s9+$0x84B0]  }
0x32b: {  	v22 =	vadd.f32 v17, v29;
	[tilespmem:s9+$0xE0] =	vst v10;
	v28 =	vld [tilespmem:s9+$0x4B0];
	v27 =	vadd.f32 v31, v11  }
0x32c: {  	v29 =	vsub.f32 v33, v34;
	v10 =	vmul.f32 v18, v18;
	[tilespmem:s9+$0xB0] =	vst v13;
	v13 =	vadd.f32 v15, v23;
	v11 =	vld [tilespmem:s9+$0x84C0]  }
.Ltmp3:
0x32d: {  	v31 =	vmul.f32 v25, v25;
	v23 =	vadd.f32 v18, v20;
	[tilespmem:s9+$0x90] =	vst v22;
	v24 =	vld [tilespmem:s9+$0x4C0];
	v26 =	vadd.f32 v26, v27;
	(pc) =	sbr.rel @p0 .LBB2_8-.Ltmp3, $4  }
0x32e: {  	v25 =	vsub.f32 v21, v35;
	v15 =	vmul.f32 v29, v29;
	[tilespmem:s9+$0xF0] =	vst v13;
	v18 =	vsub.f32 v16, v3;
	v22 =	vld [tilespmem:s9+$0x84D0]  }
0x32f: {  	v20 =	vsub.f32 v32, v5;
	[tilespmem:s9+$0x480] =	vst v23;
	v23 =	vld [tilespmem:s9+$0x84F0];
	v30 =	vadd.f32 v30, v26  }
0x330: {  	v27 =	vadd.f32 v29, v34;
	v21 =	vld [tilespmem:s9+$0x80C0];
	v13 =	vmul.f32 v18, v18;
	v16 =	vsub.f32 v28, v4  }
0x331: {  	s10 =	sadd.s32 $0x80, s10;
	s13 =	smov.u32 s11;
	v26 =	vadd.f32 v25, v35;
	v28 =	vld [tilespmem:s9+$0xC0];
	v29 =	vadd.f32 v31, v30  }
0x332: {  	_ = 	snop  }
0x333: {  	v30 =	vmul.f32 v20, v20;
	v14 =	vadd.f32 v14, v29;
	_ =	sdelay $0x1  }
0x334: {  	v17 =	vmul.f32 v17, v17;
	v14 =	vadd.f32 v30, v14;
	_ =	sdelay $0x1  }
0x335: {  	v25 =	vmul.f32 v25, v25;
	v14 =	vadd.f32 v17, v14;
	_ =	sdelay $0x1  }
0x336: {  	v9 =	vmul.f32 v9, v9;
	v48 =	vsub.f32 v28, v21;
	v14 =	vadd.f32 v25, v14;
	_ =	sdelay $0x1  }
0x337: {  	v49 =	vmul.f32 v48, v48;
	v9 =	vadd.f32 v9, v14;
	_ =	sdelay $0x1  }
0x338: {  	v9 =	vadd.f32 v49, v9;
	_ =	sdelay $0x1  }
0x339: {  	v6 =	vadd.f32 v6, v9;
	_ =	sdelay $0x1  }
0x33a: {  	v6 =	vadd.f32 v7, v6;
	_ =	sdelay $0x1  }
0x33b: {  	v6 =	vadd.f32 v8, v6;
	_ =	sdelay $0x1  }
0x33c: {  	v50 =	vld [tilespmem:s9+$0x84E0];
	v6 =	vadd.f32 v10, v6  }
0x33d: {  	v52 =	vld [tilespmem:s9+$0x4E0];
	v55 =	vsub.f32 v24, v11;
	v5 =	vadd.f32 v20, v5  }
0x33e: {  	[tilespmem:s9+$0x490] =	vst v27;
	v3 =	vadd.f32 v18, v3;
	v6 =	vadd.f32 v15, v6  }
0x33f: {  	v4 =	vadd.f32 v16, v4;
	v51 =	vsub.f32 v19, v22;
	[tilespmem:s9+$0xA0] =	vst v26  }
0x340: {  	v57 =	vmul.f32 v16, v16;
	v53 =	vsub.f32 v12, v23;
	[tilespmem:s9+$0x80] =	vst v5;
	v6 =	vadd.f32 v13, v6  }
0x341: {  	v61 =	vadd.f32 v55, v11;
	[tilespmem:s9+$0x4A0] =	vst v3;
	v54 =	vadd.f32 v51, v22  }
0x342: {  	v59 =	vmul.f32 v55, v55;
	[tilespmem:s9+$0x4B0] =	vst v4;
	v60 =	vsub.f32 v52, v50;
	v6 =	vadd.f32 v57, v6  }
0x343: {  	v56 =	vadd.f32 v53, v23;
	[tilespmem:s9+$0x4C0] =	vst v61  }
0x344: {  	[tilespmem:s9+$0x4D0] =	vst v54;
	v3 =	vadd.f32 v60, v50;
	v8 =	vmul.f32 v51, v51;
	v6 =	vadd.f32 v59, v6  }
0x345: {  	v58 =	vadd.f32 v48, v21;
	[tilespmem:s9+$0x4F0] =	vst v56  }
0x346: {  	[tilespmem:s9+$0x4E0] =	vst v3;
	v3 =	vmul.f32 v60, v60;
	v62 =	vadd.f32 v8, v6  }
0x347: {  	[tilespmem:s9+$0xC0] =	vst v58  }
0x348: {  	v63 =	vmul.f32 v53, v53;
	[hbm4b:s15+s2] =	stream.linear.scatter [tilespmem:s19], [sflag:$0x2], $0x8000, $0x38;
	v3 =	vadd.f32 v3, v62;
	[tilespmem:$0x10100] =	vst v63  }
0x349: {  	_ =	swait.ge [sflag:s18], $0x8000  }
0x34a: {  	s8 =	sadd.s32 $0x1, s8;
	[sflag:s18] =	ssyncset.done $0x0;
	v3 =	vadd.f32 v63, v3  }
0x34b: {  	p0 =	sne.s32 s8, s17;
	[sflag:s18] =	ssyncadd.s32 $0xFFFF8000  }
.Ltmp4:
0x34c: {  	s14 =	simm.s32 $0x10080;
	[tilespmem:$0x10080] =	vst v3;
	(pc) =	sbr.rel @p0 .LBB2_1-.Ltmp4, $4  }
0x34d: {  	[hbm4b:s16+s2] =	stream.linear.scatter [tilespmem:s14], [sflag:$0x2], $0x80, $0x38;
	[tilespmem:$0x10100] =	vst v63  }
0x34e: {  	_ =	swait.ge [sflag:s18], $0x80  }
0x34f: {  	[sflag:s18] =	ssyncset.done $0x0  }
0x350: {  	[sflag:s18] =	ssyncadd.s32 $0xFFFFFF80  }
0x351: {  	_ =	sfence.sel $0x180000  }
0x352: {  	[bflag:$0x0] =	sbarrier.arrive $0xFFFF  }
0x353: {  	_ =	strace $0x90000047  }
0x354: {  	s0 =	stileid.u32;
	[bflag:$0x2] =	sbarrier.arrive $0xFFFF  }
0x355: {  	p0 =	sne.s32 s0, $0x0;
	s0 =	rddreg [dreg:$0x3]  }
0x356: {  	s0 =	sadd.s32 @!p0 $0x100000, s0  }
0x357: {  	[sflag:s0] =	ssyncadd.tile.s32 @!p0 $0x1;
	_ =	shalt  }
.Lfunc_end2:
_tile_overlayer_lowered:
.L_overlay_start_2:
0x358: {  	(tag) =	ssettag $0x2  }
0x359: {  	s0 =	rddreg [dreg:$0x0];
	s2 =	stileid.u32  }
0x35a: {  	s1 =	rddreg [dreg:$0x1];
	p0 =	sne.s32 s2, $0x0  }
0x35b: {  	s3 =	rddreg [dreg:$0x2];
	[bflag:$0x3] =	sbarrier.arrive $0xFFFF;
	s2 =	simm.s32 @!p0 $0x1C02  }
0x35c: {  	[timem:s3], [sflag:s2] =	dma.local @!p0 [hbm:s0], s1  }
0x35d: {  	s0 =	simm.s32 @!p0 $0x2  }
0x35e: {  	_ =	swait.ge @!p0 [sflag:s0], s1  }
0x35f: {  	s1 =	ssub.s32 @!p0 $0x0, s1;
	[sflag:s0] =	ssyncset.done @!p0 $0x0  }
0x360: {  	[sflag:s0] =	ssyncadd.s32 @!p0 s1  }
0x361: {  	[bflag:$0x3] =	sbarrier.arrive $0xFFFF  }
0x362: {  	_ =	shalt  }

</sc_bundles>
